<compile_context>
chip_gen: v7x
topology: tpu7x:2x2x1
jax: 0.10.2.dev20260603
libtpu: 0.0.44.dev20260713+nightly
codegen_flags: <defaults>
</compile_context>

<pallas_src>
import functools

import jax
import jax.numpy as jnp
from jax import lax
from jax.experimental import pallas as pl
from jax.experimental.pallas import tpu as pltpu
from jax.experimental.pallas import tpu_sc as plsc

N_EXP = 8
D = 1024
DFF = 512
N_TOK = 2048
N_PAIR = 2 * N_TOK
BT = 512
G = N_PAIR // BT + N_EXP
P_ROWS = G * BT
CHUNK = 64
N_CHUNK = N_PAIR // CHUNK
NEG = -3.0e38


def _argmax_lanes(v, iota_row):
    m = jnp.max(v, axis=-1, keepdims=True)
    return jnp.min(jnp.where(v == m, iota_row, N_EXP), axis=-1, keepdims=True), m


def _routing_body(x_ref, gw_ref, sim_ref, tri_ref, d_ref, w_ref, bmap_ref,
                  bexp_ref):
    x = x_ref[...]
    gw = gw_ref[...]
    logits = lax.dot_general(x, gw, (((1,), (1,)), ((), ())),
                             preferred_element_type=jnp.float32)
    m = jnp.max(logits, axis=-1, keepdims=True)
    e = jnp.exp(logits - m)
    probs = e / jnp.sum(e, axis=-1, keepdims=True)

    iota_row = lax.broadcasted_iota(jnp.int32, (N_TOK, N_EXP), 1)
    i1, v1 = _argmax_lanes(probs, iota_row)
    oh1 = (iota_row == i1)
    probs2 = jnp.where(oh1, NEG, probs)
    i2, v2 = _argmax_lanes(probs2, iota_row)
    oh2 = (iota_row == i2)
    denom = jnp.maximum(v1 + v2, 1e-12)
    w1 = v1 / denom
    w2 = v2 / denom

    mask_col = jnp.max(oh1.astype(jnp.float32), axis=0, keepdims=True)
    sim = sim_ref[...]
    iota_r8 = lax.broadcasted_iota(jnp.int32, (N_EXP, N_EXP), 1)
    iota_c8 = lax.broadcasted_iota(jnp.int32, (N_EXP, N_EXP), 0)
    eye = (iota_r8 == iota_c8)
    sim_masked = jnp.where(mask_col > 0.5, sim, NEG)
    best_sim = jnp.max(sim_masked, axis=-1, keepdims=True)
    best_j = jnp.min(jnp.where(sim_masked == best_sim, iota_r8, N_EXP),
                     axis=-1, keepdims=True)
    mask_row = jnp.max(jnp.where(eye, jnp.broadcast_to(mask_col, (N_EXP, N_EXP)),
                                 0.0), axis=-1, keepdims=True)
    reroute = (mask_row < 0.5) & (best_sim >= 0.5)
    ident = lax.broadcasted_iota(jnp.int32, (N_EXP, 1), 0)
    emap = jnp.where(reroute, best_j, ident)
    perm = (emap == iota_r8).astype(jnp.float32)

    pre = w1 * oh1.astype(jnp.float32) + w2 * oh2.astype(jnp.float32)
    rw = lax.dot_general(pre, perm, (((1,), (0,)), ((), ())),
                         preferred_element_type=jnp.float32)

    f1, u1 = _argmax_lanes(rw, iota_row)
    ohf1 = (iota_row == f1)
    rwm = jnp.where(ohf1, -1.0, rw)
    f2, u2 = _argmax_lanes(rwm, iota_row)
    ohf2 = (iota_row == f2)

    w_ref[:N_TOK, :] = jnp.broadcast_to(u1, (N_TOK, 16))
    w_ref[N_TOK:, :] = jnp.broadcast_to(u2, (N_TOK, 16))

    TB = 256
    n_blk = N_PAIR // TB
    tri = tri_ref[...]
    o_blks, c_blks, carries = [], [], []
    car = jnp.zeros((1, N_EXP), jnp.float32)
    for b in range(n_blk):
        if b < n_blk // 2:
            o_blk = ohf1[b * TB:(b + 1) * TB, :].astype(jnp.float32)
        else:
            o_blk = ohf2[(b - n_blk // 2) * TB:(b - n_blk // 2 + 1) * TB,
                         :].astype(jnp.float32)
        c = lax.dot_general(tri, o_blk, (((1,), (0,)), ((), ())),
                            preferred_element_type=jnp.float32)
        o_blks.append(o_blk)
        c_blks.append(c)
        carries.append(car)
        car = car + c[TB - 1:TB, :]

    counts = car
    nb = jnp.floor((counts + float(BT - 1)) * (1.0 / BT))
    iota_u8 = lax.broadcasted_iota(jnp.int32, (N_EXP, N_EXP), 0)
    u8 = (iota_u8 < iota_r8).astype(jnp.float32)
    excl = lax.dot_general(nb, u8, (((1,), (0,)), ((), ())),
                           preferred_element_type=jnp.float32)
    pad_base = excl * float(BT)
    total = jnp.sum(nb)
    cumnext = excl + nb

    for b in range(n_blk):
        inc = c_blks[b] + carries[b]
        rank = jnp.sum(inc * o_blks[b], axis=-1, keepdims=True) - 1.0
        pb = jnp.sum(pad_base * o_blks[b], axis=-1, keepdims=True)
        d_ref[b * TB:(b + 1) * TB, :] = (pb + rank).astype(jnp.int32)

    gcol = lax.broadcasted_iota(jnp.int32, (G, 1), 0).astype(jnp.float32)
    bmapf = jnp.minimum(gcol, total - 1.0)
    bexp = jnp.sum((jnp.broadcast_to(cumnext, (G, N_EXP)) <= bmapf)
                   .astype(jnp.int32), axis=-1, keepdims=True)
    bmap_ref[...] = bmapf.astype(jnp.int32)
    bexp_ref[...] = bexp


def _routing(x, gate_weight, sim, tri):
    return pl.pallas_call(
        _routing_body,
        out_shape=(
            jax.ShapeDtypeStruct((N_PAIR, 1), jnp.int32),
            jax.ShapeDtypeStruct((N_PAIR, 16), jnp.float32),
            jax.ShapeDtypeStruct((G, 1), jnp.int32),
            jax.ShapeDtypeStruct((G, 1), jnp.int32),
        ),
        in_specs=[
            pl.BlockSpec((N_TOK, D), lambda: (0, 0)),
            pl.BlockSpec((N_EXP, D), lambda: (0, 0)),
            pl.BlockSpec((N_EXP, N_EXP), lambda: (0, 0)),
            pl.BlockSpec((256, 256), lambda: (0, 0)),
        ],
        out_specs=(
            pl.BlockSpec((N_PAIR, 1), lambda: (0, 0)),
            pl.BlockSpec((N_PAIR, 16), lambda: (0, 0)),
            pl.BlockSpec((G, 1), lambda: (0, 0)),
            pl.BlockSpec((G, 1), lambda: (0, 0)),
        ),
    )(x, gate_weight, sim, tri)



_NC = 2
_NS = 16
_NW = _NC * _NS


def _sc_scatter_body(x_hbm, dmat_hbm, xs_hbm, idx0_v, idx1_v, rows0_v,
                     rsem, ssem):
    wid = lax.axis_index("s") * _NC + lax.axis_index("c")
    t0 = wid * CHUNK
    c0 = pltpu.async_copy(dmat_hbm.at[wid], idx0_v, rsem)
    c1 = pltpu.async_copy(dmat_hbm.at[wid + _NW], idx1_v, rsem)
    rows_cp = pltpu.async_copy(x_hbm.at[pl.ds(t0, CHUNK)], rows0_v, rsem)
    c0.wait()
    c1.wait()
    rows_cp.wait()
    sc0 = pltpu.async_copy(rows0_v, xs_hbm.at[idx0_v], ssem)
    sc1 = pltpu.async_copy(rows0_v, xs_hbm.at[idx1_v], ssem)
    sc0.wait()
    sc1.wait()


def _sc_scatter(x, d_mat):
    mesh = plsc.VectorSubcoreMesh(core_axis_name="c", subcore_axis_name="s", num_cores=_NC, num_subcores=_NS)
    f = pl.kernel(
        _sc_scatter_body,
        out_type=jax.ShapeDtypeStruct((P_ROWS, D), jnp.float32),
        mesh=mesh,
        scratch_types=[
            pltpu.VMEM((CHUNK,), jnp.int32),
            pltpu.VMEM((CHUNK,), jnp.int32),
            pltpu.VMEM((CHUNK, D), jnp.float32),
            pltpu.SemaphoreType.DMA,
            pltpu.SemaphoreType.DMA,
        ],
    )
    return f(x, d_mat)



def _gemm_body(bmap_ref, bexp_ref, xs_ref, gup_ref, down_ref, y_ref):
    g = pl.program_id(0)

    @pl.when(bmap_ref[g, 0] == g)
    def _():
        xs = xs_ref[...]
        gu = lax.dot_general(xs, gup_ref[0], (((1,), (1,)), ((), ())),
                             preferred_element_type=jnp.float32)
        gate = gu[:, :DFF]
        up = gu[:, DFF:]
        h = gate * jax.nn.sigmoid(gate) * up
        y_ref[...] = lax.dot_general(h, down_ref[0], (((1,), (1,)), ((), ())),
                                     preferred_element_type=jnp.float32)


def _ragged_gemm(bmap, bexp, xs, gate_up_proj, down_proj):
    grid_spec = pltpu.PrefetchScalarGridSpec(
        num_scalar_prefetch=2,
        grid=(G,),
        in_specs=[
            pl.BlockSpec((BT, D), lambda g, bm, be: (bm[g, 0], 0)),
            pl.BlockSpec((1, 2 * DFF, D), lambda g, bm, be: (be[g, 0], 0, 0)),
            pl.BlockSpec((1, D, DFF), lambda g, bm, be: (be[g, 0], 0, 0)),
        ],
        out_specs=pl.BlockSpec((BT, D), lambda g, bm, be: (bm[g, 0], 0)),
    )
    return pl.pallas_call(
        _gemm_body,
        grid_spec=grid_spec,
        out_shape=jax.ShapeDtypeStruct((P_ROWS, D), jnp.float32),
    )(bmap, bexp, xs, gate_up_proj, down_proj)



_TSUB = 16


_N_SUB = CHUNK // _TSUB


def _sc_combine_body(y_hbm, dmat_hbm, ws_hbm, out_hbm,
                     i0all, i1all, w0all, w1all,
                     aa, ab, ba, bb, oa, ob,
                     lsem, gsa, gsb, osa, osb):
    wid = lax.axis_index("s") * _NC + lax.axis_index("c")
    av = (aa, ab)
    bv = (ba, bb)
    ov = (oa, ob)
    gsem = (gsa, gsb)
    osem = (osa, osb)

    row_base = wid * CHUNK
    hoist = (
        pltpu.async_copy(dmat_hbm.at[wid], i0all, lsem),
        pltpu.async_copy(dmat_hbm.at[wid + _NW], i1all, lsem),
        pltpu.async_copy(ws_hbm.at[pl.ds(row_base, CHUNK)], w0all, lsem),
        pltpu.async_copy(ws_hbm.at[pl.ds(N_TOK + row_base, CHUNK)], w1all,
                         lsem),
    )
    for cp in hoist:
        cp.wait()

    def issue(s, bi):
        col = s * _TSUB
        ca = pltpu.async_copy(y_hbm.at[i0all[pl.ds(col, _TSUB)]], av[bi],
                              gsem[bi])
        cb = pltpu.async_copy(y_hbm.at[i1all[pl.ds(col, _TSUB)]], bv[bi],
                              gsem[bi])
        return ca, cb

    pend = issue(0, 0)
    out_pend = [None, None]
    for s in range(_N_SUB):
        bi = s % 2
        col = s * _TSUB
        pend[0].wait()
        pend[1].wait()
        if s + 1 < _N_SUB:
            pend = issue(s + 1, 1 - bi)
        if out_pend[bi] is not None:
            out_pend[bi].wait()

        def row(r, _, bi=bi, col=col):
            s0 = w0all[col + r, :]
            s1 = w1all[col + r, :]

            @plsc.parallel_loop(0, D, step=16, unroll=8)
            def _(jj):
                ov[bi][r, pl.ds(jj, 16)] = (
                    s0 * av[bi][r, pl.ds(jj, 16)]
                    + s1 * bv[bi][r, pl.ds(jj, 16)])

            return 0

        lax.fori_loop(0, _TSUB, row, 0)
        out_pend[bi] = pltpu.async_copy(
            ov[bi], out_hbm.at[pl.ds(row_base + col, _TSUB)], osem[bi])
    for cp in out_pend:
        if cp is not None:
            cp.wait()


def _sc_combine(y, d_mat, w_splat):
    mesh = plsc.VectorSubcoreMesh(core_axis_name="c", subcore_axis_name="s", num_cores=_NC, num_subcores=_NS)
    f = pl.kernel(
        _sc_combine_body,
        out_type=jax.ShapeDtypeStruct((N_TOK, D), jnp.float32),
        mesh=mesh,
        scratch_types=(
            [pltpu.VMEM((CHUNK,), jnp.int32)] * 2
            + [pltpu.VMEM((CHUNK, 16), jnp.float32)] * 2
            + [pltpu.VMEM((_TSUB, D), jnp.float32)] * 6
            + [pltpu.SemaphoreType.DMA] * 5
        ),
    )
    return f(y, d_mat, w_splat)


def kernel(hidden_states, gate_weight, gate_up_proj, down_proj, similarity_matrix):
    B, S, Dm = hidden_states.shape
    x = hidden_states.reshape(-1, Dm)
    tri = jnp.tril(jnp.ones((256, 256), jnp.float32))
    d, w_splat, bmap, bexp = _routing(x, gate_weight, similarity_matrix, tri)
    d_mat = d.reshape(N_CHUNK, CHUNK)
    xs = _sc_scatter(x, d_mat)
    y = _ragged_gemm(bmap, bexp, xs, gate_up_proj, down_proj)
    out = _sc_combine(y, d_mat, w_splat)
    return out.reshape(B, S, Dm)

# --- scband reference (transcript-rebuilt; emitter-appended) ---
"""Pipeline reference for scband-sereskipped-qwen3-moe-sparse-moe-block-87935160418449 (READ-ONLY COPY).

The authoritative reference and input builder live on the scoring server;
editing this copy changes nothing except your own understanding.
"""

import jax, jax.numpy as jnp
import numpy as np

NUM_EXPERTS = 8
TOP_K = 2
SELECT_TOP_K = 1
THRESHOLD = 0.5
D_MODEL = 1024
D_FF = 512
NORM_TOPK = True


def setup_inputs(seed: int = 0) -> dict:
    key = jax.random.key(seed)
    k1, k2, k3, k4, k5 = jax.random.split(key, 5)
    hidden_states = jax.random.normal(k1, (1, 2048, D_MODEL), dtype=jnp.float32)
    gate_weight = jax.random.normal(k2, (NUM_EXPERTS, D_MODEL), dtype=jnp.float32) * 0.02
    gate_up_proj = jax.random.normal(k3, (NUM_EXPERTS, 2 * D_FF, D_MODEL), dtype=jnp.float32) * 0.02
    down_proj = jax.random.normal(k4, (NUM_EXPERTS, D_MODEL, D_FF), dtype=jnp.float32) * 0.02
    sim = jax.random.uniform(k5, (NUM_EXPERTS, NUM_EXPERTS), dtype=jnp.float32)
    sim = 0.5 * (sim + sim.T)
    sim = sim.at[jnp.arange(NUM_EXPERTS), jnp.arange(NUM_EXPERTS)].set(1.0)
    return {"hidden_states": hidden_states, "gate_weight": gate_weight,
            "gate_up_proj": gate_up_proj, "down_proj": down_proj,
            "similarity_matrix": sim}


def _sere_reroute(router_indices, routing_weights, similarity_matrix):
    N, K = router_indices.shape
    E = NUM_EXPERTS
    # primary = unique experts selected in top-S slots -> boolean membership mask
    primary_mask = jnp.zeros((E,), dtype=bool).at[router_indices[:, :SELECT_TOP_K].reshape(-1)].set(True)
    sim = similarity_matrix.astype(jnp.float32)
    # for every expert, best primary expert by similarity (non-primary columns masked out)
    sim_masked = jnp.where(primary_mask[None, :], sim, -jnp.inf)
    best_sim = jnp.max(sim_masked, axis=-1)
    best_j = jnp.argmax(sim_masked, axis=-1)
    ident = jnp.arange(E)
    reroute = (~primary_mask) & (best_sim >= THRESHOLD)
    expert_map = jnp.where(reroute, best_j, ident)
    rerouted_indices = expert_map[router_indices]
    rerouted_weights = jnp.zeros((N, E), dtype=routing_weights.dtype)
    rerouted_weights = rerouted_weights.at[jnp.arange(N)[:, None], rerouted_indices].add(routing_weights)
    final_weights, final_indices = jax.lax.top_k(rerouted_weights, K)
    final_indices = jnp.where(final_weights == 0, -1, final_indices)
    return final_indices, final_weights


def reference(hidden_states, gate_weight, gate_up_proj, down_proj, similarity_matrix):
    B, S, D = hidden_states.shape
    x = hidden_states.reshape(-1, D)
    router_logits = x @ gate_weight.T
    router_probs = jax.nn.softmax(router_logits.astype(jnp.float32), axis=-1).astype(router_logits.dtype)
    router_top_value, router_indices = jax.lax.top_k(router_probs, TOP_K)
    if NORM_TOPK:
        denom = jnp.maximum(jnp.sum(router_top_value, axis=-1, keepdims=True), 1e-12)
        router_top_value = (router_top_value / denom).astype(router_probs.dtype)
    final_indices, final_weights = _sere_reroute(router_indices, router_top_value, similarity_matrix)
    out = jnp.zeros_like(x)
    for e in range(NUM_EXPERTS):
        # dense-mask equivalent of torch.where token gathering: weight is 0 for unrouted tokens
        w_e = jnp.sum(jnp.where(final_indices == e, final_weights, 0.0), axis=-1)
        gu = x @ gate_up_proj[e].T
        gate, up = jnp.split(gu, 2, axis=-1)
        h = jax.nn.silu(gate) * up
        h = h @ down_proj[e].T
        out = out + w_e[:, None].astype(out.dtype) * h
    return out.reshape(B, S, D)

if __name__ == "__main__":
    import jax
    _d = setup_inputs()
    print(jax.jit(kernel)(*tuple(_d.values())))

</pallas_src>

<mosaic_0001>
#map = affine_map<(d0, d1) -> (0, 0)>
module attributes {stable_mosaic.version = 14 : i64} {
  func.func @_sc_combine_body(%arg0: i32, %arg1: i32, %arg2: memref<8192x1024xf32, #tpu.memory_space<hbm>>, %arg3: memref<64x64xi32, #tpu.memory_space<hbm>>, %arg4: memref<4096x16xf32, #tpu.memory_space<hbm>>, %arg5: memref<2048x1024xf32, #tpu.memory_space<hbm>>, %arg6: memref<64xi32, #tpu.memory_space<vmem>>, %arg7: memref<64xi32, #tpu.memory_space<vmem>>, %arg8: memref<64x16xf32, #tpu.memory_space<vmem>>, %arg9: memref<64x16xf32, #tpu.memory_space<vmem>>, %arg10: memref<16x1024xf32, #tpu.memory_space<vmem>>, %arg11: memref<16x1024xf32, #tpu.memory_space<vmem>>, %arg12: memref<16x1024xf32, #tpu.memory_space<vmem>>, %arg13: memref<16x1024xf32, #tpu.memory_space<vmem>>, %arg14: memref<16x1024xf32, #tpu.memory_space<vmem>>, %arg15: memref<16x1024xf32, #tpu.memory_space<vmem>>, %arg16: memref<!tpu.dma_semaphore, #tpu.memory_space<semaphore_mem>>, %arg17: memref<!tpu.dma_semaphore, #tpu.memory_space<semaphore_mem>>, %arg18: memref<!tpu.dma_semaphore, #tpu.memory_space<semaphore_mem>>, %arg19: memref<!tpu.dma_semaphore, #tpu.memory_space<semaphore_mem>>, %arg20: memref<!tpu.dma_semaphore, #tpu.memory_space<semaphore_mem>>) attributes {dimension_semantics = [#tpu.dimension_semantics<core_parallel>, #tpu.dimension_semantics<subcore_parallel>], iteration_bounds = array<i64: 2, 16>, scalar_prefetch = 0 : i64, scratch_operands = 15 : i64, tpu.core_type = #tpu.core_type<sc_vector_subcore>, window_params = [{transform_indices = #map}, {transform_indices = #map}, {transform_indices = #map}, {transform_indices = #map}]} {
    %mul3A = arith.constant 2 : i32
    %mul3A_0 = arith.muli %arg1, %mul3A : i32
    %add3A = arith.addi %mul3A_0, %arg0 : i32
    %mul3A_1 = arith.constant 64 : i32
    %mul3A_2 = arith.muli %add3A, %mul3A_1 : i32
    %dma_start3A = arith.constant 0 : i32
    %dma_start3A_3 = tpu.memref_slice %arg3[%add3A, %dma_start3A] : memref<64x64xi32, #tpu.memory_space<hbm>> -> memref<1x64xi32, #tpu.memory_space<hbm>>
    %dma_start3A_4 = tpu.memref_squeeze %dma_start3A_3 : memref<1x64xi32, #tpu.memory_space<hbm>> -> memref<64xi32, #tpu.memory_space<hbm>>
    %dma_start3A_5 = arith.constant 0 : i32
    %dma_start3A_6 = tpu.memref_slice %arg3[%add3A, %dma_start3A_5] : memref<64x64xi32, #tpu.memory_space<hbm>> -> memref<1x64xi32, #tpu.memory_space<hbm>>
    %dma_start3A_7 = tpu.memref_squeeze %dma_start3A_6 : memref<1x64xi32, #tpu.memory_space<hbm>> -> memref<64xi32, #tpu.memory_space<hbm>>
    tpu.enqueue_dma source(%dma_start3A_7 : memref<64xi32, #tpu.memory_space<hbm>>) target(%arg6 : memref<64xi32, #tpu.memory_space<vmem>>) target_semaphore(%arg16 : memref<!tpu.dma_semaphore, #tpu.memory_space<semaphore_mem>>)
    %add3A_8 = arith.constant 32 : i32
    %add3A_9 = arith.addi %add3A, %add3A_8 : i32
    %dma_start3A_10 = arith.constant 0 : i32
    %dma_start3A_11 = tpu.memref_slice %arg3[%add3A_9, %dma_start3A_10] : memref<64x64xi32, #tpu.memory_space<hbm>> -> memref<1x64xi32, #tpu.memory_space<hbm>>
    %dma_start3A_12 = tpu.memref_squeeze %dma_start3A_11 : memref<1x64xi32, #tpu.memory_space<hbm>> -> memref<64xi32, #tpu.memory_space<hbm>>
    %dma_start3A_13 = arith.constant 0 : i32
    %dma_start3A_14 = tpu.memref_slice %arg3[%add3A_9, %dma_start3A_13] : memref<64x64xi32, #tpu.memory_space<hbm>> -> memref<1x64xi32, #tpu.memory_space<hbm>>
    %dma_start3A_15 = tpu.memref_squeeze %dma_start3A_14 : memref<1x64xi32, #tpu.memory_space<hbm>> -> memref<64xi32, #tpu.memory_space<hbm>>
    tpu.enqueue_dma source(%dma_start3A_15 : memref<64xi32, #tpu.memory_space<hbm>>) target(%arg7 : memref<64xi32, #tpu.memory_space<vmem>>) target_semaphore(%arg16 : memref<!tpu.dma_semaphore, #tpu.memory_space<semaphore_mem>>)
    %dma_start3A_16 = arith.constant 0 : i32
    %dma_start3A_17 = tpu.memref_slice %arg4[%mul3A_2, %dma_start3A_16] : memref<4096x16xf32, #tpu.memory_space<hbm>> -> memref<64x16xf32, #tpu.memory_space<hbm>>
    %dma_start3A_18 = arith.constant 0 : i32
    %dma_start3A_19 = tpu.memref_slice %arg4[%mul3A_2, %dma_start3A_18] : memref<4096x16xf32, #tpu.memory_space<hbm>> -> memref<64x16xf32, #tpu.memory_space<hbm>>
    tpu.enqueue_dma source(%dma_start3A_19 : memref<64x16xf32, #tpu.memory_space<hbm>>) target(%arg8 : memref<64x16xf32, #tpu.memory_space<vmem>>) target_semaphore(%arg16 : memref<!tpu.dma_semaphore, #tpu.memory_space<semaphore_mem>>)
    %add3A_20 = arith.constant 2048 : i32
    %add3A_21 = arith.addi %add3A_20, %mul3A_2 : i32
    %dma_start3A_22 = arith.constant 0 : i32
    %dma_start3A_23 = tpu.memref_slice %arg4[%add3A_21, %dma_start3A_22] : memref<4096x16xf32, #tpu.memory_space<hbm>> -> memref<64x16xf32, #tpu.memory_space<hbm>>
    %dma_start3A_24 = arith.constant 0 : i32
    %dma_start3A_25 = tpu.memref_slice %arg4[%add3A_21, %dma_start3A_24] : memref<4096x16xf32, #tpu.memory_space<hbm>> -> memref<64x16xf32, #tpu.memory_space<hbm>>
    tpu.enqueue_dma source(%dma_start3A_25 : memref<64x16xf32, #tpu.memory_space<hbm>>) target(%arg9 : memref<64x16xf32, #tpu.memory_space<vmem>>) target_semaphore(%arg16 : memref<!tpu.dma_semaphore, #tpu.memory_space<semaphore_mem>>)
    %dma_wait3A = arith.constant 0 : i32
    %dma_wait3A_26 = tpu.memref_slice %arg3[%add3A, %dma_wait3A] : memref<64x64xi32, #tpu.memory_space<hbm>> -> memref<1x64xi32, #tpu.memory_space<hbm>>
    %dma_wait3A_27 = tpu.memref_squeeze %dma_wait3A_26 : memref<1x64xi32, #tpu.memory_space<hbm>> -> memref<64xi32, #tpu.memory_space<hbm>>
    %dma_wait3A_28 = arith.constant 0 : i32
    %dma_wait3A_29 = tpu.memref_slice %arg3[%add3A, %dma_wait3A_28] : memref<64x64xi32, #tpu.memory_space<hbm>> -> memref<1x64xi32, #tpu.memory_space<hbm>>
    %dma_wait3A_30 = tpu.memref_squeeze %dma_wait3A_29 : memref<1x64xi32, #tpu.memory_space<hbm>> -> memref<64xi32, #tpu.memory_space<hbm>>
    tpu.wait_dma2 semaphore(%arg16 : memref<!tpu.dma_semaphore, #tpu.memory_space<semaphore_mem>>) src(%dma_wait3A_30 : memref<64xi32, #tpu.memory_space<hbm>>) dst(%arg6 : memref<64xi32, #tpu.memory_space<vmem>>)
    %dma_wait3A_31 = arith.constant 0 : i32
    %dma_wait3A_32 = tpu.memref_slice %arg3[%add3A_9, %dma_wait3A_31] : memref<64x64xi32, #tpu.memory_space<hbm>> -> memref<1x64xi32, #tpu.memory_space<hbm>>
    %dma_wait3A_33 = tpu.memref_squeeze %dma_wait3A_32 : memref<1x64xi32, #tpu.memory_space<hbm>> -> memref<64xi32, #tpu.memory_space<hbm>>
    %dma_wait3A_34 = arith.constant 0 : i32
    %dma_wait3A_35 = tpu.memref_slice %arg3[%add3A_9, %dma_wait3A_34] : memref<64x64xi32, #tpu.memory_space<hbm>> -> memref<1x64xi32, #tpu.memory_space<hbm>>
    %dma_wait3A_36 = tpu.memref_squeeze %dma_wait3A_35 : memref<1x64xi32, #tpu.memory_space<hbm>> -> memref<64xi32, #tpu.memory_space<hbm>>
    tpu.wait_dma2 semaphore(%arg16 : memref<!tpu.dma_semaphore, #tpu.memory_space<semaphore_mem>>) src(%dma_wait3A_36 : memref<64xi32, #tpu.memory_space<hbm>>) dst(%arg7 : memref<64xi32, #tpu.memory_space<vmem>>)
    %dma_wait3A_37 = arith.constant 0 : i32
    %dma_wait3A_38 = tpu.memref_slice %arg4[%mul3A_2, %dma_wait3A_37] : memref<4096x16xf32, #tpu.memory_space<hbm>> -> memref<64x16xf32, #tpu.memory_space<hbm>>
    %dma_wait3A_39 = arith.constant 0 : i32
    %dma_wait3A_40 = tpu.memref_slice %arg4[%mul3A_2, %dma_wait3A_39] : memref<4096x16xf32, #tpu.memory_space<hbm>> -> memref<64x16xf32, #tpu.memory_space<hbm>>
    tpu.wait_dma2 semaphore(%arg16 : memref<!tpu.dma_semaphore, #tpu.memory_space<semaphore_mem>>) src(%dma_wait3A_40 : memref<64x16xf32, #tpu.memory_space<hbm>>) dst(%arg8 : memref<64x16xf32, #tpu.memory_space<vmem>>)
    %dma_wait3A_41 = arith.constant 0 : i32
    %dma_wait3A_42 = tpu.memref_slice %arg4[%add3A_21, %dma_wait3A_41] : memref<4096x16xf32, #tpu.memory_space<hbm>> -> memref<64x16xf32, #tpu.memory_space<hbm>>
    %dma_wait3A_43 = arith.constant 0 : i32
    %dma_wait3A_44 = tpu.memref_slice %arg4[%add3A_21, %dma_wait3A_43] : memref<4096x16xf32, #tpu.memory_space<hbm>> -> memref<64x16xf32, #tpu.memory_space<hbm>>
    tpu.wait_dma2 semaphore(%arg16 : memref<!tpu.dma_semaphore, #tpu.memory_space<semaphore_mem>>) src(%dma_wait3A_44 : memref<64x16xf32, #tpu.memory_space<hbm>>) dst(%arg9 : memref<64x16xf32, #tpu.memory_space<vmem>>)
    %get3A = arith.constant 0 : index
    %get3A_45 = tpu.vector_load %arg6[%get3A] {strides = array<i32>} : memref<64xi32, #tpu.memory_space<vmem>>, vector<16xi32>,
    %get3A_46 = vector.shape_cast %get3A_45 : vector<16xi32> to vector<16xi32>
    %dma_start3A_47 = arith.constant 0 : i32
    %dma_start3A_48 = arith.constant 0 : i32
    %dma_start3A_49 = tpu.memref_slice %arg2[%dma_start3A_47, %dma_start3A_48] : memref<8192x1024xf32, #tpu.memory_space<hbm>> -> memref<8192x1024xf32, #tpu.memory_space<hbm>>
    tpu.enqueue_indirect_dma source(%dma_start3A_49 : memref<8192x1024xf32, #tpu.memory_space<hbm>>) target(%arg10 : memref<16x1024xf32, #tpu.memory_space<vmem>>) offsets(%get3A_46 : vector<16xi32>) semaphore(%arg17 : memref<!tpu.dma_semaphore, #tpu.memory_space<semaphore_mem>>)
    %get3A_50 = arith.constant 0 : index
    %get3A_51 = tpu.vector_load %arg7[%get3A_50] {strides = array<i32>} : memref<64xi32, #tpu.memory_space<vmem>>, vector<16xi32>,
    %get3A_52 = vector.shape_cast %get3A_51 : vector<16xi32> to vector<16xi32>
    %dma_start3A_53 = arith.constant 0 : i32
    %dma_start3A_54 = arith.constant 0 : i32
    %dma_start3A_55 = tpu.memref_slice %arg2[%dma_start3A_53, %dma_start3A_54] : memref<8192x1024xf32, #tpu.memory_space<hbm>> -> memref<8192x1024xf32, #tpu.memory_space<hbm>>
    tpu.enqueue_indirect_dma source(%dma_start3A_55 : memref<8192x1024xf32, #tpu.memory_space<hbm>>) target(%arg12 : memref<16x1024xf32, #tpu.memory_space<vmem>>) offsets(%get3A_52 : vector<16xi32>) semaphore(%arg17 : memref<!tpu.dma_semaphore, #tpu.memory_space<semaphore_mem>>)
    %dma_wait3A_56 = arith.constant 0 : i32
    %dma_wait3A_57 = arith.constant 0 : i32
    %dma_wait3A_58 = tpu.memref_slice %arg2[%dma_wait3A_56, %dma_wait3A_57] : memref<8192x1024xf32, #tpu.memory_space<hbm>> -> memref<8192x1024xf32, #tpu.memory_space<hbm>>
    tpu.wait_indirect_dma semaphore(%arg17 : memref<!tpu.dma_semaphore, #tpu.memory_space<semaphore_mem>>) src(%dma_wait3A_58 : memref<8192x1024xf32, #tpu.memory_space<hbm>>) dst(%arg10 : memref<16x1024xf32, #tpu.memory_space<vmem>>)
    %dma_wait3A_59 = arith.constant 0 : i32
    %dma_wait3A_60 = arith.constant 0 : i32
    %dma_wait3A_61 = tpu.memref_slice %arg2[%dma_wait3A_59, %dma_wait3A_60] : memref<8192x1024xf32, #tpu.memory_space<hbm>> -> memref<8192x1024xf32, #tpu.memory_space<hbm>>
    tpu.wait_indirect_dma semaphore(%arg17 : memref<!tpu.dma_semaphore, #tpu.memory_space<semaphore_mem>>) src(%dma_wait3A_61 : memref<8192x1024xf32, #tpu.memory_space<hbm>>) dst(%arg12 : memref<16x1024xf32, #tpu.memory_space<vmem>>)
    %get3A_62 = arith.constant 16 : index
    %get3A_63 = tpu.vector_load %arg6[%get3A_62] {strides = array<i32>} : memref<64xi32, #tpu.memory_space<vmem>>, vector<16xi32>,
    %get3A_64 = vector.shape_cast %get3A_63 : vector<16xi32> to vector<16xi32>
    %dma_start3A_65 = arith.constant 0 : i32
    %dma_start3A_66 = arith.constant 0 : i32
    %dma_start3A_67 = tpu.memref_slice %arg2[%dma_start3A_65, %dma_start3A_66] : memref<8192x1024xf32, #tpu.memory_space<hbm>> -> memref<8192x1024xf32, #tpu.memory_space<hbm>>
    tpu.enqueue_indirect_dma source(%dma_start3A_67 : memref<8192x1024xf32, #tpu.memory_space<hbm>>) target(%arg11 : memref<16x1024xf32, #tpu.memory_space<vmem>>) offsets(%get3A_64 : vector<16xi32>) semaphore(%arg18 : memref<!tpu.dma_semaphore, #tpu.memory_space<semaphore_mem>>)
    %get3A_68 = arith.constant 16 : index
    %get3A_69 = tpu.vector_load %arg7[%get3A_68] {strides = array<i32>} : memref<64xi32, #tpu.memory_space<vmem>>, vector<16xi32>,
    %get3A_70 = vector.shape_cast %get3A_69 : vector<16xi32> to vector<16xi32>
    %dma_start3A_71 = arith.constant 0 : i32
    %dma_start3A_72 = arith.constant 0 : i32
    %dma_start3A_73 = tpu.memref_slice %arg2[%dma_start3A_71, %dma_start3A_72] : memref<8192x1024xf32, #tpu.memory_space<hbm>> -> memref<8192x1024xf32, #tpu.memory_space<hbm>>
    tpu.enqueue_indirect_dma source(%dma_start3A_73 : memref<8192x1024xf32, #tpu.memory_space<hbm>>) target(%arg13 : memref<16x1024xf32, #tpu.memory_space<vmem>>) offsets(%get3A_70 : vector<16xi32>) semaphore(%arg18 : memref<!tpu.dma_semaphore, #tpu.memory_space<semaphore_mem>>)
    %scan3A = arith.constant 0 : i32
    %scan3A_74 = arith.constant 0 : i32
    %scan3A_75 = arith.constant 16 : i32
    %scan3A_76 = arith.addi %scan3A_74, %scan3A_75 : i32
    %scan3A_77 = arith.constant 1 : i32
    %scan3A_78 = scf.for %scan3A_183 = %scan3A_74 to %scan3A_76 step %scan3A_77 iter_args(%scan3A_184 = %scan3A) -> (i32)  : i32 {
      %add3A_185 = arith.constant 0 : i32
      %add3A_186 = arith.addi %add3A_185, %scan3A_183 : i32
      %get3A_187 = arith.index_cast %add3A_186 : i32 to index
      %get3A_188 = arith.constant 0 : index
      %get3A_189 = tpu.vector_load %arg8[%get3A_187, %get3A_188] {strides = array<i32>} : memref<64x16xf32, #tpu.memory_space<vmem>>, vector<1x16xf32>,
      %get3A_190 = vector.shape_cast %get3A_189 : vector<1x16xf32> to vector<16xf32>
      %add3A_191 = arith.constant 0 : i32
      %add3A_192 = arith.addi %add3A_191, %scan3A_183 : i32
      %get3A_193 = arith.index_cast %add3A_192 : i32 to index
      %get3A_194 = arith.constant 0 : index
      %get3A_195 = tpu.vector_load %arg9[%get3A_193, %get3A_194] {strides = array<i32>} : memref<64x16xf32, #tpu.memory_space<vmem>>, vector<1x16xf32>,
      %get3A_196 = vector.shape_cast %get3A_195 : vector<1x16xf32> to vector<16xf32>
      %parallel_loop3A = arith.constant 0 : i32
      %parallel_loop3A_197 = arith.constant 1024 : i32
      %parallel_loop3A_198 = arith.constant 16 : i32
      scf.for %parallel_loop3A_200 = %parallel_loop3A to %parallel_loop3A_197 step %parallel_loop3A_198  : i32 {
        %parallel_loop3A_201 = arith.index_cast %scan3A_183 : i32 to index
        %parallel_loop3A_202 = arith.index_cast %parallel_loop3A_200 : i32 to index
        %parallel_loop3A_203 = tpu.vector_load %arg10[%parallel_loop3A_201, %parallel_loop3A_202] {strides = array<i32>} : memref<16x1024xf32, #tpu.memory_space<vmem>>, vector<1x16xf32>,
        %parallel_loop3A_204 = vector.shape_cast %parallel_loop3A_203 : vector<1x16xf32> to vector<16xf32>
        %parallel_loop3A_205 = arith.mulf %get3A_190, %parallel_loop3A_204 : vector<16xf32>
        %parallel_loop3A_206 = arith.index_cast %scan3A_183 : i32 to index
        %parallel_loop3A_207 = arith.index_cast %parallel_loop3A_200 : i32 to index
        %parallel_loop3A_208 = tpu.vector_load %arg12[%parallel_loop3A_206, %parallel_loop3A_207] {strides = array<i32>} : memref<16x1024xf32, #tpu.memory_space<vmem>>, vector<1x16xf32>,
        %parallel_loop3A_209 = vector.shape_cast %parallel_loop3A_208 : vector<1x16xf32> to vector<16xf32>
        %parallel_loop3A_210 = arith.mulf %get3A_196, %parallel_loop3A_209 : vector<16xf32>
        %parallel_loop3A_211 = arith.addf %parallel_loop3A_205, %parallel_loop3A_210 : vector<16xf32>
        %parallel_loop3A_212 = arith.index_cast %scan3A_183 : i32 to index
        %parallel_loop3A_213 = arith.index_cast %parallel_loop3A_200 : i32 to index
        %parallel_loop3A_214 = tpu.vector_load %arg14[%parallel_loop3A_212, %parallel_loop3A_213] {strides = array<i32>} : memref<16x1024xf32, #tpu.memory_space<vmem>>, vector<1x16xf32>,
        %parallel_loop3A_215 = vector.shape_cast %parallel_loop3A_214 : vector<1x16xf32> to vector<16xf32>
        %parallel_loop3A_216 = vector.shape_cast %parallel_loop3A_211 : vector<16xf32> to vector<1x16xf32>
        tpu.vector_store %arg14[%parallel_loop3A_212, %parallel_loop3A_213], %parallel_loop3A_216 {strides = array<i32>} : memref<16x1024xf32, #tpu.memory_space<vmem>>, vector<1x16xf32>,
      } {sc.loop_unroll_factor = 8 : i64, sc.parallel_access}
      %scan3A_199 = arith.constant 0 : i32
      scf.yield %scan3A_199 : i32
    }
    %scan3A_79 = arith.constant 16 : i32
    %add3A_80 = arith.constant 0 : i32
    %add3A_81 = arith.addi %mul3A_2, %add3A_80 : i32
    %dma_start3A_82 = arith.constant 0 : i32
    %dma_start3A_83 = tpu.memref_slice %arg5[%add3A_81, %dma_start3A_82] : memref<2048x1024xf32, #tpu.memory_space<hbm>> -> memref<16x1024xf32, #tpu.memory_space<hbm>>
    %dma_start3A_84 = arith.constant 0 : i32
    %dma_start3A_85 = tpu.memref_slice %arg5[%add3A_81, %dma_start3A_84] : memref<2048x1024xf32, #tpu.memory_space<hbm>> -> memref<16x1024xf32, #tpu.memory_space<hbm>>
    tpu.enqueue_dma source(%arg14 : memref<16x1024xf32, #tpu.memory_space<vmem>>) target(%dma_start3A_85 : memref<16x1024xf32, #tpu.memory_space<hbm>>) target_semaphore(%arg19 : memref<!tpu.dma_semaphore, #tpu.memory_space<semaphore_mem>>)
    %dma_wait3A_86 = arith.constant 0 : i32
    %dma_wait3A_87 = arith.constant 0 : i32
    %dma_wait3A_88 = tpu.memref_slice %arg2[%dma_wait3A_86, %dma_wait3A_87] : memref<8192x1024xf32, #tpu.memory_space<hbm>> -> memref<8192x1024xf32, #tpu.memory_space<hbm>>
    tpu.wait_indirect_dma semaphore(%arg18 : memref<!tpu.dma_semaphore, #tpu.memory_space<semaphore_mem>>) src(%dma_wait3A_88 : memref<8192x1024xf32, #tpu.memory_space<hbm>>) dst(%arg11 : memref<16x1024xf32, #tpu.memory_space<vmem>>)
    %dma_wait3A_89 = arith.constant 0 : i32
    %dma_wait3A_90 = arith.constant 0 : i32
    %dma_wait3A_91 = tpu.memref_slice %arg2[%dma_wait3A_89, %dma_wait3A_90] : memref<8192x1024xf32, #tpu.memory_space<hbm>> -> memref<8192x1024xf32, #tpu.memory_space<hbm>>
    tpu.wait_indirect_dma semaphore(%arg18 : memref<!tpu.dma_semaphore, #tpu.memory_space<semaphore_mem>>) src(%dma_wait3A_91 : memref<8192x1024xf32, #tpu.memory_space<hbm>>) dst(%arg13 : memref<16x1024xf32, #tpu.memory_space<vmem>>)
    %get3A_92 = arith.constant 32 : index
    %get3A_93 = tpu.vector_load %arg6[%get3A_92] {strides = array<i32>} : memref<64xi32, #tpu.memory_space<vmem>>, vector<16xi32>,
    %get3A_94 = vector.shape_cast %get3A_93 : vector<16xi32> to vector<16xi32>
    %dma_start3A_95 = arith.constant 0 : i32
    %dma_start3A_96 = arith.constant 0 : i32
    %dma_start3A_97 = tpu.memref_slice %arg2[%dma_start3A_95, %dma_start3A_96] : memref<8192x1024xf32, #tpu.memory_space<hbm>> -> memref<8192x1024xf32, #tpu.memory_space<hbm>>
    tpu.enqueue_indirect_dma source(%dma_start3A_97 : memref<8192x1024xf32, #tpu.memory_space<hbm>>) target(%arg10 : memref<16x1024xf32, #tpu.memory_space<vmem>>) offsets(%get3A_94 : vector<16xi32>) semaphore(%arg17 : memref<!tpu.dma_semaphore, #tpu.memory_space<semaphore_mem>>)
    %get3A_98 = arith.constant 32 : index
    %get3A_99 = tpu.vector_load %arg7[%get3A_98] {strides = array<i32>} : memref<64xi32, #tpu.memory_space<vmem>>, vector<16xi32>,
    %get3A_100 = vector.shape_cast %get3A_99 : vector<16xi32> to vector<16xi32>
    %dma_start3A_101 = arith.constant 0 : i32
    %dma_start3A_102 = arith.constant 0 : i32
    %dma_start3A_103 = tpu.memref_slice %arg2[%dma_start3A_101, %dma_start3A_102] : memref<8192x1024xf32, #tpu.memory_space<hbm>> -> memref<8192x1024xf32, #tpu.memory_space<hbm>>
    tpu.enqueue_indirect_dma source(%dma_start3A_103 : memref<8192x1024xf32, #tpu.memory_space<hbm>>) target(%arg12 : memref<16x1024xf32, #tpu.memory_space<vmem>>) offsets(%get3A_100 : vector<16xi32>) semaphore(%arg17 : memref<!tpu.dma_semaphore, #tpu.memory_space<semaphore_mem>>)
    %scan3A_104 = arith.constant 0 : i32
    %scan3A_105 = arith.constant 0 : i32
    %scan3A_106 = arith.constant 16 : i32
    %scan3A_107 = arith.addi %scan3A_105, %scan3A_106 : i32
    %scan3A_108 = arith.constant 1 : i32
    %scan3A_109 = scf.for %scan3A_183 = %scan3A_105 to %scan3A_107 step %scan3A_108 iter_args(%scan3A_184 = %scan3A_104) -> (i32)  : i32 {
      %add3A_185 = arith.constant 16 : i32
      %add3A_186 = arith.addi %add3A_185, %scan3A_183 : i32
      %get3A_187 = arith.index_cast %add3A_186 : i32 to index
      %get3A_188 = arith.constant 0 : index
      %get3A_189 = tpu.vector_load %arg8[%get3A_187, %get3A_188] {strides = array<i32>} : memref<64x16xf32, #tpu.memory_space<vmem>>, vector<1x16xf32>,
      %get3A_190 = vector.shape_cast %get3A_189 : vector<1x16xf32> to vector<16xf32>
      %add3A_191 = arith.constant 16 : i32
      %add3A_192 = arith.addi %add3A_191, %scan3A_183 : i32
      %get3A_193 = arith.index_cast %add3A_192 : i32 to index
      %get3A_194 = arith.constant 0 : index
      %get3A_195 = tpu.vector_load %arg9[%get3A_193, %get3A_194] {strides = array<i32>} : memref<64x16xf32, #tpu.memory_space<vmem>>, vector<1x16xf32>,
      %get3A_196 = vector.shape_cast %get3A_195 : vector<1x16xf32> to vector<16xf32>
      %parallel_loop3A = arith.constant 0 : i32
      %parallel_loop3A_197 = arith.constant 1024 : i32
      %parallel_loop3A_198 = arith.constant 16 : i32
      scf.for %parallel_loop3A_200 = %parallel_loop3A to %parallel_loop3A_197 step %parallel_loop3A_198  : i32 {
        %parallel_loop3A_201 = arith.index_cast %scan3A_183 : i32 to index
        %parallel_loop3A_202 = arith.index_cast %parallel_loop3A_200 : i32 to index
        %parallel_loop3A_203 = tpu.vector_load %arg11[%parallel_loop3A_201, %parallel_loop3A_202] {strides = array<i32>} : memref<16x1024xf32, #tpu.memory_space<vmem>>, vector<1x16xf32>,
        %parallel_loop3A_204 = vector.shape_cast %parallel_loop3A_203 : vector<1x16xf32> to vector<16xf32>
        %parallel_loop3A_205 = arith.mulf %get3A_190, %parallel_loop3A_204 : vector<16xf32>
        %parallel_loop3A_206 = arith.index_cast %scan3A_183 : i32 to index
        %parallel_loop3A_207 = arith.index_cast %parallel_loop3A_200 : i32 to index
        %parallel_loop3A_208 = tpu.vector_load %arg13[%parallel_loop3A_206, %parallel_loop3A_207] {strides = array<i32>} : memref<16x1024xf32, #tpu.memory_space<vmem>>, vector<1x16xf32>,
        %parallel_loop3A_209 = vector.shape_cast %parallel_loop3A_208 : vector<1x16xf32> to vector<16xf32>
        %parallel_loop3A_210 = arith.mulf %get3A_196, %parallel_loop3A_209 : vector<16xf32>
        %parallel_loop3A_211 = arith.addf %parallel_loop3A_205, %parallel_loop3A_210 : vector<16xf32>
        %parallel_loop3A_212 = arith.index_cast %scan3A_183 : i32 to index
        %parallel_loop3A_213 = arith.index_cast %parallel_loop3A_200 : i32 to index
        %parallel_loop3A_214 = tpu.vector_load %arg15[%parallel_loop3A_212, %parallel_loop3A_213] {strides = array<i32>} : memref<16x1024xf32, #tpu.memory_space<vmem>>, vector<1x16xf32>,
        %parallel_loop3A_215 = vector.shape_cast %parallel_loop3A_214 : vector<1x16xf32> to vector<16xf32>
        %parallel_loop3A_216 = vector.shape_cast %parallel_loop3A_211 : vector<16xf32> to vector<1x16xf32>
        tpu.vector_store %arg15[%parallel_loop3A_212, %parallel_loop3A_213], %parallel_loop3A_216 {strides = array<i32>} : memref<16x1024xf32, #tpu.memory_space<vmem>>, vector<1x16xf32>,
      } {sc.loop_unroll_factor = 8 : i64, sc.parallel_access}
      %scan3A_199 = arith.constant 0 : i32
      scf.yield %scan3A_199 : i32
    }
    %scan3A_110 = arith.constant 16 : i32
    %add3A_111 = arith.constant 16 : i32
    %add3A_112 = arith.addi %mul3A_2, %add3A_111 : i32
    %dma_start3A_113 = arith.constant 0 : i32
    %dma_start3A_114 = tpu.memref_slice %arg5[%add3A_112, %dma_start3A_113] : memref<2048x1024xf32, #tpu.memory_space<hbm>> -> memref<16x1024xf32, #tpu.memory_space<hbm>>
    %dma_start3A_115 = arith.constant 0 : i32
    %dma_start3A_116 = tpu.memref_slice %arg5[%add3A_112, %dma_start3A_115] : memref<2048x1024xf32, #tpu.memory_space<hbm>> -> memref<16x1024xf32, #tpu.memory_space<hbm>>
    tpu.enqueue_dma source(%arg15 : memref<16x1024xf32, #tpu.memory_space<vmem>>) target(%dma_start3A_116 : memref<16x1024xf32, #tpu.memory_space<hbm>>) target_semaphore(%arg20 : memref<!tpu.dma_semaphore, #tpu.memory_space<semaphore_mem>>)
    %dma_wait3A_117 = arith.constant 0 : i32
    %dma_wait3A_118 = arith.constant 0 : i32
    %dma_wait3A_119 = tpu.memref_slice %arg2[%dma_wait3A_117, %dma_wait3A_118] : memref<8192x1024xf32, #tpu.memory_space<hbm>> -> memref<8192x1024xf32, #tpu.memory_space<hbm>>
    tpu.wait_indirect_dma semaphore(%arg17 : memref<!tpu.dma_semaphore, #tpu.memory_space<semaphore_mem>>) src(%dma_wait3A_119 : memref<8192x1024xf32, #tpu.memory_space<hbm>>) dst(%arg10 : memref<16x1024xf32, #tpu.memory_space<vmem>>)
    %dma_wait3A_120 = arith.constant 0 : i32
    %dma_wait3A_121 = arith.constant 0 : i32
    %dma_wait3A_122 = tpu.memref_slice %arg2[%dma_wait3A_120, %dma_wait3A_121] : memref<8192x1024xf32, #tpu.memory_space<hbm>> -> memref<8192x1024xf32, #tpu.memory_space<hbm>>
    tpu.wait_indirect_dma semaphore(%arg17 : memref<!tpu.dma_semaphore, #tpu.memory_space<semaphore_mem>>) src(%dma_wait3A_122 : memref<8192x1024xf32, #tpu.memory_space<hbm>>) dst(%arg12 : memref<16x1024xf32, #tpu.memory_space<vmem>>)
    %get3A_123 = arith.constant 48 : index
    %get3A_124 = tpu.vector_load %arg6[%get3A_123] {strides = array<i32>} : memref<64xi32, #tpu.memory_space<vmem>>, vector<16xi32>,
    %get3A_125 = vector.shape_cast %get3A_124 : vector<16xi32> to vector<16xi32>
    %dma_start3A_126 = arith.constant 0 : i32
    %dma_start3A_127 = arith.constant 0 : i32
    %dma_start3A_128 = tpu.memref_slice %arg2[%dma_start3A_126, %dma_start3A_127] : memref<8192x1024xf32, #tpu.memory_space<hbm>> -> memref<8192x1024xf32, #tpu.memory_space<hbm>>
    tpu.enqueue_indirect_dma source(%dma_start3A_128 : memref<8192x1024xf32, #tpu.memory_space<hbm>>) target(%arg11 : memref<16x1024xf32, #tpu.memory_space<vmem>>) offsets(%get3A_125 : vector<16xi32>) semaphore(%arg18 : memref<!tpu.dma_semaphore, #tpu.memory_space<semaphore_mem>>)
    %get3A_129 = arith.constant 48 : index
    %get3A_130 = tpu.vector_load %arg7[%get3A_129] {strides = array<i32>} : memref<64xi32, #tpu.memory_space<vmem>>, vector<16xi32>,
    %get3A_131 = vector.shape_cast %get3A_130 : vector<16xi32> to vector<16xi32>
    %dma_start3A_132 = arith.constant 0 : i32
    %dma_start3A_133 = arith.constant 0 : i32
    %dma_start3A_134 = tpu.memref_slice %arg2[%dma_start3A_132, %dma_start3A_133] : memref<8192x1024xf32, #tpu.memory_space<hbm>> -> memref<8192x1024xf32, #tpu.memory_space<hbm>>
    tpu.enqueue_indirect_dma source(%dma_start3A_134 : memref<8192x1024xf32, #tpu.memory_space<hbm>>) target(%arg13 : memref<16x1024xf32, #tpu.memory_space<vmem>>) offsets(%get3A_131 : vector<16xi32>) semaphore(%arg18 : memref<!tpu.dma_semaphore, #tpu.memory_space<semaphore_mem>>)
    %dma_wait3A_135 = arith.constant 0 : i32
    %dma_wait3A_136 = tpu.memref_slice %arg5[%add3A_81, %dma_wait3A_135] : memref<2048x1024xf32, #tpu.memory_space<hbm>> -> memref<16x1024xf32, #tpu.memory_space<hbm>>
    %dma_wait3A_137 = arith.constant 0 : i32
    %dma_wait3A_138 = tpu.memref_slice %arg5[%add3A_81, %dma_wait3A_137] : memref<2048x1024xf32, #tpu.memory_space<hbm>> -> memref<16x1024xf32, #tpu.memory_space<hbm>>
    tpu.wait_dma2 semaphore(%arg19 : memref<!tpu.dma_semaphore, #tpu.memory_space<semaphore_mem>>) src(%arg14 : memref<16x1024xf32, #tpu.memory_space<vmem>>) dst(%dma_wait3A_138 : memref<16x1024xf32, #tpu.memory_space<hbm>>)
    %scan3A_139 = arith.constant 0 : i32
    %scan3A_140 = arith.constant 0 : i32
    %scan3A_141 = arith.constant 16 : i32
    %scan3A_142 = arith.addi %scan3A_140, %scan3A_141 : i32
    %scan3A_143 = arith.constant 1 : i32
    %scan3A_144 = scf.for %scan3A_183 = %scan3A_140 to %scan3A_142 step %scan3A_143 iter_args(%scan3A_184 = %scan3A_139) -> (i32)  : i32 {
      %add3A_185 = arith.constant 32 : i32
      %add3A_186 = arith.addi %add3A_185, %scan3A_183 : i32
      %get3A_187 = arith.index_cast %add3A_186 : i32 to index
      %get3A_188 = arith.constant 0 : index
      %get3A_189 = tpu.vector_load %arg8[%get3A_187, %get3A_188] {strides = array<i32>} : memref<64x16xf32, #tpu.memory_space<vmem>>, vector<1x16xf32>,
      %get3A_190 = vector.shape_cast %get3A_189 : vector<1x16xf32> to vector<16xf32>
      %add3A_191 = arith.constant 32 : i32
      %add3A_192 = arith.addi %add3A_191, %scan3A_183 : i32
      %get3A_193 = arith.index_cast %add3A_192 : i32 to index
      %get3A_194 = arith.constant 0 : index
      %get3A_195 = tpu.vector_load %arg9[%get3A_193, %get3A_194] {strides = array<i32>} : memref<64x16xf32, #tpu.memory_space<vmem>>, vector<1x16xf32>,
      %get3A_196 = vector.shape_cast %get3A_195 : vector<1x16xf32> to vector<16xf32>
      %parallel_loop3A = arith.constant 0 : i32
      %parallel_loop3A_197 = arith.constant 1024 : i32
      %parallel_loop3A_198 = arith.constant 16 : i32
      scf.for %parallel_loop3A_200 = %parallel_loop3A to %parallel_loop3A_197 step %parallel_loop3A_198  : i32 {
        %parallel_loop3A_201 = arith.index_cast %scan3A_183 : i32 to index
        %parallel_loop3A_202 = arith.index_cast %parallel_loop3A_200 : i32 to index
        %parallel_loop3A_203 = tpu.vector_load %arg10[%parallel_loop3A_201, %parallel_loop3A_202] {strides = array<i32>} : memref<16x1024xf32, #tpu.memory_space<vmem>>, vector<1x16xf32>,
        %parallel_loop3A_204 = vector.shape_cast %parallel_loop3A_203 : vector<1x16xf32> to vector<16xf32>
        %parallel_loop3A_205 = arith.mulf %get3A_190, %parallel_loop3A_204 : vector<16xf32>
        %parallel_loop3A_206 = arith.index_cast %scan3A_183 : i32 to index
        %parallel_loop3A_207 = arith.index_cast %parallel_loop3A_200 : i32 to index
        %parallel_loop3A_208 = tpu.vector_load %arg12[%parallel_loop3A_206, %parallel_loop3A_207] {strides = array<i32>} : memref<16x1024xf32, #tpu.memory_space<vmem>>, vector<1x16xf32>,
        %parallel_loop3A_209 = vector.shape_cast %parallel_loop3A_208 : vector<1x16xf32> to vector<16xf32>
        %parallel_loop3A_210 = arith.mulf %get3A_196, %parallel_loop3A_209 : vector<16xf32>
        %parallel_loop3A_211 = arith.addf %parallel_loop3A_205, %parallel_loop3A_210 : vector<16xf32>
        %parallel_loop3A_212 = arith.index_cast %scan3A_183 : i32 to index
        %parallel_loop3A_213 = arith.index_cast %parallel_loop3A_200 : i32 to index
        %parallel_loop3A_214 = tpu.vector_load %arg14[%parallel_loop3A_212, %parallel_loop3A_213] {strides = array<i32>} : memref<16x1024xf32, #tpu.memory_space<vmem>>, vector<1x16xf32>,
        %parallel_loop3A_215 = vector.shape_cast %parallel_loop3A_214 : vector<1x16xf32> to vector<16xf32>
        %parallel_loop3A_216 = vector.shape_cast %parallel_loop3A_211 : vector<16xf32> to vector<1x16xf32>
        tpu.vector_store %arg14[%parallel_loop3A_212, %parallel_loop3A_213], %parallel_loop3A_216 {strides = array<i32>} : memref<16x1024xf32, #tpu.memory_space<vmem>>, vector<1x16xf32>,
      } {sc.loop_unroll_factor = 8 : i64, sc.parallel_access}
      %scan3A_199 = arith.constant 0 : i32
      scf.yield %scan3A_199 : i32
    }
    %scan3A_145 = arith.constant 16 : i32
    %add3A_146 = arith.constant 32 : i32
    %add3A_147 = arith.addi %mul3A_2, %add3A_146 : i32
    %dma_start3A_148 = arith.constant 0 : i32
    %dma_start3A_149 = tpu.memref_slice %arg5[%add3A_147, %dma_start3A_148] : memref<2048x1024xf32, #tpu.memory_space<hbm>> -> memref<16x1024xf32, #tpu.memory_space<hbm>>
    %dma_start3A_150 = arith.constant 0 : i32
    %dma_start3A_151 = tpu.memref_slice %arg5[%add3A_147, %dma_start3A_150] : memref<2048x1024xf32, #tpu.memory_space<hbm>> -> memref<16x1024xf32, #tpu.memory_space<hbm>>
    tpu.enqueue_dma source(%arg14 : memref<16x1024xf32, #tpu.memory_space<vmem>>) target(%dma_start3A_151 : memref<16x1024xf32, #tpu.memory_space<hbm>>) target_semaphore(%arg19 : memref<!tpu.dma_semaphore, #tpu.memory_space<semaphore_mem>>)
    %dma_wait3A_152 = arith.constant 0 : i32
    %dma_wait3A_153 = arith.constant 0 : i32
    %dma_wait3A_154 = tpu.memref_slice %arg2[%dma_wait3A_152, %dma_wait3A_153] : memref<8192x1024xf32, #tpu.memory_space<hbm>> -> memref<8192x1024xf32, #tpu.memory_space<hbm>>
    tpu.wait_indirect_dma semaphore(%arg18 : memref<!tpu.dma_semaphore, #tpu.memory_space<semaphore_mem>>) src(%dma_wait3A_154 : memref<8192x1024xf32, #tpu.memory_space<hbm>>) dst(%arg11 : memref<16x1024xf32, #tpu.memory_space<vmem>>)
    %dma_wait3A_155 = arith.constant 0 : i32
    %dma_wait3A_156 = arith.constant 0 : i32
    %dma_wait3A_157 = tpu.memref_slice %arg2[%dma_wait3A_155, %dma_wait3A_156] : memref<8192x1024xf32, #tpu.memory_space<hbm>> -> memref<8192x1024xf32, #tpu.memory_space<hbm>>
    tpu.wait_indirect_dma semaphore(%arg18 : memref<!tpu.dma_semaphore, #tpu.memory_space<semaphore_mem>>) src(%dma_wait3A_157 : memref<8192x1024xf32, #tpu.memory_space<hbm>>) dst(%arg13 : memref<16x1024xf32, #tpu.memory_space<vmem>>)
    %dma_wait3A_158 = arith.constant 0 : i32
    %dma_wait3A_159 = tpu.memref_slice %arg5[%add3A_112, %dma_wait3A_158] : memref<2048x1024xf32, #tpu.memory_space<hbm>> -> memref<16x1024xf32, #tpu.memory_space<hbm>>
    %dma_wait3A_160 = arith.constant 0 : i32
    %dma_wait3A_161 = tpu.memref_slice %arg5[%add3A_112, %dma_wait3A_160] : memref<2048x1024xf32, #tpu.memory_space<hbm>> -> memref<16x1024xf32, #tpu.memory_space<hbm>>
    tpu.wait_dma2 semaphore(%arg20 : memref<!tpu.dma_semaphore, #tpu.memory_space<semaphore_mem>>) src(%arg15 : memref<16x1024xf32, #tpu.memory_space<vmem>>) dst(%dma_wait3A_161 : memref<16x1024xf32, #tpu.memory_space<hbm>>)
    %scan3A_162 = arith.constant 0 : i32
    %scan3A_163 = arith.constant 0 : i32
    %scan3A_164 = arith.constant 16 : i32
    %scan3A_165 = arith.addi %scan3A_163, %scan3A_164 : i32
    %scan3A_166 = arith.constant 1 : i32
    %scan3A_167 = scf.for %scan3A_183 = %scan3A_163 to %scan3A_165 step %scan3A_166 iter_args(%scan3A_184 = %scan3A_162) -> (i32)  : i32 {
      %add3A_185 = arith.constant 48 : i32
      %add3A_186 = arith.addi %add3A_185, %scan3A_183 : i32
      %get3A_187 = arith.index_cast %add3A_186 : i32 to index
      %get3A_188 = arith.constant 0 : index
      %get3A_189 = tpu.vector_load %arg8[%get3A_187, %get3A_188] {strides = array<i32>} : memref<64x16xf32, #tpu.memory_space<vmem>>, vector<1x16xf32>,
      %get3A_190 = vector.shape_cast %get3A_189 : vector<1x16xf32> to vector<16xf32>
      %add3A_191 = arith.constant 48 : i32
      %add3A_192 = arith.addi %add3A_191, %scan3A_183 : i32
      %get3A_193 = arith.index_cast %add3A_192 : i32 to index
      %get3A_194 = arith.constant 0 : index
      %get3A_195 = tpu.vector_load %arg9[%get3A_193, %get3A_194] {strides = array<i32>} : memref<64x16xf32, #tpu.memory_space<vmem>>, vector<1x16xf32>,
      %get3A_196 = vector.shape_cast %get3A_195 : vector<1x16xf32> to vector<16xf32>
      %parallel_loop3A = arith.constant 0 : i32
      %parallel_loop3A_197 = arith.constant 1024 : i32
      %parallel_loop3A_198 = arith.constant 16 : i32
      scf.for %parallel_loop3A_200 = %parallel_loop3A to %parallel_loop3A_197 step %parallel_loop3A_198  : i32 {
        %parallel_loop3A_201 = arith.index_cast %scan3A_183 : i32 to index
        %parallel_loop3A_202 = arith.index_cast %parallel_loop3A_200 : i32 to index
        %parallel_loop3A_203 = tpu.vector_load %arg11[%parallel_loop3A_201, %parallel_loop3A_202] {strides = array<i32>} : memref<16x1024xf32, #tpu.memory_space<vmem>>, vector<1x16xf32>,
        %parallel_loop3A_204 = vector.shape_cast %parallel_loop3A_203 : vector<1x16xf32> to vector<16xf32>
        %parallel_loop3A_205 = arith.mulf %get3A_190, %parallel_loop3A_204 : vector<16xf32>
        %parallel_loop3A_206 = arith.index_cast %scan3A_183 : i32 to index
        %parallel_loop3A_207 = arith.index_cast %parallel_loop3A_200 : i32 to index
        %parallel_loop3A_208 = tpu.vector_load %arg13[%parallel_loop3A_206, %parallel_loop3A_207] {strides = array<i32>} : memref<16x1024xf32, #tpu.memory_space<vmem>>, vector<1x16xf32>,
        %parallel_loop3A_209 = vector.shape_cast %parallel_loop3A_208 : vector<1x16xf32> to vector<16xf32>
        %parallel_loop3A_210 = arith.mulf %get3A_196, %parallel_loop3A_209 : vector<16xf32>
        %parallel_loop3A_211 = arith.addf %parallel_loop3A_205, %parallel_loop3A_210 : vector<16xf32>
        %parallel_loop3A_212 = arith.index_cast %scan3A_183 : i32 to index
        %parallel_loop3A_213 = arith.index_cast %parallel_loop3A_200 : i32 to index
        %parallel_loop3A_214 = tpu.vector_load %arg15[%parallel_loop3A_212, %parallel_loop3A_213] {strides = array<i32>} : memref<16x1024xf32, #tpu.memory_space<vmem>>, vector<1x16xf32>,
        %parallel_loop3A_215 = vector.shape_cast %parallel_loop3A_214 : vector<1x16xf32> to vector<16xf32>
        %parallel_loop3A_216 = vector.shape_cast %parallel_loop3A_211 : vector<16xf32> to vector<1x16xf32>
        tpu.vector_store %arg15[%parallel_loop3A_212, %parallel_loop3A_213], %parallel_loop3A_216 {strides = array<i32>} : memref<16x1024xf32, #tpu.memory_space<vmem>>, vector<1x16xf32>,
      } {sc.loop_unroll_factor = 8 : i64, sc.parallel_access}
      %scan3A_199 = arith.constant 0 : i32
      scf.yield %scan3A_199 : i32
    }
    %scan3A_168 = arith.constant 16 : i32
    %add3A_169 = arith.constant 48 : i32
    %add3A_170 = arith.addi %mul3A_2, %add3A_169 : i32
    %dma_start3A_171 = arith.constant 0 : i32
    %dma_start3A_172 = tpu.memref_slice %arg5[%add3A_170, %dma_start3A_171] : memref<2048x1024xf32, #tpu.memory_space<hbm>> -> memref<16x1024xf32, #tpu.memory_space<hbm>>
    %dma_start3A_173 = arith.constant 0 : i32
    %dma_start3A_174 = tpu.memref_slice %arg5[%add3A_170, %dma_start3A_173] : memref<2048x1024xf32, #tpu.memory_space<hbm>> -> memref<16x1024xf32, #tpu.memory_space<hbm>>
    tpu.enqueue_dma source(%arg15 : memref<16x1024xf32, #tpu.memory_space<vmem>>) target(%dma_start3A_174 : memref<16x1024xf32, #tpu.memory_space<hbm>>) target_semaphore(%arg20 : memref<!tpu.dma_semaphore, #tpu.memory_space<semaphore_mem>>)
    %dma_wait3A_175 = arith.constant 0 : i32
    %dma_wait3A_176 = tpu.memref_slice %arg5[%add3A_147, %dma_wait3A_175] : memref<2048x1024xf32, #tpu.memory_space<hbm>> -> memref<16x1024xf32, #tpu.memory_space<hbm>>
    %dma_wait3A_177 = arith.constant 0 : i32
    %dma_wait3A_178 = tpu.memref_slice %arg5[%add3A_147, %dma_wait3A_177] : memref<2048x1024xf32, #tpu.memory_space<hbm>> -> memref<16x1024xf32, #tpu.memory_space<hbm>>
    tpu.wait_dma2 semaphore(%arg19 : memref<!tpu.dma_semaphore, #tpu.memory_space<semaphore_mem>>) src(%arg14 : memref<16x1024xf32, #tpu.memory_space<vmem>>) dst(%dma_wait3A_178 : memref<16x1024xf32, #tpu.memory_space<hbm>>)
    %dma_wait3A_179 = arith.constant 0 : i32
    %dma_wait3A_180 = tpu.memref_slice %arg5[%add3A_170, %dma_wait3A_179] : memref<2048x1024xf32, #tpu.memory_space<hbm>> -> memref<16x1024xf32, #tpu.memory_space<hbm>>
    %dma_wait3A_181 = arith.constant 0 : i32
    %dma_wait3A_182 = tpu.memref_slice %arg5[%add3A_170, %dma_wait3A_181] : memref<2048x1024xf32, #tpu.memory_space<hbm>> -> memref<16x1024xf32, #tpu.memory_space<hbm>>
    tpu.wait_dma2 semaphore(%arg20 : memref<!tpu.dma_semaphore, #tpu.memory_space<semaphore_mem>>) src(%arg15 : memref<16x1024xf32, #tpu.memory_space<vmem>>) dst(%dma_wait3A_182 : memref<16x1024xf32, #tpu.memory_space<hbm>>)
    return
  }
}

#map = affine_map<(d0, d1) -> (0, 0)>
module attributes {stable_mosaic.version = 14 : i64} {
  func.func @_sc_scatter_body(%arg0: i32, %arg1: i32, %arg2: memref<2048x1024xf32, #tpu.memory_space<hbm>>, %arg3: memref<64x64xi32, #tpu.memory_space<hbm>>, %arg4: memref<8192x1024xf32, #tpu.memory_space<hbm>>, %arg5: memref<64xi32, #tpu.memory_space<vmem>>, %arg6: memref<64xi32, #tpu.memory_space<vmem>>, %arg7: memref<64x1024xf32, #tpu.memory_space<vmem>>, %arg8: memref<!tpu.dma_semaphore, #tpu.memory_space<semaphore_mem>>, %arg9: memref<!tpu.dma_semaphore, #tpu.memory_space<semaphore_mem>>) attributes {dimension_semantics = [#tpu.dimension_semantics<core_parallel>, #tpu.dimension_semantics<subcore_parallel>], iteration_bounds = array<i64: 2, 16>, scalar_prefetch = 0 : i64, scratch_operands = 5 : i64, tpu.core_type = #tpu.core_type<sc_vector_subcore>, window_params = [{transform_indices = #map}, {transform_indices = #map}, {transform_indices = #map}]} {
    %mul3A = arith.constant 2 : i32
    %mul3A_0 = arith.muli %arg1, %mul3A : i32
    %add3A = arith.addi %mul3A_0, %arg0 : i32
    %mul3A_1 = arith.constant 64 : i32
    %mul3A_2 = arith.muli %add3A, %mul3A_1 : i32
    %dma_start3A = arith.constant 0 : i32
    %dma_start3A_3 = tpu.memref_slice %arg3[%add3A, %dma_start3A] : memref<64x64xi32, #tpu.memory_space<hbm>> -> memref<1x64xi32, #tpu.memory_space<hbm>>
    %dma_start3A_4 = tpu.memref_squeeze %dma_start3A_3 : memref<1x64xi32, #tpu.memory_space<hbm>> -> memref<64xi32, #tpu.memory_space<hbm>>
    %dma_start3A_5 = arith.constant 0 : i32
    %dma_start3A_6 = tpu.memref_slice %arg3[%add3A, %dma_start3A_5] : memref<64x64xi32, #tpu.memory_space<hbm>> -> memref<1x64xi32, #tpu.memory_space<hbm>>
    %dma_start3A_7 = tpu.memref_squeeze %dma_start3A_6 : memref<1x64xi32, #tpu.memory_space<hbm>> -> memref<64xi32, #tpu.memory_space<hbm>>
    tpu.enqueue_dma source(%dma_start3A_7 : memref<64xi32, #tpu.memory_space<hbm>>) target(%arg5 : memref<64xi32, #tpu.memory_space<vmem>>) target_semaphore(%arg8 : memref<!tpu.dma_semaphore, #tpu.memory_space<semaphore_mem>>)
    %add3A_8 = arith.constant 32 : i32
    %add3A_9 = arith.addi %add3A, %add3A_8 : i32
    %dma_start3A_10 = arith.constant 0 : i32
    %dma_start3A_11 = tpu.memref_slice %arg3[%add3A_9, %dma_start3A_10] : memref<64x64xi32, #tpu.memory_space<hbm>> -> memref<1x64xi32, #tpu.memory_space<hbm>>
    %dma_start3A_12 = tpu.memref_squeeze %dma_start3A_11 : memref<1x64xi32, #tpu.memory_space<hbm>> -> memref<64xi32, #tpu.memory_space<hbm>>
    %dma_start3A_13 = arith.constant 0 : i32
    %dma_start3A_14 = tpu.memref_slice %arg3[%add3A_9, %dma_start3A_13] : memref<64x64xi32, #tpu.memory_space<hbm>> -> memref<1x64xi32, #tpu.memory_space<hbm>>
    %dma_start3A_15 = tpu.memref_squeeze %dma_start3A_14 : memref<1x64xi32, #tpu.memory_space<hbm>> -> memref<64xi32, #tpu.memory_space<hbm>>
    tpu.enqueue_dma source(%dma_start3A_15 : memref<64xi32, #tpu.memory_space<hbm>>) target(%arg6 : memref<64xi32, #tpu.memory_space<vmem>>) target_semaphore(%arg8 : memref<!tpu.dma_semaphore, #tpu.memory_space<semaphore_mem>>)
    %dma_start3A_16 = arith.constant 0 : i32
    %dma_start3A_17 = tpu.memref_slice %arg2[%mul3A_2, %dma_start3A_16] : memref<2048x1024xf32, #tpu.memory_space<hbm>> -> memref<64x1024xf32, #tpu.memory_space<hbm>>
    %dma_start3A_18 = arith.constant 0 : i32
    %dma_start3A_19 = tpu.memref_slice %arg2[%mul3A_2, %dma_start3A_18] : memref<2048x1024xf32, #tpu.memory_space<hbm>> -> memref<64x1024xf32, #tpu.memory_space<hbm>>
    tpu.enqueue_dma source(%dma_start3A_19 : memref<64x1024xf32, #tpu.memory_space<hbm>>) target(%arg7 : memref<64x1024xf32, #tpu.memory_space<vmem>>) target_semaphore(%arg8 : memref<!tpu.dma_semaphore, #tpu.memory_space<semaphore_mem>>)
    %dma_wait3A = arith.constant 0 : i32
    %dma_wait3A_20 = tpu.memref_slice %arg3[%add3A, %dma_wait3A] : memref<64x64xi32, #tpu.memory_space<hbm>> -> memref<1x64xi32, #tpu.memory_space<hbm>>
    %dma_wait3A_21 = tpu.memref_squeeze %dma_wait3A_20 : memref<1x64xi32, #tpu.memory_space<hbm>> -> memref<64xi32, #tpu.memory_space<hbm>>
    %dma_wait3A_22 = arith.constant 0 : i32
    %dma_wait3A_23 = tpu.memref_slice %arg3[%add3A, %dma_wait3A_22] : memref<64x64xi32, #tpu.memory_space<hbm>> -> memref<1x64xi32, #tpu.memory_space<hbm>>
    %dma_wait3A_24 = tpu.memref_squeeze %dma_wait3A_23 : memref<1x64xi32, #tpu.memory_space<hbm>> -> memref<64xi32, #tpu.memory_space<hbm>>
    tpu.wait_dma2 semaphore(%arg8 : memref<!tpu.dma_semaphore, #tpu.memory_space<semaphore_mem>>) src(%dma_wait3A_24 : memref<64xi32, #tpu.memory_space<hbm>>) dst(%arg5 : memref<64xi32, #tpu.memory_space<vmem>>)
    %dma_wait3A_25 = arith.constant 0 : i32
    %dma_wait3A_26 = tpu.memref_slice %arg3[%add3A_9, %dma_wait3A_25] : memref<64x64xi32, #tpu.memory_space<hbm>> -> memref<1x64xi32, #tpu.memory_space<hbm>>
    %dma_wait3A_27 = tpu.memref_squeeze %dma_wait3A_26 : memref<1x64xi32, #tpu.memory_space<hbm>> -> memref<64xi32, #tpu.memory_space<hbm>>
    %dma_wait3A_28 = arith.constant 0 : i32
    %dma_wait3A_29 = tpu.memref_slice %arg3[%add3A_9, %dma_wait3A_28] : memref<64x64xi32, #tpu.memory_space<hbm>> -> memref<1x64xi32, #tpu.memory_space<hbm>>
    %dma_wait3A_30 = tpu.memref_squeeze %dma_wait3A_29 : memref<1x64xi32, #tpu.memory_space<hbm>> -> memref<64xi32, #tpu.memory_space<hbm>>
    tpu.wait_dma2 semaphore(%arg8 : memref<!tpu.dma_semaphore, #tpu.memory_space<semaphore_mem>>) src(%dma_wait3A_30 : memref<64xi32, #tpu.memory_space<hbm>>) dst(%arg6 : memref<64xi32, #tpu.memory_space<vmem>>)
    %dma_wait3A_31 = arith.constant 0 : i32
    %dma_wait3A_32 = tpu.memref_slice %arg2[%mul3A_2, %dma_wait3A_31] : memref<2048x1024xf32, #tpu.memory_space<hbm>> -> memref<64x1024xf32, #tpu.memory_space<hbm>>
    %dma_wait3A_33 = arith.constant 0 : i32
    %dma_wait3A_34 = tpu.memref_slice %arg2[%mul3A_2, %dma_wait3A_33] : memref<2048x1024xf32, #tpu.memory_space<hbm>> -> memref<64x1024xf32, #tpu.memory_space<hbm>>
    tpu.wait_dma2 semaphore(%arg8 : memref<!tpu.dma_semaphore, #tpu.memory_space<semaphore_mem>>) src(%dma_wait3A_34 : memref<64x1024xf32, #tpu.memory_space<hbm>>) dst(%arg7 : memref<64x1024xf32, #tpu.memory_space<vmem>>)
    %dma_start3A_35 = arith.constant 0 : i32
    %dma_start3A_36 = arith.constant 0 : i32
    %dma_start3A_37 = tpu.memref_slice %arg4[%dma_start3A_35, %dma_start3A_36] : memref<8192x1024xf32, #tpu.memory_space<hbm>> -> memref<8192x1024xf32, #tpu.memory_space<hbm>>
    tpu.enqueue_indirect_dma source(%arg7 : memref<64x1024xf32, #tpu.memory_space<vmem>>) target(%dma_start3A_37 : memref<8192x1024xf32, #tpu.memory_space<hbm>>) offsets(%arg5 : memref<64xi32, #tpu.memory_space<vmem>>) semaphore(%arg9 : memref<!tpu.dma_semaphore, #tpu.memory_space<semaphore_mem>>)
    %dma_start3A_38 = arith.constant 0 : i32
    %dma_start3A_39 = arith.constant 0 : i32
    %dma_start3A_40 = tpu.memref_slice %arg4[%dma_start3A_38, %dma_start3A_39] : memref<8192x1024xf32, #tpu.memory_space<hbm>> -> memref<8192x1024xf32, #tpu.memory_space<hbm>>
    tpu.enqueue_indirect_dma source(%arg7 : memref<64x1024xf32, #tpu.memory_space<vmem>>) target(%dma_start3A_40 : memref<8192x1024xf32, #tpu.memory_space<hbm>>) offsets(%arg6 : memref<64xi32, #tpu.memory_space<vmem>>) semaphore(%arg9 : memref<!tpu.dma_semaphore, #tpu.memory_space<semaphore_mem>>)
    %dma_wait3A_41 = arith.constant 0 : i32
    %dma_wait3A_42 = arith.constant 0 : i32
    %dma_wait3A_43 = tpu.memref_slice %arg4[%dma_wait3A_41, %dma_wait3A_42] : memref<8192x1024xf32, #tpu.memory_space<hbm>> -> memref<8192x1024xf32, #tpu.memory_space<hbm>>
    tpu.wait_indirect_dma semaphore(%arg9 : memref<!tpu.dma_semaphore, #tpu.memory_space<semaphore_mem>>) src(%arg7 : memref<64x1024xf32, #tpu.memory_space<vmem>>) dst(%dma_wait3A_43 : memref<8192x1024xf32, #tpu.memory_space<hbm>>)
    %dma_wait3A_44 = arith.constant 0 : i32
    %dma_wait3A_45 = arith.constant 0 : i32
    %dma_wait3A_46 = tpu.memref_slice %arg4[%dma_wait3A_44, %dma_wait3A_45] : memref<8192x1024xf32, #tpu.memory_space<hbm>> -> memref<8192x1024xf32, #tpu.memory_space<hbm>>
    tpu.wait_indirect_dma semaphore(%arg9 : memref<!tpu.dma_semaphore, #tpu.memory_space<semaphore_mem>>) src(%arg7 : memref<64x1024xf32, #tpu.memory_space<vmem>>) dst(%dma_wait3A_46 : memref<8192x1024xf32, #tpu.memory_space<hbm>>)
    return
  }
}

module attributes {stable_mosaic.version = 14 : i64} {
  func.func @_gemm_body(%arg0: i32, %arg1: memref<16x1xi32, #tpu.memory_space<smem>>, %arg2: memref<16x1xi32, #tpu.memory_space<smem>>, %arg3: memref<512x1024xf32, #tpu.memory_space<vmem>>, %arg4: memref<1x1024x1024xf32, #tpu.memory_space<vmem>>, %arg5: memref<1x1024x512xf32, #tpu.memory_space<vmem>>, %arg6: memref<512x1024xf32, #tpu.memory_space<vmem>>) attributes {dimension_semantics = [#tpu.dimension_semantics<arbitrary>], iteration_bounds = array<i64: 16>, scalar_prefetch = 2 : i64, scratch_operands = 0 : i64, tpu.core_type = #tpu.core_type<tc>, window_params = [{transform_indices = @transform_0, window_bounds = array<i64: 512, 1024>}, {transform_indices = @transform_1, window_bounds = array<i64: 1, 1024, 1024>}, {transform_indices = @transform_2, window_bounds = array<i64: 1, 1024, 512>}, {transform_indices = @transform_3, window_bounds = array<i64: 512, 1024>}]} {
    %get3A = arith.index_cast %arg0 : i32 to index
    %get3A_0 = arith.constant 0 : index
    %get3A_1 = memref.load %arg1[%get3A, %get3A_0] : memref<16x1xi32, #tpu.memory_space<smem>>
    %eq3A = arith.cmpi eq, %get3A_1, %arg0 : i32
    %convert_element_type3A = arith.extui %eq3A : i1 to i32
    %cond3A = arith.constant 0 : i32
    %cond3A_2 = arith.cmpi ne, %convert_element_type3A, %cond3A : i32
    scf.if %cond3A_2 {
      %get3A_3 = arith.constant 0 : index
      %get3A_4 = arith.constant 0 : index
      %get3A_5 = vector.load %arg3[%get3A_3, %get3A_4] : memref<512x1024xf32, #tpu.memory_space<vmem>>, vector<512x1024xf32>
      %get3A_6 = arith.constant 0 : index
      %get3A_7 = arith.constant 0 : index
      %get3A_8 = arith.constant 0 : index
      %get3A_9 = vector.load %arg4[%get3A_6, %get3A_7, %get3A_8] : memref<1x1024x1024xf32, #tpu.memory_space<vmem>>, vector<1x1024x1024xf32>
      %get3A_10 = vector.shape_cast %get3A_9 : vector<1x1024x1024xf32> to vector<1024x1024xf32>
      %dot_general3A = arith.constant dense<0.000000e+00> : vector<512x1024xf32>
      %dot_general3A_11 = tpu.matmul %get3A_5, %get3A_10, %dot_general3A {dimension_numbers = #tpu.dot_dimension_numbers<[1], [1], [0], [0], [0, 0, 1, 0], [], []>, transpose_lhs_hint = false} : vector<512x1024xf32>, vector<1024x1024xf32>, vector<512x1024xf32> -> vector<512x1024xf32>
      %slice3A = vector.extract_strided_slice %dot_general3A_11 {offsets = [0, 0], sizes = [512, 512], strides = [1, 1]} : vector<512x1024xf32> to vector<512x512xf32>
      %slice3A_12 = vector.extract_strided_slice %dot_general3A_11 {offsets = [0, 512], sizes = [512, 512], strides = [1, 1]} : vector<512x1024xf32> to vector<512x512xf32>
      %logistic3A = arith.negf %slice3A : vector<512x512xf32>
      %logistic3A_13 = math.exp %logistic3A : vector<512x512xf32>
      %logistic3A_14 = arith.constant 1.000000e+00 : f32
      %logistic3A_15 = vector.broadcast %logistic3A_14 : f32 to vector<512x512xf32>
      %logistic3A_16 = arith.addf %logistic3A_15, %logistic3A_13 : vector<512x512xf32>
      %logistic3A_17 = arith.divf %logistic3A_15, %logistic3A_16 : vector<512x512xf32>
      %mul3A = arith.mulf %slice3A, %logistic3A_17 : vector<512x512xf32>
      %mul3A_18 = arith.mulf %mul3A, %slice3A_12 : vector<512x512xf32>
      %get3A_19 = arith.constant 0 : index
      %get3A_20 = arith.constant 0 : index
      %get3A_21 = arith.constant 0 : index
      %get3A_22 = vector.load %arg5[%get3A_19, %get3A_20, %get3A_21] : memref<1x1024x512xf32, #tpu.memory_space<vmem>>, vector<1x1024x512xf32>
      %get3A_23 = vector.shape_cast %get3A_22 : vector<1x1024x512xf32> to vector<1024x512xf32>
      %dot_general3A_24 = arith.constant dense<0.000000e+00> : vector<512x1024xf32>
      %dot_general3A_25 = tpu.matmul %mul3A_18, %get3A_23, %dot_general3A_24 {dimension_numbers = #tpu.dot_dimension_numbers<[1], [1], [0], [0], [0, 0, 1, 0], [], []>, transpose_lhs_hint = false} : vector<512x512xf32>, vector<1024x512xf32>, vector<512x1024xf32> -> vector<512x1024xf32>
      %swap3A = arith.constant 0 : index
      %swap3A_26 = arith.constant 0 : index
      %swap3A_27 = vector.load %arg6[%swap3A, %swap3A_26] : memref<512x1024xf32, #tpu.memory_space<vmem>>, vector<512x1024xf32>
      tpu.vector_store %arg6[%swap3A, %swap3A_26], %dot_general3A_25 {strides = array<i32>} : memref<512x1024xf32, #tpu.memory_space<vmem>>, vector<512x1024xf32>,
    } else {
    }
    return
  }
  func.func @transform_0(%arg0: i32, %arg1: memref<16x1xi32, #tpu.memory_space<smem>>, %arg2: memref<16x1xi32, #tpu.memory_space<smem>>) -> (i32, i32) {
    %get3A = arith.index_cast %arg0 : i32 to index
    %get3A_0 = arith.constant 0 : index
    %get3A_1 = memref.load %arg1[%get3A, %get3A_0] : memref<16x1xi32, #tpu.memory_space<smem>>
    %c0_i32 = arith.constant 0 : i32
    %c0_i32_2 = arith.constant 0 : i32
    return %get3A_1, %c0_i32 : i32, i32
  }
  func.func @transform_1(%arg0: i32, %arg1: memref<16x1xi32, #tpu.memory_space<smem>>, %arg2: memref<16x1xi32, #tpu.memory_space<smem>>) -> (i32, i32, i32) {
    %get3A = arith.index_cast %arg0 : i32 to index
    %get3A_0 = arith.constant 0 : index
    %get3A_1 = memref.load %arg2[%get3A, %get3A_0] : memref<16x1xi32, #tpu.memory_space<smem>>
    %c0_i32 = arith.constant 0 : i32
    %c0_i32_2 = arith.constant 0 : i32
    %c0_i32_3 = arith.constant 0 : i32
    return %get3A_1, %c0_i32, %c0_i32_2 : i32, i32, i32
  }
  func.func @transform_2(%arg0: i32, %arg1: memref<16x1xi32, #tpu.memory_space<smem>>, %arg2: memref<16x1xi32, #tpu.memory_space<smem>>) -> (i32, i32, i32) {
    %get3A = arith.index_cast %arg0 : i32 to index
    %get3A_0 = arith.constant 0 : index
    %get3A_1 = memref.load %arg2[%get3A, %get3A_0] : memref<16x1xi32, #tpu.memory_space<smem>>
    %c0_i32 = arith.constant 0 : i32
    %c0_i32_2 = arith.constant 0 : i32
    %c0_i32_3 = arith.constant 0 : i32
    return %get3A_1, %c0_i32, %c0_i32_2 : i32, i32, i32
  }
  func.func @transform_3(%arg0: i32, %arg1: memref<16x1xi32, #tpu.memory_space<smem>>, %arg2: memref<16x1xi32, #tpu.memory_space<smem>>) -> (i32, i32) {
    %get3A = arith.index_cast %arg0 : i32 to index
    %get3A_0 = arith.constant 0 : index
    %get3A_1 = memref.load %arg1[%get3A, %get3A_0] : memref<16x1xi32, #tpu.memory_space<smem>>
    %c0_i32 = arith.constant 0 : i32
    %c0_i32_2 = arith.constant 0 : i32
    return %get3A_1, %c0_i32 : i32, i32
  }
}

module attributes {stable_mosaic.version = 14 : i64} {
  func.func @_routing_body(%arg0: memref<2048x1024xf32, #tpu.memory_space<vmem>>, %arg1: memref<8x1024xf32, #tpu.memory_space<vmem>>, %arg2: memref<8x8xf32, #tpu.memory_space<vmem>>, %arg3: memref<256x256xf32, #tpu.memory_space<vmem>>, %arg4: memref<4096x1xi32, #tpu.memory_space<vmem>>, %arg5: memref<4096x16xf32, #tpu.memory_space<vmem>>, %arg6: memref<16x1xi32, #tpu.memory_space<vmem>>, %arg7: memref<16x1xi32, #tpu.memory_space<vmem>>) attributes {dimension_semantics = [], scalar_prefetch = 0 : i64, scratch_operands = 0 : i64, tpu.core_type = #tpu.core_type<tc>} {
    %get3A = arith.constant 0 : index
    %get3A_0 = arith.constant 0 : index
    %get3A_1 = vector.load %arg0[%get3A, %get3A_0] : memref<2048x1024xf32, #tpu.memory_space<vmem>>, vector<2048x1024xf32>
    %get3A_2 = arith.constant 0 : index
    %get3A_3 = arith.constant 0 : index
    %get3A_4 = vector.load %arg1[%get3A_2, %get3A_3] : memref<8x1024xf32, #tpu.memory_space<vmem>>, vector<8x1024xf32>
    %dot_general3A = arith.constant dense<0.000000e+00> : vector<2048x8xf32>
    %dot_general3A_5 = tpu.matmul %get3A_1, %get3A_4, %dot_general3A {dimension_numbers = #tpu.dot_dimension_numbers<[1], [1], [0], [0], [0, 0, 1, 0], [], []>, transpose_lhs_hint = false} : vector<2048x1024xf32>, vector<8x1024xf32>, vector<2048x8xf32> -> vector<2048x8xf32>
    %reduce_max3A = arith.constant dense<0xFF800000> : vector<2048xf32>
    %reduce_max3A_6 = vector.multi_reduction <maximumf>, %dot_general3A_5, %reduce_max3A [1] : vector<2048x8xf32> to vector<2048xf32>
    %broadcast_in_dim3A = vector.shape_cast %reduce_max3A_6 : vector<2048xf32> to vector<2048x1xf32>
    %sub3A = vector.broadcast %broadcast_in_dim3A : vector<2048x1xf32> to vector<2048x8xf32>
    %sub3A_7 = arith.subf %dot_general3A_5, %sub3A : vector<2048x8xf32>
    %exp3A = math.exp %sub3A_7 : vector<2048x8xf32>
    %reduce_sum3A = arith.constant dense<0.000000e+00> : vector<2048xf32>
    %reduce_sum3A_8 = vector.multi_reduction <add>, %exp3A, %reduce_sum3A [1] : vector<2048x8xf32> to vector<2048xf32>
    %broadcast_in_dim3A_9 = vector.shape_cast %reduce_sum3A_8 : vector<2048xf32> to vector<2048x1xf32>
    %div3A = vector.broadcast %broadcast_in_dim3A_9 : vector<2048x1xf32> to vector<2048x8xf32>
    %div3A_10 = arith.divf %exp3A, %div3A : vector<2048x8xf32>
    %iota3A = tpu.iota {dimensions = array<i32: 1>} : vector<2048x8xi32>
    %reduce_max3A_11 = arith.constant dense<0xFF800000> : vector<2048xf32>
    %reduce_max3A_12 = vector.multi_reduction <maximumf>, %div3A_10, %reduce_max3A_11 [1] : vector<2048x8xf32> to vector<2048xf32>
    %broadcast_in_dim3A_13 = vector.shape_cast %reduce_max3A_12 : vector<2048xf32> to vector<2048x1xf32>
    %eq3A = vector.broadcast %broadcast_in_dim3A_13 : vector<2048x1xf32> to vector<2048x8xf32>
    %eq3A_14 = arith.cmpf oeq, %div3A_10, %eq3A : vector<2048x8xf32>
    %jit3A = arith.constant 8 : i32
    %broadcast_in_dim3A_15 = vector.broadcast %jit3A : i32 to vector<2048x8xi32>
    %select_n3A = arith.select %eq3A_14, %iota3A, %broadcast_in_dim3A_15 : vector<2048x8xi1>, vector<2048x8xi32>
    %reduce_min3A = arith.constant dense<2147483647> : vector<2048xi32>
    %reduce_min3A_16 = vector.multi_reduction <minsi>, %select_n3A, %reduce_min3A [1] : vector<2048x8xi32> to vector<2048xi32>
    %broadcast_in_dim3A_17 = vector.shape_cast %reduce_min3A_16 : vector<2048xi32> to vector<2048x1xi32>
    %eq3A_18 = vector.broadcast %broadcast_in_dim3A_17 : vector<2048x1xi32> to vector<2048x8xi32>
    %eq3A_19 = arith.cmpi eq, %iota3A, %eq3A_18 : vector<2048x8xi32>
    %jit3A_20 = arith.constant -3.000000e+38 : f32
    %broadcast_in_dim3A_21 = vector.broadcast %jit3A_20 : f32 to vector<2048x8xf32>
    %select_n3A_22 = arith.select %eq3A_19, %broadcast_in_dim3A_21, %div3A_10 : vector<2048x8xi1>, vector<2048x8xf32>
    %reduce_max3A_23 = arith.constant dense<0xFF800000> : vector<2048xf32>
    %reduce_max3A_24 = vector.multi_reduction <maximumf>, %select_n3A_22, %reduce_max3A_23 [1] : vector<2048x8xf32> to vector<2048xf32>
    %broadcast_in_dim3A_25 = vector.shape_cast %reduce_max3A_24 : vector<2048xf32> to vector<2048x1xf32>
    %eq3A_26 = vector.broadcast %broadcast_in_dim3A_25 : vector<2048x1xf32> to vector<2048x8xf32>
    %eq3A_27 = arith.cmpf oeq, %select_n3A_22, %eq3A_26 : vector<2048x8xf32>
    %jit3A_28 = arith.constant 8 : i32
    %broadcast_in_dim3A_29 = vector.broadcast %jit3A_28 : i32 to vector<2048x8xi32>
    %select_n3A_30 = arith.select %eq3A_27, %iota3A, %broadcast_in_dim3A_29 : vector<2048x8xi1>, vector<2048x8xi32>
    %reduce_min3A_31 = arith.constant dense<2147483647> : vector<2048xi32>
    %reduce_min3A_32 = vector.multi_reduction <minsi>, %select_n3A_30, %reduce_min3A_31 [1] : vector<2048x8xi32> to vector<2048xi32>
    %broadcast_in_dim3A_33 = vector.shape_cast %reduce_min3A_32 : vector<2048xi32> to vector<2048x1xi32>
    %eq3A_34 = vector.broadcast %broadcast_in_dim3A_33 : vector<2048x1xi32> to vector<2048x8xi32>
    %eq3A_35 = arith.cmpi eq, %iota3A, %eq3A_34 : vector<2048x8xi32>
    %add3A = arith.addf %broadcast_in_dim3A_13, %broadcast_in_dim3A_25 : vector<2048x1xf32>
    %max3A = arith.constant 9.99999996E-13 : f32
    %max3A_36 = vector.broadcast %max3A : f32 to vector<2048x1xf32>
    %max3A_37 = arith.maximumf %add3A, %max3A_36 : vector<2048x1xf32>
    %div3A_38 = arith.divf %broadcast_in_dim3A_13, %max3A_37 : vector<2048x1xf32>
    %div3A_39 = arith.divf %broadcast_in_dim3A_25, %max3A_37 : vector<2048x1xf32>
    %convert_element_type3A = arith.extui %eq3A_19 : vector<2048x8xi1> to vector<2048x8xi32>
    %convert_element_type3A_40 = arith.sitofp %convert_element_type3A : vector<2048x8xi32> to vector<2048x8xf32>
    %reduce_max3A_41 = arith.constant dense<0xFF800000> : vector<8xf32>
    %reduce_max3A_42 = vector.multi_reduction <maximumf>, %convert_element_type3A_40, %reduce_max3A_41 [0] : vector<2048x8xf32> to vector<8xf32>
    %broadcast_in_dim3A_43 = vector.shape_cast %reduce_max3A_42 : vector<8xf32> to vector<1x8xf32>
    %get3A_44 = arith.constant 0 : index
    %get3A_45 = arith.constant 0 : index
    %get3A_46 = vector.load %arg2[%get3A_44, %get3A_45] : memref<8x8xf32, #tpu.memory_space<vmem>>, vector<8x8xf32>
    %iota3A_47 = tpu.iota {dimensions = array<i32: 1>} : vector<8x8xi32>
    %iota3A_48 = tpu.iota {dimensions = array<i32: 0>} : vector<8x8xi32>
    %eq3A_49 = arith.cmpi eq, %iota3A_47, %iota3A_48 : vector<8x8xi32>
    %gt3A = arith.constant 5.000000e-01 : f32
    %gt3A_50 = vector.broadcast %gt3A : f32 to vector<1x8xf32>
    %gt3A_51 = arith.cmpf ogt, %broadcast_in_dim3A_43, %gt3A_50 : vector<1x8xf32>
    %jit3A_52 = arith.constant -3.000000e+38 : f32
    %broadcast_in_dim3A_53 = vector.shape_cast %gt3A_51 : vector<1x8xi1> to vector<1x8xi1>
    %broadcast_in_dim3A_54 = vector.broadcast %broadcast_in_dim3A_53 : vector<1x8xi1> to vector<8x8xi1>
    %broadcast_in_dim3A_55 = vector.broadcast %jit3A_52 : f32 to vector<8x8xf32>
    %select_n3A_56 = arith.select %broadcast_in_dim3A_54, %get3A_46, %broadcast_in_dim3A_55 : vector<8x8xi1>, vector<8x8xf32>
    %reduce_max3A_57 = arith.constant dense<0xFF800000> : vector<8xf32>
    %reduce_max3A_58 = vector.multi_reduction <maximumf>, %select_n3A_56, %reduce_max3A_57 [1] : vector<8x8xf32> to vector<8xf32>
    %broadcast_in_dim3A_59 = vector.shape_cast %reduce_max3A_58 : vector<8xf32> to vector<8x1xf32>
    %eq3A_60 = vector.broadcast %broadcast_in_dim3A_59 : vector<8x1xf32> to vector<8x8xf32>
    %eq3A_61 = arith.cmpf oeq, %select_n3A_56, %eq3A_60 : vector<8x8xf32>
    %jit3A_62 = arith.constant 8 : i32
    %broadcast_in_dim3A_63 = vector.broadcast %jit3A_62 : i32 to vector<8x8xi32>
    %select_n3A_64 = arith.select %eq3A_61, %iota3A_47, %broadcast_in_dim3A_63 : vector<8x8xi1>, vector<8x8xi32>
    %reduce_min3A_65 = arith.constant dense<2147483647> : vector<8xi32>
    %reduce_min3A_66 = vector.multi_reduction <minsi>, %select_n3A_64, %reduce_min3A_65 [1] : vector<8x8xi32> to vector<8xi32>
    %broadcast_in_dim3A_67 = vector.shape_cast %reduce_min3A_66 : vector<8xi32> to vector<8x1xi32>
    %broadcast_in_dim3A_68 = vector.shape_cast %broadcast_in_dim3A_43 : vector<1x8xf32> to vector<1x8xf32>
    %broadcast_in_dim3A_69 = vector.broadcast %broadcast_in_dim3A_68 : vector<1x8xf32> to vector<8x8xf32>
    %jit3A_70 = arith.constant 0.000000e+00 : f32
    %broadcast_in_dim3A_71 = vector.broadcast %jit3A_70 : f32 to vector<8x8xf32>
    %select_n3A_72 = arith.select %eq3A_49, %broadcast_in_dim3A_69, %broadcast_in_dim3A_71 : vector<8x8xi1>, vector<8x8xf32>
    %reduce_max3A_73 = arith.constant dense<0xFF800000> : vector<8xf32>
    %reduce_max3A_74 = vector.multi_reduction <maximumf>, %select_n3A_72, %reduce_max3A_73 [1] : vector<8x8xf32> to vector<8xf32>
    %broadcast_in_dim3A_75 = vector.shape_cast %reduce_max3A_74 : vector<8xf32> to vector<8x1xf32>
    %lt3A = arith.constant 5.000000e-01 : f32
    %lt3A_76 = vector.broadcast %lt3A : f32 to vector<8x1xf32>
    %lt3A_77 = arith.cmpf olt, %broadcast_in_dim3A_75, %lt3A_76 : vector<8x1xf32>
    %ge3A = arith.constant 5.000000e-01 : f32
    %ge3A_78 = vector.broadcast %ge3A : f32 to vector<8x1xf32>
    %ge3A_79 = arith.cmpf oge, %broadcast_in_dim3A_59, %ge3A_78 : vector<8x1xf32>
    %and3A = arith.andi %lt3A_77, %ge3A_79 : vector<8x1xi1>
    %iota3A_80 = tpu.iota {dimensions = array<i32: 0>} : vector<8x1xi32>
    %select_n3A_81 = arith.select %and3A, %broadcast_in_dim3A_67, %iota3A_80 : vector<8x1xi1>, vector<8x1xi32>
    %eq3A_82 = vector.broadcast %select_n3A_81 : vector<8x1xi32> to vector<8x8xi32>
    %eq3A_83 = arith.cmpi eq, %eq3A_82, %iota3A_47 : vector<8x8xi32>
    %convert_element_type3A_84 = arith.extui %eq3A_83 : vector<8x8xi1> to vector<8x8xi32>
    %convert_element_type3A_85 = arith.sitofp %convert_element_type3A_84 : vector<8x8xi32> to vector<8x8xf32>
    %convert_element_type3A_86 = arith.extui %eq3A_19 : vector<2048x8xi1> to vector<2048x8xi32>
    %convert_element_type3A_87 = arith.sitofp %convert_element_type3A_86 : vector<2048x8xi32> to vector<2048x8xf32>
    %mul3A = vector.broadcast %div3A_38 : vector<2048x1xf32> to vector<2048x8xf32>
    %mul3A_88 = arith.mulf %mul3A, %convert_element_type3A_87 : vector<2048x8xf32>
    %convert_element_type3A_89 = arith.extui %eq3A_35 : vector<2048x8xi1> to vector<2048x8xi32>
    %convert_element_type3A_90 = arith.sitofp %convert_element_type3A_89 : vector<2048x8xi32> to vector<2048x8xf32>
    %mul3A_91 = vector.broadcast %div3A_39 : vector<2048x1xf32> to vector<2048x8xf32>
    %mul3A_92 = arith.mulf %mul3A_91, %convert_element_type3A_90 : vector<2048x8xf32>
    %add3A_93 = arith.addf %mul3A_88, %mul3A_92 : vector<2048x8xf32>
    %dot_general3A_94 = arith.constant dense<0.000000e+00> : vector<2048x8xf32>
    %dot_general3A_95 = tpu.matmul %add3A_93, %convert_element_type3A_85, %dot_general3A_94 {dimension_numbers = #tpu.dot_dimension_numbers<[1], [0], [0], [1], [0, 0, 1, 1], [], []>, transpose_lhs_hint = false} : vector<2048x8xf32>, vector<8x8xf32>, vector<2048x8xf32> -> vector<2048x8xf32>
    %reduce_max3A_96 = arith.constant dense<0xFF800000> : vector<2048xf32>
    %reduce_max3A_97 = vector.multi_reduction <maximumf>, %dot_general3A_95, %reduce_max3A_96 [1] : vector<2048x8xf32> to vector<2048xf32>
    %broadcast_in_dim3A_98 = vector.shape_cast %reduce_max3A_97 : vector<2048xf32> to vector<2048x1xf32>
    %eq3A_99 = vector.broadcast %broadcast_in_dim3A_98 : vector<2048x1xf32> to vector<2048x8xf32>
    %eq3A_100 = arith.cmpf oeq, %dot_general3A_95, %eq3A_99 : vector<2048x8xf32>
    %jit3A_101 = arith.constant 8 : i32
    %broadcast_in_dim3A_102 = vector.broadcast %jit3A_101 : i32 to vector<2048x8xi32>
    %select_n3A_103 = arith.select %eq3A_100, %iota3A, %broadcast_in_dim3A_102 : vector<2048x8xi1>, vector<2048x8xi32>
    %reduce_min3A_104 = arith.constant dense<2147483647> : vector<2048xi32>
    %reduce_min3A_105 = vector.multi_reduction <minsi>, %select_n3A_103, %reduce_min3A_104 [1] : vector<2048x8xi32> to vector<2048xi32>
    %broadcast_in_dim3A_106 = vector.shape_cast %reduce_min3A_105 : vector<2048xi32> to vector<2048x1xi32>
    %eq3A_107 = vector.broadcast %broadcast_in_dim3A_106 : vector<2048x1xi32> to vector<2048x8xi32>
    %eq3A_108 = arith.cmpi eq, %iota3A, %eq3A_107 : vector<2048x8xi32>
    %jit3A_109 = arith.constant -1.000000e+00 : f32
    %broadcast_in_dim3A_110 = vector.broadcast %jit3A_109 : f32 to vector<2048x8xf32>
    %select_n3A_111 = arith.select %eq3A_108, %broadcast_in_dim3A_110, %dot_general3A_95 : vector<2048x8xi1>, vector<2048x8xf32>
    %reduce_max3A_112 = arith.constant dense<0xFF800000> : vector<2048xf32>
    %reduce_max3A_113 = vector.multi_reduction <maximumf>, %select_n3A_111, %reduce_max3A_112 [1] : vector<2048x8xf32> to vector<2048xf32>
    %broadcast_in_dim3A_114 = vector.shape_cast %reduce_max3A_113 : vector<2048xf32> to vector<2048x1xf32>
    %eq3A_115 = vector.broadcast %broadcast_in_dim3A_114 : vector<2048x1xf32> to vector<2048x8xf32>
    %eq3A_116 = arith.cmpf oeq, %select_n3A_111, %eq3A_115 : vector<2048x8xf32>
    %jit3A_117 = arith.constant 8 : i32
    %broadcast_in_dim3A_118 = vector.broadcast %jit3A_117 : i32 to vector<2048x8xi32>
    %select_n3A_119 = arith.select %eq3A_116, %iota3A, %broadcast_in_dim3A_118 : vector<2048x8xi1>, vector<2048x8xi32>
    %reduce_min3A_120 = arith.constant dense<2147483647> : vector<2048xi32>
    %reduce_min3A_121 = vector.multi_reduction <minsi>, %select_n3A_119, %reduce_min3A_120 [1] : vector<2048x8xi32> to vector<2048xi32>
    %broadcast_in_dim3A_122 = vector.shape_cast %reduce_min3A_121 : vector<2048xi32> to vector<2048x1xi32>
    %eq3A_123 = vector.broadcast %broadcast_in_dim3A_122 : vector<2048x1xi32> to vector<2048x8xi32>
    %eq3A_124 = arith.cmpi eq, %iota3A, %eq3A_123 : vector<2048x8xi32>
    %broadcast_in_dim3A_125 = vector.shape_cast %broadcast_in_dim3A_98 : vector<2048x1xf32> to vector<2048x1xf32>
    %broadcast_in_dim3A_126 = vector.broadcast %broadcast_in_dim3A_125 : vector<2048x1xf32> to vector<2048x16xf32>
    %swap3A = arith.constant 0 : index
    %swap3A_127 = arith.constant 0 : index
    %swap3A_128 = vector.load %arg5[%swap3A, %swap3A_127] : memref<4096x16xf32, #tpu.memory_space<vmem>>, vector<2048x16xf32>
    tpu.vector_store %arg5[%swap3A, %swap3A_127], %broadcast_in_dim3A_126 {strides = array<i32>} : memref<4096x16xf32, #tpu.memory_space<vmem>>, vector<2048x16xf32>,
    %broadcast_in_dim3A_129 = vector.shape_cast %broadcast_in_dim3A_114 : vector<2048x1xf32> to vector<2048x1xf32>
    %broadcast_in_dim3A_130 = vector.broadcast %broadcast_in_dim3A_129 : vector<2048x1xf32> to vector<2048x16xf32>
    %swap3A_131 = arith.constant 2048 : index
    %swap3A_132 = arith.constant 0 : index
    %swap3A_133 = vector.load %arg5[%swap3A_131, %swap3A_132] : memref<4096x16xf32, #tpu.memory_space<vmem>>, vector<2048x16xf32>
    tpu.vector_store %arg5[%swap3A_131, %swap3A_132], %broadcast_in_dim3A_130 {strides = array<i32>} : memref<4096x16xf32, #tpu.memory_space<vmem>>, vector<2048x16xf32>,
    %get3A_134 = arith.constant 0 : index
    %get3A_135 = arith.constant 0 : index
    %get3A_136 = vector.load %arg3[%get3A_134, %get3A_135] : memref<256x256xf32, #tpu.memory_space<vmem>>, vector<256x256xf32>
    %broadcast_in_dim3A_137 = arith.constant 0.000000e+00 : f32
    %broadcast_in_dim3A_138 = vector.broadcast %broadcast_in_dim3A_137 : f32 to vector<1x8xf32>
    %slice3A = vector.extract_strided_slice %eq3A_108 {offsets = [0, 0], sizes = [256, 8], strides = [1, 1]} : vector<2048x8xi1> to vector<256x8xi1>
    %convert_element_type3A_139 = arith.extui %slice3A : vector<256x8xi1> to vector<256x8xi32>
    %convert_element_type3A_140 = arith.sitofp %convert_element_type3A_139 : vector<256x8xi32> to vector<256x8xf32>
    %dot_general3A_141 = arith.constant dense<0.000000e+00> : vector<256x8xf32>
    %dot_general3A_142 = tpu.matmul %get3A_136, %convert_element_type3A_140, %dot_general3A_141 {dimension_numbers = #tpu.dot_dimension_numbers<[1], [0], [0], [1], [0, 0, 1, 1], [], []>, transpose_lhs_hint = false} : vector<256x256xf32>, vector<256x8xf32>, vector<256x8xf32> -> vector<256x8xf32>
    %slice3A_143 = vector.extract_strided_slice %dot_general3A_142 {offsets = [255, 0], sizes = [1, 8], strides = [1, 1]} : vector<256x8xf32> to vector<1x8xf32>
    %add3A_144 = arith.addf %broadcast_in_dim3A_138, %slice3A_143 : vector<1x8xf32>
    %slice3A_145 = vector.extract_strided_slice %eq3A_108 {offsets = [256, 0], sizes = [256, 8], strides = [1, 1]} : vector<2048x8xi1> to vector<256x8xi1>
    %convert_element_type3A_146 = arith.extui %slice3A_145 : vector<256x8xi1> to vector<256x8xi32>
    %convert_element_type3A_147 = arith.sitofp %convert_element_type3A_146 : vector<256x8xi32> to vector<256x8xf32>
    %dot_general3A_148 = arith.constant dense<0.000000e+00> : vector<256x8xf32>
    %dot_general3A_149 = tpu.matmul %get3A_136, %convert_element_type3A_147, %dot_general3A_148 {dimension_numbers = #tpu.dot_dimension_numbers<[1], [0], [0], [1], [0, 0, 1, 1], [], []>, transpose_lhs_hint = false} : vector<256x256xf32>, vector<256x8xf32>, vector<256x8xf32> -> vector<256x8xf32>
    %slice3A_150 = vector.extract_strided_slice %dot_general3A_149 {offsets = [255, 0], sizes = [1, 8], strides = [1, 1]} : vector<256x8xf32> to vector<1x8xf32>
    %add3A_151 = arith.addf %add3A_144, %slice3A_150 : vector<1x8xf32>
    %slice3A_152 = vector.extract_strided_slice %eq3A_108 {offsets = [512, 0], sizes = [256, 8], strides = [1, 1]} : vector<2048x8xi1> to vector<256x8xi1>
    %convert_element_type3A_153 = arith.extui %slice3A_152 : vector<256x8xi1> to vector<256x8xi32>
    %convert_element_type3A_154 = arith.sitofp %convert_element_type3A_153 : vector<256x8xi32> to vector<256x8xf32>
    %dot_general3A_155 = arith.constant dense<0.000000e+00> : vector<256x8xf32>
    %dot_general3A_156 = tpu.matmul %get3A_136, %convert_element_type3A_154, %dot_general3A_155 {dimension_numbers = #tpu.dot_dimension_numbers<[1], [0], [0], [1], [0, 0, 1, 1], [], []>, transpose_lhs_hint = false} : vector<256x256xf32>, vector<256x8xf32>, vector<256x8xf32> -> vector<256x8xf32>
    %slice3A_157 = vector.extract_strided_slice %dot_general3A_156 {offsets = [255, 0], sizes = [1, 8], strides = [1, 1]} : vector<256x8xf32> to vector<1x8xf32>
    %add3A_158 = arith.addf %add3A_151, %slice3A_157 : vector<1x8xf32>
    %slice3A_159 = vector.extract_strided_slice %eq3A_108 {offsets = [768, 0], sizes = [256, 8], strides = [1, 1]} : vector<2048x8xi1> to vector<256x8xi1>
    %convert_element_type3A_160 = arith.extui %slice3A_159 : vector<256x8xi1> to vector<256x8xi32>
    %convert_element_type3A_161 = arith.sitofp %convert_element_type3A_160 : vector<256x8xi32> to vector<256x8xf32>
    %dot_general3A_162 = arith.constant dense<0.000000e+00> : vector<256x8xf32>
    %dot_general3A_163 = tpu.matmul %get3A_136, %convert_element_type3A_161, %dot_general3A_162 {dimension_numbers = #tpu.dot_dimension_numbers<[1], [0], [0], [1], [0, 0, 1, 1], [], []>, transpose_lhs_hint = false} : vector<256x256xf32>, vector<256x8xf32>, vector<256x8xf32> -> vector<256x8xf32>
    %slice3A_164 = vector.extract_strided_slice %dot_general3A_163 {offsets = [255, 0], sizes = [1, 8], strides = [1, 1]} : vector<256x8xf32> to vector<1x8xf32>
    %add3A_165 = arith.addf %add3A_158, %slice3A_164 : vector<1x8xf32>
    %slice3A_166 = vector.extract_strided_slice %eq3A_108 {offsets = [1024, 0], sizes = [256, 8], strides = [1, 1]} : vector<2048x8xi1> to vector<256x8xi1>
    %convert_element_type3A_167 = arith.extui %slice3A_166 : vector<256x8xi1> to vector<256x8xi32>
    %convert_element_type3A_168 = arith.sitofp %convert_element_type3A_167 : vector<256x8xi32> to vector<256x8xf32>
    %dot_general3A_169 = arith.constant dense<0.000000e+00> : vector<256x8xf32>
    %dot_general3A_170 = tpu.matmul %get3A_136, %convert_element_type3A_168, %dot_general3A_169 {dimension_numbers = #tpu.dot_dimension_numbers<[1], [0], [0], [1], [0, 0, 1, 1], [], []>, transpose_lhs_hint = false} : vector<256x256xf32>, vector<256x8xf32>, vector<256x8xf32> -> vector<256x8xf32>
    %slice3A_171 = vector.extract_strided_slice %dot_general3A_170 {offsets = [255, 0], sizes = [1, 8], strides = [1, 1]} : vector<256x8xf32> to vector<1x8xf32>
    %add3A_172 = arith.addf %add3A_165, %slice3A_171 : vector<1x8xf32>
    %slice3A_173 = vector.extract_strided_slice %eq3A_108 {offsets = [1280, 0], sizes = [256, 8], strides = [1, 1]} : vector<2048x8xi1> to vector<256x8xi1>
    %convert_element_type3A_174 = arith.extui %slice3A_173 : vector<256x8xi1> to vector<256x8xi32>
    %convert_element_type3A_175 = arith.sitofp %convert_element_type3A_174 : vector<256x8xi32> to vector<256x8xf32>
    %dot_general3A_176 = arith.constant dense<0.000000e+00> : vector<256x8xf32>
    %dot_general3A_177 = tpu.matmul %get3A_136, %convert_element_type3A_175, %dot_general3A_176 {dimension_numbers = #tpu.dot_dimension_numbers<[1], [0], [0], [1], [0, 0, 1, 1], [], []>, transpose_lhs_hint = false} : vector<256x256xf32>, vector<256x8xf32>, vector<256x8xf32> -> vector<256x8xf32>
    %slice3A_178 = vector.extract_strided_slice %dot_general3A_177 {offsets = [255, 0], sizes = [1, 8], strides = [1, 1]} : vector<256x8xf32> to vector<1x8xf32>
    %add3A_179 = arith.addf %add3A_172, %slice3A_178 : vector<1x8xf32>
    %slice3A_180 = vector.extract_strided_slice %eq3A_108 {offsets = [1536, 0], sizes = [256, 8], strides = [1, 1]} : vector<2048x8xi1> to vector<256x8xi1>
    %convert_element_type3A_181 = arith.extui %slice3A_180 : vector<256x8xi1> to vector<256x8xi32>
    %convert_element_type3A_182 = arith.sitofp %convert_element_type3A_181 : vector<256x8xi32> to vector<256x8xf32>
    %dot_general3A_183 = arith.constant dense<0.000000e+00> : vector<256x8xf32>
    %dot_general3A_184 = tpu.matmul %get3A_136, %convert_element_type3A_182, %dot_general3A_183 {dimension_numbers = #tpu.dot_dimension_numbers<[1], [0], [0], [1], [0, 0, 1, 1], [], []>, transpose_lhs_hint = false} : vector<256x256xf32>, vector<256x8xf32>, vector<256x8xf32> -> vector<256x8xf32>
    %slice3A_185 = vector.extract_strided_slice %dot_general3A_184 {offsets = [255, 0], sizes = [1, 8], strides = [1, 1]} : vector<256x8xf32> to vector<1x8xf32>
    %add3A_186 = arith.addf %add3A_179, %slice3A_185 : vector<1x8xf32>
    %slice3A_187 = vector.extract_strided_slice %eq3A_108 {offsets = [1792, 0], sizes = [256, 8], strides = [1, 1]} : vector<2048x8xi1> to vector<256x8xi1>
    %convert_element_type3A_188 = arith.extui %slice3A_187 : vector<256x8xi1> to vector<256x8xi32>
    %convert_element_type3A_189 = arith.sitofp %convert_element_type3A_188 : vector<256x8xi32> to vector<256x8xf32>
    %dot_general3A_190 = arith.constant dense<0.000000e+00> : vector<256x8xf32>
    %dot_general3A_191 = tpu.matmul %get3A_136, %convert_element_type3A_189, %dot_general3A_190 {dimension_numbers = #tpu.dot_dimension_numbers<[1], [0], [0], [1], [0, 0, 1, 1], [], []>, transpose_lhs_hint = false} : vector<256x256xf32>, vector<256x8xf32>, vector<256x8xf32> -> vector<256x8xf32>
    %slice3A_192 = vector.extract_strided_slice %dot_general3A_191 {offsets = [255, 0], sizes = [1, 8], strides = [1, 1]} : vector<256x8xf32> to vector<1x8xf32>
    %add3A_193 = arith.addf %add3A_186, %slice3A_192 : vector<1x8xf32>
    %slice3A_194 = vector.extract_strided_slice %eq3A_124 {offsets = [0, 0], sizes = [256, 8], strides = [1, 1]} : vector<2048x8xi1> to vector<256x8xi1>
    %convert_element_type3A_195 = arith.extui %slice3A_194 : vector<256x8xi1> to vector<256x8xi32>
    %convert_element_type3A_196 = arith.sitofp %convert_element_type3A_195 : vector<256x8xi32> to vector<256x8xf32>
    %dot_general3A_197 = arith.constant dense<0.000000e+00> : vector<256x8xf32>
    %dot_general3A_198 = tpu.matmul %get3A_136, %convert_element_type3A_196, %dot_general3A_197 {dimension_numbers = #tpu.dot_dimension_numbers<[1], [0], [0], [1], [0, 0, 1, 1], [], []>, transpose_lhs_hint = false} : vector<256x256xf32>, vector<256x8xf32>, vector<256x8xf32> -> vector<256x8xf32>
    %slice3A_199 = vector.extract_strided_slice %dot_general3A_198 {offsets = [255, 0], sizes = [1, 8], strides = [1, 1]} : vector<256x8xf32> to vector<1x8xf32>
    %add3A_200 = arith.addf %add3A_193, %slice3A_199 : vector<1x8xf32>
    %slice3A_201 = vector.extract_strided_slice %eq3A_124 {offsets = [256, 0], sizes = [256, 8], strides = [1, 1]} : vector<2048x8xi1> to vector<256x8xi1>
    %convert_element_type3A_202 = arith.extui %slice3A_201 : vector<256x8xi1> to vector<256x8xi32>
    %convert_element_type3A_203 = arith.sitofp %convert_element_type3A_202 : vector<256x8xi32> to vector<256x8xf32>
    %dot_general3A_204 = arith.constant dense<0.000000e+00> : vector<256x8xf32>
    %dot_general3A_205 = tpu.matmul %get3A_136, %convert_element_type3A_203, %dot_general3A_204 {dimension_numbers = #tpu.dot_dimension_numbers<[1], [0], [0], [1], [0, 0, 1, 1], [], []>, transpose_lhs_hint = false} : vector<256x256xf32>, vector<256x8xf32>, vector<256x8xf32> -> vector<256x8xf32>
    %slice3A_206 = vector.extract_strided_slice %dot_general3A_205 {offsets = [255, 0], sizes = [1, 8], strides = [1, 1]} : vector<256x8xf32> to vector<1x8xf32>
    %add3A_207 = arith.addf %add3A_200, %slice3A_206 : vector<1x8xf32>
    %slice3A_208 = vector.extract_strided_slice %eq3A_124 {offsets = [512, 0], sizes = [256, 8], strides = [1, 1]} : vector<2048x8xi1> to vector<256x8xi1>
    %convert_element_type3A_209 = arith.extui %slice3A_208 : vector<256x8xi1> to vector<256x8xi32>
    %convert_element_type3A_210 = arith.sitofp %convert_element_type3A_209 : vector<256x8xi32> to vector<256x8xf32>
    %dot_general3A_211 = arith.constant dense<0.000000e+00> : vector<256x8xf32>
    %dot_general3A_212 = tpu.matmul %get3A_136, %convert_element_type3A_210, %dot_general3A_211 {dimension_numbers = #tpu.dot_dimension_numbers<[1], [0], [0], [1], [0, 0, 1, 1], [], []>, transpose_lhs_hint = false} : vector<256x256xf32>, vector<256x8xf32>, vector<256x8xf32> -> vector<256x8xf32>
    %slice3A_213 = vector.extract_strided_slice %dot_general3A_212 {offsets = [255, 0], sizes = [1, 8], strides = [1, 1]} : vector<256x8xf32> to vector<1x8xf32>
    %add3A_214 = arith.addf %add3A_207, %slice3A_213 : vector<1x8xf32>
    %slice3A_215 = vector.extract_strided_slice %eq3A_124 {offsets = [768, 0], sizes = [256, 8], strides = [1, 1]} : vector<2048x8xi1> to vector<256x8xi1>
    %convert_element_type3A_216 = arith.extui %slice3A_215 : vector<256x8xi1> to vector<256x8xi32>
    %convert_element_type3A_217 = arith.sitofp %convert_element_type3A_216 : vector<256x8xi32> to vector<256x8xf32>
    %dot_general3A_218 = arith.constant dense<0.000000e+00> : vector<256x8xf32>
    %dot_general3A_219 = tpu.matmul %get3A_136, %convert_element_type3A_217, %dot_general3A_218 {dimension_numbers = #tpu.dot_dimension_numbers<[1], [0], [0], [1], [0, 0, 1, 1], [], []>, transpose_lhs_hint = false} : vector<256x256xf32>, vector<256x8xf32>, vector<256x8xf32> -> vector<256x8xf32>
    %slice3A_220 = vector.extract_strided_slice %dot_general3A_219 {offsets = [255, 0], sizes = [1, 8], strides = [1, 1]} : vector<256x8xf32> to vector<1x8xf32>
    %add3A_221 = arith.addf %add3A_214, %slice3A_220 : vector<1x8xf32>
    %slice3A_222 = vector.extract_strided_slice %eq3A_124 {offsets = [1024, 0], sizes = [256, 8], strides = [1, 1]} : vector<2048x8xi1> to vector<256x8xi1>
    %convert_element_type3A_223 = arith.extui %slice3A_222 : vector<256x8xi1> to vector<256x8xi32>
    %convert_element_type3A_224 = arith.sitofp %convert_element_type3A_223 : vector<256x8xi32> to vector<256x8xf32>
    %dot_general3A_225 = arith.constant dense<0.000000e+00> : vector<256x8xf32>
    %dot_general3A_226 = tpu.matmul %get3A_136, %convert_element_type3A_224, %dot_general3A_225 {dimension_numbers = #tpu.dot_dimension_numbers<[1], [0], [0], [1], [0, 0, 1, 1], [], []>, transpose_lhs_hint = false} : vector<256x256xf32>, vector<256x8xf32>, vector<256x8xf32> -> vector<256x8xf32>
    %slice3A_227 = vector.extract_strided_slice %dot_general3A_226 {offsets = [255, 0], sizes = [1, 8], strides = [1, 1]} : vector<256x8xf32> to vector<1x8xf32>
    %add3A_228 = arith.addf %add3A_221, %slice3A_227 : vector<1x8xf32>
    %slice3A_229 = vector.extract_strided_slice %eq3A_124 {offsets = [1280, 0], sizes = [256, 8], strides = [1, 1]} : vector<2048x8xi1> to vector<256x8xi1>
    %convert_element_type3A_230 = arith.extui %slice3A_229 : vector<256x8xi1> to vector<256x8xi32>
    %convert_element_type3A_231 = arith.sitofp %convert_element_type3A_230 : vector<256x8xi32> to vector<256x8xf32>
    %dot_general3A_232 = arith.constant dense<0.000000e+00> : vector<256x8xf32>
    %dot_general3A_233 = tpu.matmul %get3A_136, %convert_element_type3A_231, %dot_general3A_232 {dimension_numbers = #tpu.dot_dimension_numbers<[1], [0], [0], [1], [0, 0, 1, 1], [], []>, transpose_lhs_hint = false} : vector<256x256xf32>, vector<256x8xf32>, vector<256x8xf32> -> vector<256x8xf32>
    %slice3A_234 = vector.extract_strided_slice %dot_general3A_233 {offsets = [255, 0], sizes = [1, 8], strides = [1, 1]} : vector<256x8xf32> to vector<1x8xf32>
    %add3A_235 = arith.addf %add3A_228, %slice3A_234 : vector<1x8xf32>
    %slice3A_236 = vector.extract_strided_slice %eq3A_124 {offsets = [1536, 0], sizes = [256, 8], strides = [1, 1]} : vector<2048x8xi1> to vector<256x8xi1>
    %convert_element_type3A_237 = arith.extui %slice3A_236 : vector<256x8xi1> to vector<256x8xi32>
    %convert_element_type3A_238 = arith.sitofp %convert_element_type3A_237 : vector<256x8xi32> to vector<256x8xf32>
    %dot_general3A_239 = arith.constant dense<0.000000e+00> : vector<256x8xf32>
    %dot_general3A_240 = tpu.matmul %get3A_136, %convert_element_type3A_238, %dot_general3A_239 {dimension_numbers = #tpu.dot_dimension_numbers<[1], [0], [0], [1], [0, 0, 1, 1], [], []>, transpose_lhs_hint = false} : vector<256x256xf32>, vector<256x8xf32>, vector<256x8xf32> -> vector<256x8xf32>
    %slice3A_241 = vector.extract_strided_slice %dot_general3A_240 {offsets = [255, 0], sizes = [1, 8], strides = [1, 1]} : vector<256x8xf32> to vector<1x8xf32>
    %add3A_242 = arith.addf %add3A_235, %slice3A_241 : vector<1x8xf32>
    %slice3A_243 = vector.extract_strided_slice %eq3A_124 {offsets = [1792, 0], sizes = [256, 8], strides = [1, 1]} : vector<2048x8xi1> to vector<256x8xi1>
    %convert_element_type3A_244 = arith.extui %slice3A_243 : vector<256x8xi1> to vector<256x8xi32>
    %convert_element_type3A_245 = arith.sitofp %convert_element_type3A_244 : vector<256x8xi32> to vector<256x8xf32>
    %dot_general3A_246 = arith.constant dense<0.000000e+00> : vector<256x8xf32>
    %dot_general3A_247 = tpu.matmul %get3A_136, %convert_element_type3A_245, %dot_general3A_246 {dimension_numbers = #tpu.dot_dimension_numbers<[1], [0], [0], [1], [0, 0, 1, 1], [], []>, transpose_lhs_hint = false} : vector<256x256xf32>, vector<256x8xf32>, vector<256x8xf32> -> vector<256x8xf32>
    %slice3A_248 = vector.extract_strided_slice %dot_general3A_247 {offsets = [255, 0], sizes = [1, 8], strides = [1, 1]} : vector<256x8xf32> to vector<1x8xf32>
    %add3A_249 = arith.addf %add3A_242, %slice3A_248 : vector<1x8xf32>
    %add3A_250 = arith.constant 5.110000e+02 : f32
    %add3A_251 = vector.broadcast %add3A_250 : f32 to vector<1x8xf32>
    %add3A_252 = arith.addf %add3A_249, %add3A_251 : vector<1x8xf32>
    %mul3A_253 = arith.constant 0.001953125 : f32
    %mul3A_254 = vector.broadcast %mul3A_253 : f32 to vector<1x8xf32>
    %mul3A_255 = arith.mulf %add3A_252, %mul3A_254 : vector<1x8xf32>
    %floor3A = math.floor %mul3A_255 : vector<1x8xf32>
    %iota3A_256 = tpu.iota {dimensions = array<i32: 0>} : vector<8x8xi32>
    %lt3A_257 = arith.cmpi slt, %iota3A_256, %iota3A_47 : vector<8x8xi32>
    %convert_element_type3A_258 = arith.extui %lt3A_257 : vector<8x8xi1> to vector<8x8xi32>
    %convert_element_type3A_259 = arith.sitofp %convert_element_type3A_258 : vector<8x8xi32> to vector<8x8xf32>
    %dot_general3A_260 = arith.constant dense<0.000000e+00> : vector<1x8xf32>
    %dot_general3A_261 = tpu.matmul %floor3A, %convert_element_type3A_259, %dot_general3A_260 {dimension_numbers = #tpu.dot_dimension_numbers<[1], [0], [0], [1], [0, 0, 1, 1], [], []>, transpose_lhs_hint = false} : vector<1x8xf32>, vector<8x8xf32>, vector<1x8xf32> -> vector<1x8xf32>
    %mul3A_262 = arith.constant 5.120000e+02 : f32
    %mul3A_263 = vector.broadcast %mul3A_262 : f32 to vector<1x8xf32>
    %mul3A_264 = arith.mulf %dot_general3A_261, %mul3A_263 : vector<1x8xf32>
    %reduce_sum3A_265 = vector.shape_cast %floor3A : vector<1x8xf32> to vector<1x1x8xf32>
    %reduce_sum3A_266 = arith.constant dense<0.000000e+00> : vector<1xf32>
    %reduce_sum3A_267 = vector.multi_reduction <add>, %reduce_sum3A_265, %reduce_sum3A_266 [1, 2] : vector<1x1x8xf32> to vector<1xf32>
    %reduce_sum3A_268 = vector.shape_cast %reduce_sum3A_267 : vector<1xf32> to vector<1x1x1xf32>
    %reduce_sum3A_269 = vector.extract %reduce_sum3A_268[0, 0, 0] : f32 from vector<1x1x1xf32>
    %add3A_270 = arith.addf %dot_general3A_261, %floor3A : vector<1x8xf32>
    %add3A_271 = vector.broadcast %broadcast_in_dim3A_138 : vector<1x8xf32> to vector<256x8xf32>
    %add3A_272 = arith.addf %dot_general3A_142, %add3A_271 : vector<256x8xf32>
    %mul3A_273 = arith.mulf %add3A_272, %convert_element_type3A_140 : vector<256x8xf32>
    %reduce_sum3A_274 = arith.constant dense<0.000000e+00> : vector<256xf32>
    %reduce_sum3A_275 = vector.multi_reduction <add>, %mul3A_273, %reduce_sum3A_274 [1] : vector<256x8xf32> to vector<256xf32>
    %broadcast_in_dim3A_276 = vector.shape_cast %reduce_sum3A_275 : vector<256xf32> to vector<256x1xf32>
    %sub3A_277 = arith.constant 1.000000e+00 : f32
    %sub3A_278 = vector.broadcast %sub3A_277 : f32 to vector<256x1xf32>
    %sub3A_279 = arith.subf %broadcast_in_dim3A_276, %sub3A_278 : vector<256x1xf32>
    %mul3A_280 = vector.broadcast %mul3A_264 : vector<1x8xf32> to vector<256x8xf32>
    %mul3A_281 = arith.mulf %mul3A_280, %convert_element_type3A_140 : vector<256x8xf32>
    %reduce_sum3A_282 = arith.constant dense<0.000000e+00> : vector<256xf32>
    %reduce_sum3A_283 = vector.multi_reduction <add>, %mul3A_281, %reduce_sum3A_282 [1] : vector<256x8xf32> to vector<256xf32>
    %broadcast_in_dim3A_284 = vector.shape_cast %reduce_sum3A_283 : vector<256xf32> to vector<256x1xf32>
    %add3A_285 = arith.addf %broadcast_in_dim3A_284, %sub3A_279 : vector<256x1xf32>
    %convert_element_type3A_286 = arith.fptosi %add3A_285 : vector<256x1xf32> to vector<256x1xi32>
    %swap3A_287 = arith.constant 0 : index
    %swap3A_288 = arith.constant 0 : index
    %swap3A_289 = vector.load %arg4[%swap3A_287, %swap3A_288] : memref<4096x1xi32, #tpu.memory_space<vmem>>, vector<256x1xi32>
    tpu.vector_store %arg4[%swap3A_287, %swap3A_288], %convert_element_type3A_286 {strides = array<i32>} : memref<4096x1xi32, #tpu.memory_space<vmem>>, vector<256x1xi32>,
    %add3A_290 = vector.broadcast %add3A_144 : vector<1x8xf32> to vector<256x8xf32>
    %add3A_291 = arith.addf %dot_general3A_149, %add3A_290 : vector<256x8xf32>
    %mul3A_292 = arith.mulf %add3A_291, %convert_element_type3A_147 : vector<256x8xf32>
    %reduce_sum3A_293 = arith.constant dense<0.000000e+00> : vector<256xf32>
    %reduce_sum3A_294 = vector.multi_reduction <add>, %mul3A_292, %reduce_sum3A_293 [1] : vector<256x8xf32> to vector<256xf32>
    %broadcast_in_dim3A_295 = vector.shape_cast %reduce_sum3A_294 : vector<256xf32> to vector<256x1xf32>
    %sub3A_296 = arith.constant 1.000000e+00 : f32
    %sub3A_297 = vector.broadcast %sub3A_296 : f32 to vector<256x1xf32>
    %sub3A_298 = arith.subf %broadcast_in_dim3A_295, %sub3A_297 : vector<256x1xf32>
    %mul3A_299 = vector.broadcast %mul3A_264 : vector<1x8xf32> to vector<256x8xf32>
    %mul3A_300 = arith.mulf %mul3A_299, %convert_element_type3A_147 : vector<256x8xf32>
    %reduce_sum3A_301 = arith.constant dense<0.000000e+00> : vector<256xf32>
    %reduce_sum3A_302 = vector.multi_reduction <add>, %mul3A_300, %reduce_sum3A_301 [1] : vector<256x8xf32> to vector<256xf32>
    %broadcast_in_dim3A_303 = vector.shape_cast %reduce_sum3A_302 : vector<256xf32> to vector<256x1xf32>
    %add3A_304 = arith.addf %broadcast_in_dim3A_303, %sub3A_298 : vector<256x1xf32>
    %convert_element_type3A_305 = arith.fptosi %add3A_304 : vector<256x1xf32> to vector<256x1xi32>
    %swap3A_306 = arith.constant 256 : index
    %swap3A_307 = arith.constant 0 : index
    %swap3A_308 = vector.load %arg4[%swap3A_306, %swap3A_307] : memref<4096x1xi32, #tpu.memory_space<vmem>>, vector<256x1xi32>
    tpu.vector_store %arg4[%swap3A_306, %swap3A_307], %convert_element_type3A_305 {strides = array<i32>} : memref<4096x1xi32, #tpu.memory_space<vmem>>, vector<256x1xi32>,
    %add3A_309 = vector.broadcast %add3A_151 : vector<1x8xf32> to vector<256x8xf32>
    %add3A_310 = arith.addf %dot_general3A_156, %add3A_309 : vector<256x8xf32>
    %mul3A_311 = arith.mulf %add3A_310, %convert_element_type3A_154 : vector<256x8xf32>
    %reduce_sum3A_312 = arith.constant dense<0.000000e+00> : vector<256xf32>
    %reduce_sum3A_313 = vector.multi_reduction <add>, %mul3A_311, %reduce_sum3A_312 [1] : vector<256x8xf32> to vector<256xf32>
    %broadcast_in_dim3A_314 = vector.shape_cast %reduce_sum3A_313 : vector<256xf32> to vector<256x1xf32>
    %sub3A_315 = arith.constant 1.000000e+00 : f32
    %sub3A_316 = vector.broadcast %sub3A_315 : f32 to vector<256x1xf32>
    %sub3A_317 = arith.subf %broadcast_in_dim3A_314, %sub3A_316 : vector<256x1xf32>
    %mul3A_318 = vector.broadcast %mul3A_264 : vector<1x8xf32> to vector<256x8xf32>
    %mul3A_319 = arith.mulf %mul3A_318, %convert_element_type3A_154 : vector<256x8xf32>
    %reduce_sum3A_320 = arith.constant dense<0.000000e+00> : vector<256xf32>
    %reduce_sum3A_321 = vector.multi_reduction <add>, %mul3A_319, %reduce_sum3A_320 [1] : vector<256x8xf32> to vector<256xf32>
    %broadcast_in_dim3A_322 = vector.shape_cast %reduce_sum3A_321 : vector<256xf32> to vector<256x1xf32>
    %add3A_323 = arith.addf %broadcast_in_dim3A_322, %sub3A_317 : vector<256x1xf32>
    %convert_element_type3A_324 = arith.fptosi %add3A_323 : vector<256x1xf32> to vector<256x1xi32>
    %swap3A_325 = arith.constant 512 : index
    %swap3A_326 = arith.constant 0 : index
    %swap3A_327 = vector.load %arg4[%swap3A_325, %swap3A_326] : memref<4096x1xi32, #tpu.memory_space<vmem>>, vector<256x1xi32>
    tpu.vector_store %arg4[%swap3A_325, %swap3A_326], %convert_element_type3A_324 {strides = array<i32>} : memref<4096x1xi32, #tpu.memory_space<vmem>>, vector<256x1xi32>,
    %add3A_328 = vector.broadcast %add3A_158 : vector<1x8xf32> to vector<256x8xf32>
    %add3A_329 = arith.addf %dot_general3A_163, %add3A_328 : vector<256x8xf32>
    %mul3A_330 = arith.mulf %add3A_329, %convert_element_type3A_161 : vector<256x8xf32>
    %reduce_sum3A_331 = arith.constant dense<0.000000e+00> : vector<256xf32>
    %reduce_sum3A_332 = vector.multi_reduction <add>, %mul3A_330, %reduce_sum3A_331 [1] : vector<256x8xf32> to vector<256xf32>
    %broadcast_in_dim3A_333 = vector.shape_cast %reduce_sum3A_332 : vector<256xf32> to vector<256x1xf32>
    %sub3A_334 = arith.constant 1.000000e+00 : f32
    %sub3A_335 = vector.broadcast %sub3A_334 : f32 to vector<256x1xf32>
    %sub3A_336 = arith.subf %broadcast_in_dim3A_333, %sub3A_335 : vector<256x1xf32>
    %mul3A_337 = vector.broadcast %mul3A_264 : vector<1x8xf32> to vector<256x8xf32>
    %mul3A_338 = arith.mulf %mul3A_337, %convert_element_type3A_161 : vector<256x8xf32>
    %reduce_sum3A_339 = arith.constant dense<0.000000e+00> : vector<256xf32>
    %reduce_sum3A_340 = vector.multi_reduction <add>, %mul3A_338, %reduce_sum3A_339 [1] : vector<256x8xf32> to vector<256xf32>
    %broadcast_in_dim3A_341 = vector.shape_cast %reduce_sum3A_340 : vector<256xf32> to vector<256x1xf32>
    %add3A_342 = arith.addf %broadcast_in_dim3A_341, %sub3A_336 : vector<256x1xf32>
    %convert_element_type3A_343 = arith.fptosi %add3A_342 : vector<256x1xf32> to vector<256x1xi32>
    %swap3A_344 = arith.constant 768 : index
    %swap3A_345 = arith.constant 0 : index
    %swap3A_346 = vector.load %arg4[%swap3A_344, %swap3A_345] : memref<4096x1xi32, #tpu.memory_space<vmem>>, vector<256x1xi32>
    tpu.vector_store %arg4[%swap3A_344, %swap3A_345], %convert_element_type3A_343 {strides = array<i32>} : memref<4096x1xi32, #tpu.memory_space<vmem>>, vector<256x1xi32>,
    %add3A_347 = vector.broadcast %add3A_165 : vector<1x8xf32> to vector<256x8xf32>
    %add3A_348 = arith.addf %dot_general3A_170, %add3A_347 : vector<256x8xf32>
    %mul3A_349 = arith.mulf %add3A_348, %convert_element_type3A_168 : vector<256x8xf32>
    %reduce_sum3A_350 = arith.constant dense<0.000000e+00> : vector<256xf32>
    %reduce_sum3A_351 = vector.multi_reduction <add>, %mul3A_349, %reduce_sum3A_350 [1] : vector<256x8xf32> to vector<256xf32>
    %broadcast_in_dim3A_352 = vector.shape_cast %reduce_sum3A_351 : vector<256xf32> to vector<256x1xf32>
    %sub3A_353 = arith.constant 1.000000e+00 : f32
    %sub3A_354 = vector.broadcast %sub3A_353 : f32 to vector<256x1xf32>
    %sub3A_355 = arith.subf %broadcast_in_dim3A_352, %sub3A_354 : vector<256x1xf32>
    %mul3A_356 = vector.broadcast %mul3A_264 : vector<1x8xf32> to vector<256x8xf32>
    %mul3A_357 = arith.mulf %mul3A_356, %convert_element_type3A_168 : vector<256x8xf32>
    %reduce_sum3A_358 = arith.constant dense<0.000000e+00> : vector<256xf32>
    %reduce_sum3A_359 = vector.multi_reduction <add>, %mul3A_357, %reduce_sum3A_358 [1] : vector<256x8xf32> to vector<256xf32>
    %broadcast_in_dim3A_360 = vector.shape_cast %reduce_sum3A_359 : vector<256xf32> to vector<256x1xf32>
    %add3A_361 = arith.addf %broadcast_in_dim3A_360, %sub3A_355 : vector<256x1xf32>
    %convert_element_type3A_362 = arith.fptosi %add3A_361 : vector<256x1xf32> to vector<256x1xi32>
    %swap3A_363 = arith.constant 1024 : index
    %swap3A_364 = arith.constant 0 : index
    %swap3A_365 = vector.load %arg4[%swap3A_363, %swap3A_364] : memref<4096x1xi32, #tpu.memory_space<vmem>>, vector<256x1xi32>
    tpu.vector_store %arg4[%swap3A_363, %swap3A_364], %convert_element_type3A_362 {strides = array<i32>} : memref<4096x1xi32, #tpu.memory_space<vmem>>, vector<256x1xi32>,
    %add3A_366 = vector.broadcast %add3A_172 : vector<1x8xf32> to vector<256x8xf32>
    %add3A_367 = arith.addf %dot_general3A_177, %add3A_366 : vector<256x8xf32>
    %mul3A_368 = arith.mulf %add3A_367, %convert_element_type3A_175 : vector<256x8xf32>
    %reduce_sum3A_369 = arith.constant dense<0.000000e+00> : vector<256xf32>
    %reduce_sum3A_370 = vector.multi_reduction <add>, %mul3A_368, %reduce_sum3A_369 [1] : vector<256x8xf32> to vector<256xf32>
    %broadcast_in_dim3A_371 = vector.shape_cast %reduce_sum3A_370 : vector<256xf32> to vector<256x1xf32>
    %sub3A_372 = arith.constant 1.000000e+00 : f32
    %sub3A_373 = vector.broadcast %sub3A_372 : f32 to vector<256x1xf32>
    %sub3A_374 = arith.subf %broadcast_in_dim3A_371, %sub3A_373 : vector<256x1xf32>
    %mul3A_375 = vector.broadcast %mul3A_264 : vector<1x8xf32> to vector<256x8xf32>
    %mul3A_376 = arith.mulf %mul3A_375, %convert_element_type3A_175 : vector<256x8xf32>
    %reduce_sum3A_377 = arith.constant dense<0.000000e+00> : vector<256xf32>
    %reduce_sum3A_378 = vector.multi_reduction <add>, %mul3A_376, %reduce_sum3A_377 [1] : vector<256x8xf32> to vector<256xf32>
    %broadcast_in_dim3A_379 = vector.shape_cast %reduce_sum3A_378 : vector<256xf32> to vector<256x1xf32>
    %add3A_380 = arith.addf %broadcast_in_dim3A_379, %sub3A_374 : vector<256x1xf32>
    %convert_element_type3A_381 = arith.fptosi %add3A_380 : vector<256x1xf32> to vector<256x1xi32>
    %swap3A_382 = arith.constant 1280 : index
    %swap3A_383 = arith.constant 0 : index
    %swap3A_384 = vector.load %arg4[%swap3A_382, %swap3A_383] : memref<4096x1xi32, #tpu.memory_space<vmem>>, vector<256x1xi32>
    tpu.vector_store %arg4[%swap3A_382, %swap3A_383], %convert_element_type3A_381 {strides = array<i32>} : memref<4096x1xi32, #tpu.memory_space<vmem>>, vector<256x1xi32>,
    %add3A_385 = vector.broadcast %add3A_179 : vector<1x8xf32> to vector<256x8xf32>
    %add3A_386 = arith.addf %dot_general3A_184, %add3A_385 : vector<256x8xf32>
    %mul3A_387 = arith.mulf %add3A_386, %convert_element_type3A_182 : vector<256x8xf32>
    %reduce_sum3A_388 = arith.constant dense<0.000000e+00> : vector<256xf32>
    %reduce_sum3A_389 = vector.multi_reduction <add>, %mul3A_387, %reduce_sum3A_388 [1] : vector<256x8xf32> to vector<256xf32>
    %broadcast_in_dim3A_390 = vector.shape_cast %reduce_sum3A_389 : vector<256xf32> to vector<256x1xf32>
    %sub3A_391 = arith.constant 1.000000e+00 : f32
    %sub3A_392 = vector.broadcast %sub3A_391 : f32 to vector<256x1xf32>
    %sub3A_393 = arith.subf %broadcast_in_dim3A_390, %sub3A_392 : vector<256x1xf32>
    %mul3A_394 = vector.broadcast %mul3A_264 : vector<1x8xf32> to vector<256x8xf32>
    %mul3A_395 = arith.mulf %mul3A_394, %convert_element_type3A_182 : vector<256x8xf32>
    %reduce_sum3A_396 = arith.constant dense<0.000000e+00> : vector<256xf32>
    %reduce_sum3A_397 = vector.multi_reduction <add>, %mul3A_395, %reduce_sum3A_396 [1] : vector<256x8xf32> to vector<256xf32>
    %broadcast_in_dim3A_398 = vector.shape_cast %reduce_sum3A_397 : vector<256xf32> to vector<256x1xf32>
    %add3A_399 = arith.addf %broadcast_in_dim3A_398, %sub3A_393 : vector<256x1xf32>
    %convert_element_type3A_400 = arith.fptosi %add3A_399 : vector<256x1xf32> to vector<256x1xi32>
    %swap3A_401 = arith.constant 1536 : index
    %swap3A_402 = arith.constant 0 : index
    %swap3A_403 = vector.load %arg4[%swap3A_401, %swap3A_402] : memref<4096x1xi32, #tpu.memory_space<vmem>>, vector<256x1xi32>
    tpu.vector_store %arg4[%swap3A_401, %swap3A_402], %convert_element_type3A_400 {strides = array<i32>} : memref<4096x1xi32, #tpu.memory_space<vmem>>, vector<256x1xi32>,
    %add3A_404 = vector.broadcast %add3A_186 : vector<1x8xf32> to vector<256x8xf32>
    %add3A_405 = arith.addf %dot_general3A_191, %add3A_404 : vector<256x8xf32>
    %mul3A_406 = arith.mulf %add3A_405, %convert_element_type3A_189 : vector<256x8xf32>
    %reduce_sum3A_407 = arith.constant dense<0.000000e+00> : vector<256xf32>
    %reduce_sum3A_408 = vector.multi_reduction <add>, %mul3A_406, %reduce_sum3A_407 [1] : vector<256x8xf32> to vector<256xf32>
    %broadcast_in_dim3A_409 = vector.shape_cast %reduce_sum3A_408 : vector<256xf32> to vector<256x1xf32>
    %sub3A_410 = arith.constant 1.000000e+00 : f32
    %sub3A_411 = vector.broadcast %sub3A_410 : f32 to vector<256x1xf32>
    %sub3A_412 = arith.subf %broadcast_in_dim3A_409, %sub3A_411 : vector<256x1xf32>
    %mul3A_413 = vector.broadcast %mul3A_264 : vector<1x8xf32> to vector<256x8xf32>
    %mul3A_414 = arith.mulf %mul3A_413, %convert_element_type3A_189 : vector<256x8xf32>
    %reduce_sum3A_415 = arith.constant dense<0.000000e+00> : vector<256xf32>
    %reduce_sum3A_416 = vector.multi_reduction <add>, %mul3A_414, %reduce_sum3A_415 [1] : vector<256x8xf32> to vector<256xf32>
    %broadcast_in_dim3A_417 = vector.shape_cast %reduce_sum3A_416 : vector<256xf32> to vector<256x1xf32>
    %add3A_418 = arith.addf %broadcast_in_dim3A_417, %sub3A_412 : vector<256x1xf32>
    %convert_element_type3A_419 = arith.fptosi %add3A_418 : vector<256x1xf32> to vector<256x1xi32>
    %swap3A_420 = arith.constant 1792 : index
    %swap3A_421 = arith.constant 0 : index
    %swap3A_422 = vector.load %arg4[%swap3A_420, %swap3A_421] : memref<4096x1xi32, #tpu.memory_space<vmem>>, vector<256x1xi32>
    tpu.vector_store %arg4[%swap3A_420, %swap3A_421], %convert_element_type3A_419 {strides = array<i32>} : memref<4096x1xi32, #tpu.memory_space<vmem>>, vector<256x1xi32>,
    %add3A_423 = vector.broadcast %add3A_193 : vector<1x8xf32> to vector<256x8xf32>
    %add3A_424 = arith.addf %dot_general3A_198, %add3A_423 : vector<256x8xf32>
    %mul3A_425 = arith.mulf %add3A_424, %convert_element_type3A_196 : vector<256x8xf32>
    %reduce_sum3A_426 = arith.constant dense<0.000000e+00> : vector<256xf32>
    %reduce_sum3A_427 = vector.multi_reduction <add>, %mul3A_425, %reduce_sum3A_426 [1] : vector<256x8xf32> to vector<256xf32>
    %broadcast_in_dim3A_428 = vector.shape_cast %reduce_sum3A_427 : vector<256xf32> to vector<256x1xf32>
    %sub3A_429 = arith.constant 1.000000e+00 : f32
    %sub3A_430 = vector.broadcast %sub3A_429 : f32 to vector<256x1xf32>
    %sub3A_431 = arith.subf %broadcast_in_dim3A_428, %sub3A_430 : vector<256x1xf32>
    %mul3A_432 = vector.broadcast %mul3A_264 : vector<1x8xf32> to vector<256x8xf32>
    %mul3A_433 = arith.mulf %mul3A_432, %convert_element_type3A_196 : vector<256x8xf32>
    %reduce_sum3A_434 = arith.constant dense<0.000000e+00> : vector<256xf32>
    %reduce_sum3A_435 = vector.multi_reduction <add>, %mul3A_433, %reduce_sum3A_434 [1] : vector<256x8xf32> to vector<256xf32>
    %broadcast_in_dim3A_436 = vector.shape_cast %reduce_sum3A_435 : vector<256xf32> to vector<256x1xf32>
    %add3A_437 = arith.addf %broadcast_in_dim3A_436, %sub3A_431 : vector<256x1xf32>
    %convert_element_type3A_438 = arith.fptosi %add3A_437 : vector<256x1xf32> to vector<256x1xi32>
    %swap3A_439 = arith.constant 2048 : index
    %swap3A_440 = arith.constant 0 : index
    %swap3A_441 = vector.load %arg4[%swap3A_439, %swap3A_440] : memref<4096x1xi32, #tpu.memory_space<vmem>>, vector<256x1xi32>
    tpu.vector_store %arg4[%swap3A_439, %swap3A_440], %convert_element_type3A_438 {strides = array<i32>} : memref<4096x1xi32, #tpu.memory_space<vmem>>, vector<256x1xi32>,
    %add3A_442 = vector.broadcast %add3A_200 : vector<1x8xf32> to vector<256x8xf32>
    %add3A_443 = arith.addf %dot_general3A_205, %add3A_442 : vector<256x8xf32>
    %mul3A_444 = arith.mulf %add3A_443, %convert_element_type3A_203 : vector<256x8xf32>
    %reduce_sum3A_445 = arith.constant dense<0.000000e+00> : vector<256xf32>
    %reduce_sum3A_446 = vector.multi_reduction <add>, %mul3A_444, %reduce_sum3A_445 [1] : vector<256x8xf32> to vector<256xf32>
    %broadcast_in_dim3A_447 = vector.shape_cast %reduce_sum3A_446 : vector<256xf32> to vector<256x1xf32>
    %sub3A_448 = arith.constant 1.000000e+00 : f32
    %sub3A_449 = vector.broadcast %sub3A_448 : f32 to vector<256x1xf32>
    %sub3A_450 = arith.subf %broadcast_in_dim3A_447, %sub3A_449 : vector<256x1xf32>
    %mul3A_451 = vector.broadcast %mul3A_264 : vector<1x8xf32> to vector<256x8xf32>
    %mul3A_452 = arith.mulf %mul3A_451, %convert_element_type3A_203 : vector<256x8xf32>
    %reduce_sum3A_453 = arith.constant dense<0.000000e+00> : vector<256xf32>
    %reduce_sum3A_454 = vector.multi_reduction <add>, %mul3A_452, %reduce_sum3A_453 [1] : vector<256x8xf32> to vector<256xf32>
    %broadcast_in_dim3A_455 = vector.shape_cast %reduce_sum3A_454 : vector<256xf32> to vector<256x1xf32>
    %add3A_456 = arith.addf %broadcast_in_dim3A_455, %sub3A_450 : vector<256x1xf32>
    %convert_element_type3A_457 = arith.fptosi %add3A_456 : vector<256x1xf32> to vector<256x1xi32>
    %swap3A_458 = arith.constant 2304 : index
    %swap3A_459 = arith.constant 0 : index
    %swap3A_460 = vector.load %arg4[%swap3A_458, %swap3A_459] : memref<4096x1xi32, #tpu.memory_space<vmem>>, vector<256x1xi32>
    tpu.vector_store %arg4[%swap3A_458, %swap3A_459], %convert_element_type3A_457 {strides = array<i32>} : memref<4096x1xi32, #tpu.memory_space<vmem>>, vector<256x1xi32>,
    %add3A_461 = vector.broadcast %add3A_207 : vector<1x8xf32> to vector<256x8xf32>
    %add3A_462 = arith.addf %dot_general3A_212, %add3A_461 : vector<256x8xf32>
    %mul3A_463 = arith.mulf %add3A_462, %convert_element_type3A_210 : vector<256x8xf32>
    %reduce_sum3A_464 = arith.constant dense<0.000000e+00> : vector<256xf32>
    %reduce_sum3A_465 = vector.multi_reduction <add>, %mul3A_463, %reduce_sum3A_464 [1] : vector<256x8xf32> to vector<256xf32>
    %broadcast_in_dim3A_466 = vector.shape_cast %reduce_sum3A_465 : vector<256xf32> to vector<256x1xf32>
    %sub3A_467 = arith.constant 1.000000e+00 : f32
    %sub3A_468 = vector.broadcast %sub3A_467 : f32 to vector<256x1xf32>
    %sub3A_469 = arith.subf %broadcast_in_dim3A_466, %sub3A_468 : vector<256x1xf32>
    %mul3A_470 = vector.broadcast %mul3A_264 : vector<1x8xf32> to vector<256x8xf32>
    %mul3A_471 = arith.mulf %mul3A_470, %convert_element_type3A_210 : vector<256x8xf32>
    %reduce_sum3A_472 = arith.constant dense<0.000000e+00> : vector<256xf32>
    %reduce_sum3A_473 = vector.multi_reduction <add>, %mul3A_471, %reduce_sum3A_472 [1] : vector<256x8xf32> to vector<256xf32>
    %broadcast_in_dim3A_474 = vector.shape_cast %reduce_sum3A_473 : vector<256xf32> to vector<256x1xf32>
    %add3A_475 = arith.addf %broadcast_in_dim3A_474, %sub3A_469 : vector<256x1xf32>
    %convert_element_type3A_476 = arith.fptosi %add3A_475 : vector<256x1xf32> to vector<256x1xi32>
    %swap3A_477 = arith.constant 2560 : index
    %swap3A_478 = arith.constant 0 : index
    %swap3A_479 = vector.load %arg4[%swap3A_477, %swap3A_478] : memref<4096x1xi32, #tpu.memory_space<vmem>>, vector<256x1xi32>
    tpu.vector_store %arg4[%swap3A_477, %swap3A_478], %convert_element_type3A_476 {strides = array<i32>} : memref<4096x1xi32, #tpu.memory_space<vmem>>, vector<256x1xi32>,
    %add3A_480 = vector.broadcast %add3A_214 : vector<1x8xf32> to vector<256x8xf32>
    %add3A_481 = arith.addf %dot_general3A_219, %add3A_480 : vector<256x8xf32>
    %mul3A_482 = arith.mulf %add3A_481, %convert_element_type3A_217 : vector<256x8xf32>
    %reduce_sum3A_483 = arith.constant dense<0.000000e+00> : vector<256xf32>
    %reduce_sum3A_484 = vector.multi_reduction <add>, %mul3A_482, %reduce_sum3A_483 [1] : vector<256x8xf32> to vector<256xf32>
    %broadcast_in_dim3A_485 = vector.shape_cast %reduce_sum3A_484 : vector<256xf32> to vector<256x1xf32>
    %sub3A_486 = arith.constant 1.000000e+00 : f32
    %sub3A_487 = vector.broadcast %sub3A_486 : f32 to vector<256x1xf32>
    %sub3A_488 = arith.subf %broadcast_in_dim3A_485, %sub3A_487 : vector<256x1xf32>
    %mul3A_489 = vector.broadcast %mul3A_264 : vector<1x8xf32> to vector<256x8xf32>
    %mul3A_490 = arith.mulf %mul3A_489, %convert_element_type3A_217 : vector<256x8xf32>
    %reduce_sum3A_491 = arith.constant dense<0.000000e+00> : vector<256xf32>
    %reduce_sum3A_492 = vector.multi_reduction <add>, %mul3A_490, %reduce_sum3A_491 [1] : vector<256x8xf32> to vector<256xf32>
    %broadcast_in_dim3A_493 = vector.shape_cast %reduce_sum3A_492 : vector<256xf32> to vector<256x1xf32>
    %add3A_494 = arith.addf %broadcast_in_dim3A_493, %sub3A_488 : vector<256x1xf32>
    %convert_element_type3A_495 = arith.fptosi %add3A_494 : vector<256x1xf32> to vector<256x1xi32>
    %swap3A_496 = arith.constant 2816 : index
    %swap3A_497 = arith.constant 0 : index
    %swap3A_498 = vector.load %arg4[%swap3A_496, %swap3A_497] : memref<4096x1xi32, #tpu.memory_space<vmem>>, vector<256x1xi32>
    tpu.vector_store %arg4[%swap3A_496, %swap3A_497], %convert_element_type3A_495 {strides = array<i32>} : memref<4096x1xi32, #tpu.memory_space<vmem>>, vector<256x1xi32>,
    %add3A_499 = vector.broadcast %add3A_221 : vector<1x8xf32> to vector<256x8xf32>
    %add3A_500 = arith.addf %dot_general3A_226, %add3A_499 : vector<256x8xf32>
    %mul3A_501 = arith.mulf %add3A_500, %convert_element_type3A_224 : vector<256x8xf32>
    %reduce_sum3A_502 = arith.constant dense<0.000000e+00> : vector<256xf32>
    %reduce_sum3A_503 = vector.multi_reduction <add>, %mul3A_501, %reduce_sum3A_502 [1] : vector<256x8xf32> to vector<256xf32>
    %broadcast_in_dim3A_504 = vector.shape_cast %reduce_sum3A_503 : vector<256xf32> to vector<256x1xf32>
    %sub3A_505 = arith.constant 1.000000e+00 : f32
    %sub3A_506 = vector.broadcast %sub3A_505 : f32 to vector<256x1xf32>
    %sub3A_507 = arith.subf %broadcast_in_dim3A_504, %sub3A_506 : vector<256x1xf32>
    %mul3A_508 = vector.broadcast %mul3A_264 : vector<1x8xf32> to vector<256x8xf32>
    %mul3A_509 = arith.mulf %mul3A_508, %convert_element_type3A_224 : vector<256x8xf32>
    %reduce_sum3A_510 = arith.constant dense<0.000000e+00> : vector<256xf32>
    %reduce_sum3A_511 = vector.multi_reduction <add>, %mul3A_509, %reduce_sum3A_510 [1] : vector<256x8xf32> to vector<256xf32>
    %broadcast_in_dim3A_512 = vector.shape_cast %reduce_sum3A_511 : vector<256xf32> to vector<256x1xf32>
    %add3A_513 = arith.addf %broadcast_in_dim3A_512, %sub3A_507 : vector<256x1xf32>
    %convert_element_type3A_514 = arith.fptosi %add3A_513 : vector<256x1xf32> to vector<256x1xi32>
    %swap3A_515 = arith.constant 3072 : index
    %swap3A_516 = arith.constant 0 : index
    %swap3A_517 = vector.load %arg4[%swap3A_515, %swap3A_516] : memref<4096x1xi32, #tpu.memory_space<vmem>>, vector<256x1xi32>
    tpu.vector_store %arg4[%swap3A_515, %swap3A_516], %convert_element_type3A_514 {strides = array<i32>} : memref<4096x1xi32, #tpu.memory_space<vmem>>, vector<256x1xi32>,
    %add3A_518 = vector.broadcast %add3A_228 : vector<1x8xf32> to vector<256x8xf32>
    %add3A_519 = arith.addf %dot_general3A_233, %add3A_518 : vector<256x8xf32>
    %mul3A_520 = arith.mulf %add3A_519, %convert_element_type3A_231 : vector<256x8xf32>
    %reduce_sum3A_521 = arith.constant dense<0.000000e+00> : vector<256xf32>
    %reduce_sum3A_522 = vector.multi_reduction <add>, %mul3A_520, %reduce_sum3A_521 [1] : vector<256x8xf32> to vector<256xf32>
    %broadcast_in_dim3A_523 = vector.shape_cast %reduce_sum3A_522 : vector<256xf32> to vector<256x1xf32>
    %sub3A_524 = arith.constant 1.000000e+00 : f32
    %sub3A_525 = vector.broadcast %sub3A_524 : f32 to vector<256x1xf32>
    %sub3A_526 = arith.subf %broadcast_in_dim3A_523, %sub3A_525 : vector<256x1xf32>
    %mul3A_527 = vector.broadcast %mul3A_264 : vector<1x8xf32> to vector<256x8xf32>
    %mul3A_528 = arith.mulf %mul3A_527, %convert_element_type3A_231 : vector<256x8xf32>
    %reduce_sum3A_529 = arith.constant dense<0.000000e+00> : vector<256xf32>
    %reduce_sum3A_530 = vector.multi_reduction <add>, %mul3A_528, %reduce_sum3A_529 [1] : vector<256x8xf32> to vector<256xf32>
    %broadcast_in_dim3A_531 = vector.shape_cast %reduce_sum3A_530 : vector<256xf32> to vector<256x1xf32>
    %add3A_532 = arith.addf %broadcast_in_dim3A_531, %sub3A_526 : vector<256x1xf32>
    %convert_element_type3A_533 = arith.fptosi %add3A_532 : vector<256x1xf32> to vector<256x1xi32>
    %swap3A_534 = arith.constant 3328 : index
    %swap3A_535 = arith.constant 0 : index
    %swap3A_536 = vector.load %arg4[%swap3A_534, %swap3A_535] : memref<4096x1xi32, #tpu.memory_space<vmem>>, vector<256x1xi32>
    tpu.vector_store %arg4[%swap3A_534, %swap3A_535], %convert_element_type3A_533 {strides = array<i32>} : memref<4096x1xi32, #tpu.memory_space<vmem>>, vector<256x1xi32>,
    %add3A_537 = vector.broadcast %add3A_235 : vector<1x8xf32> to vector<256x8xf32>
    %add3A_538 = arith.addf %dot_general3A_240, %add3A_537 : vector<256x8xf32>
    %mul3A_539 = arith.mulf %add3A_538, %convert_element_type3A_238 : vector<256x8xf32>
    %reduce_sum3A_540 = arith.constant dense<0.000000e+00> : vector<256xf32>
    %reduce_sum3A_541 = vector.multi_reduction <add>, %mul3A_539, %reduce_sum3A_540 [1] : vector<256x8xf32> to vector<256xf32>
    %broadcast_in_dim3A_542 = vector.shape_cast %reduce_sum3A_541 : vector<256xf32> to vector<256x1xf32>
    %sub3A_543 = arith.constant 1.000000e+00 : f32
    %sub3A_544 = vector.broadcast %sub3A_543 : f32 to vector<256x1xf32>
    %sub3A_545 = arith.subf %broadcast_in_dim3A_542, %sub3A_544 : vector<256x1xf32>
    %mul3A_546 = vector.broadcast %mul3A_264 : vector<1x8xf32> to vector<256x8xf32>
    %mul3A_547 = arith.mulf %mul3A_546, %convert_element_type3A_238 : vector<256x8xf32>
    %reduce_sum3A_548 = arith.constant dense<0.000000e+00> : vector<256xf32>
    %reduce_sum3A_549 = vector.multi_reduction <add>, %mul3A_547, %reduce_sum3A_548 [1] : vector<256x8xf32> to vector<256xf32>
    %broadcast_in_dim3A_550 = vector.shape_cast %reduce_sum3A_549 : vector<256xf32> to vector<256x1xf32>
    %add3A_551 = arith.addf %broadcast_in_dim3A_550, %sub3A_545 : vector<256x1xf32>
    %convert_element_type3A_552 = arith.fptosi %add3A_551 : vector<256x1xf32> to vector<256x1xi32>
    %swap3A_553 = arith.constant 3584 : index
    %swap3A_554 = arith.constant 0 : index
    %swap3A_555 = vector.load %arg4[%swap3A_553, %swap3A_554] : memref<4096x1xi32, #tpu.memory_space<vmem>>, vector<256x1xi32>
    tpu.vector_store %arg4[%swap3A_553, %swap3A_554], %convert_element_type3A_552 {strides = array<i32>} : memref<4096x1xi32, #tpu.memory_space<vmem>>, vector<256x1xi32>,
    %add3A_556 = vector.broadcast %add3A_242 : vector<1x8xf32> to vector<256x8xf32>
    %add3A_557 = arith.addf %dot_general3A_247, %add3A_556 : vector<256x8xf32>
    %mul3A_558 = arith.mulf %add3A_557, %convert_element_type3A_245 : vector<256x8xf32>
    %reduce_sum3A_559 = arith.constant dense<0.000000e+00> : vector<256xf32>
    %reduce_sum3A_560 = vector.multi_reduction <add>, %mul3A_558, %reduce_sum3A_559 [1] : vector<256x8xf32> to vector<256xf32>
    %broadcast_in_dim3A_561 = vector.shape_cast %reduce_sum3A_560 : vector<256xf32> to vector<256x1xf32>
    %sub3A_562 = arith.constant 1.000000e+00 : f32
    %sub3A_563 = vector.broadcast %sub3A_562 : f32 to vector<256x1xf32>
    %sub3A_564 = arith.subf %broadcast_in_dim3A_561, %sub3A_563 : vector<256x1xf32>
    %mul3A_565 = vector.broadcast %mul3A_264 : vector<1x8xf32> to vector<256x8xf32>
    %mul3A_566 = arith.mulf %mul3A_565, %convert_element_type3A_245 : vector<256x8xf32>
    %reduce_sum3A_567 = arith.constant dense<0.000000e+00> : vector<256xf32>
    %reduce_sum3A_568 = vector.multi_reduction <add>, %mul3A_566, %reduce_sum3A_567 [1] : vector<256x8xf32> to vector<256xf32>
    %broadcast_in_dim3A_569 = vector.shape_cast %reduce_sum3A_568 : vector<256xf32> to vector<256x1xf32>
    %add3A_570 = arith.addf %broadcast_in_dim3A_569, %sub3A_564 : vector<256x1xf32>
    %convert_element_type3A_571 = arith.fptosi %add3A_570 : vector<256x1xf32> to vector<256x1xi32>
    %swap3A_572 = arith.constant 3840 : index
    %swap3A_573 = arith.constant 0 : index
    %swap3A_574 = vector.load %arg4[%swap3A_572, %swap3A_573] : memref<4096x1xi32, #tpu.memory_space<vmem>>, vector<256x1xi32>
    tpu.vector_store %arg4[%swap3A_572, %swap3A_573], %convert_element_type3A_571 {strides = array<i32>} : memref<4096x1xi32, #tpu.memory_space<vmem>>, vector<256x1xi32>,
    %iota3A_575 = tpu.iota {dimensions = array<i32: 0>} : vector<16x1xi32>
    %convert_element_type3A_576 = arith.sitofp %iota3A_575 : vector<16x1xi32> to vector<16x1xf32>
    %sub3A_577 = arith.constant 1.000000e+00 : f32
    %sub3A_578 = arith.subf %reduce_sum3A_269, %sub3A_577 : f32
    %min3A = vector.broadcast %sub3A_578 : f32 to vector<16x1xf32>
    %min3A_579 = arith.minimumf %convert_element_type3A_576, %min3A : vector<16x1xf32>
    %broadcast_in_dim3A_580 = vector.shape_cast %add3A_270 : vector<1x8xf32> to vector<1x8xf32>
    %broadcast_in_dim3A_581 = vector.broadcast %broadcast_in_dim3A_580 : vector<1x8xf32> to vector<16x8xf32>
    %le3A = vector.broadcast %min3A_579 : vector<16x1xf32> to vector<16x8xf32>
    %le3A_582 = arith.cmpf ole, %broadcast_in_dim3A_581, %le3A : vector<16x8xf32>
    %convert_element_type3A_583 = arith.extui %le3A_582 : vector<16x8xi1> to vector<16x8xi32>
    %reduce_sum3A_584 = arith.constant dense<0> : vector<16xi32>
    %reduce_sum3A_585 = vector.multi_reduction <add>, %convert_element_type3A_583, %reduce_sum3A_584 [1] : vector<16x8xi32> to vector<16xi32>
    %broadcast_in_dim3A_586 = vector.shape_cast %reduce_sum3A_585 : vector<16xi32> to vector<16x1xi32>
    %convert_element_type3A_587 = arith.fptosi %min3A_579 : vector<16x1xf32> to vector<16x1xi32>
    %swap3A_588 = arith.constant 0 : index
    %swap3A_589 = arith.constant 0 : index
    %swap3A_590 = vector.load %arg6[%swap3A_588, %swap3A_589] : memref<16x1xi32, #tpu.memory_space<vmem>>, vector<16x1xi32>
    tpu.vector_store %arg6[%swap3A_588, %swap3A_589], %convert_element_type3A_587 {strides = array<i32>} : memref<16x1xi32, #tpu.memory_space<vmem>>, vector<16x1xi32>,
    %swap3A_591 = arith.constant 0 : index
    %swap3A_592 = arith.constant 0 : index
    %swap3A_593 = vector.load %arg7[%swap3A_591, %swap3A_592] : memref<16x1xi32, #tpu.memory_space<vmem>>, vector<16x1xi32>
    tpu.vector_store %arg7[%swap3A_591, %swap3A_592], %broadcast_in_dim3A_586 {strides = array<i32>} : memref<16x1xi32, #tpu.memory_space<vmem>>, vector<16x1xi32>,
    return
  }
}

</mosaic_0001>

<sc_bundles>
// kernel: kernel.6.cloned.1.call-start
scs
__scs_entry_jumppad:
0x0: {  	(pc) =	sbr.rel $0x88, $3  }
0x1: {  	(tag) =	ssettag $0x0;
	lr =	simm.s32 $0x1  }
0x2: {  	[smem:$0x3F9C] =	sst lr;
	_ =	strace $0xD0000000  }
0x3: {  	_ = 	snop  }
0x4: {  	_ = 	snop  }
0x5: {  	_ = 	snop  }
0x6: {  	_ = 	snop  }
0x7: {  	_ = 	snop  }
__scs_overlays_trampoline_lowered:
0x8: {  	[smem:$0x3FAB] =	sst s0  }
0x9: {  	[smem:$0x3FAC] =	sst s1  }
0xa: {  	[smem:$0x3FAD] =	sst s2  }
0xb: {  	[smem:$0x3FAE] =	sst s3  }
0xc: {  	[smem:$0x3FAF] =	sst s4  }
0xd: {  	[smem:$0x3FB0] =	sst s5  }
0xe: {  	[smem:$0x3FB1] =	sst s6  }
0xf: {  	[smem:$0x3FB2] =	sst s7  }
0x10: {  	[smem:$0x3FB3] =	sst s8  }
0x11: {  	[smem:$0x3FB4] =	sst s9;
	s0 =	simm.s32 @!p0 $0x0  }
0x12: {  	s1 =	sld [smem:$0x3F9A];
	s0 =	simm.s32 @p0 $0x1  }
0x13: {  	[smem:$0x3FB5] =	sst s0;
	s0 =	simm.s32 @!p1 $0x0  }
0x14: {  	s2 =	sld [smem:$0x3F99];
	s0 =	simm.s32 @p1 $0x1  }
0x15: {  	[smem:$0x3FB6] =	sst s0;
	s0 =	simm.s32 @!p2 $0x0  }
0x16: {  	s3 =	sld [smem:$0x3FDB];
	s0 =	simm.s32 @p2 $0x1  }
0x17: {  	s4 =	simm.s32 $0x1BF5;
	[smem:$0x3FB8] =	sst s0  }
0x18: {  	s0 =	sld [smem:$0x3F9B];
	_ =	swait.ge [sflag:s4], $0x0  }
0x19: {  	s7 =	sld [smem:$0x3F9C]  }
0x1a: {  	s8 =	sadd.s32 $0xFFFFE003, lr  }
0x1b: {  	s9 =	sadd.s32 $0xFFFFFEF7, lr;
	s5 =	simm.s32 $0xFFFFFFFF;
	p2 =	slt.u32 s8, $0xFFFFF086  }
0x1c: {  	p1 =	slt.u32 s9, $0xF7A;
	s5 =	simm.s32 @!p2 $0x0  }
0x1d: {  	s5 =	simm.s32 @p1 $0x1;
	p0 =	seq.s32 s7, s2  }
0x1e: {  	s7 =	smul.u32 @!p0 $0xF7A, s2;
	p2 =	seq.s32 @!p0 s5, $0x0  }
0x1f: {  	s9 =	smul.u32 $0xF7A, s1;
	s8 =	simm.s32 @!p0 $0x1BF5;
	p2 =	por !p2, p0  }
0x20: {  	[sflag:s8] =	ssyncset.s32 @!p0 $0xFFFFF086;
	s6 =	sadd.s32 @!p0 s3, s7;
	s7 =	simm.s32 @!p0 $0x108  }
0x21: {  	s3 =	sadd.s32 s3, s9;
	s6 =	sadd.s32 @!p0 $0x88, s6;
	s7 =	simm.s32 @p2 $0x1082  }
0x22: {  	[simem:s7], [sflag:s8] =	dma.local @!p0 [hbm:s6], $0xF7A  }
0x23: {  	s9 =	sor.u32 $0xD0000000, s2;
	s6 =	simm.s32 $0x108;
	_ =	swait.ge @!p0 [sflag:s8], $0x0  }
0x24: {  	s3 =	sadd.s32 $0x88, s3;
	s6 =	simm.s32 @!p1 $0x1082;
	[sflag:s4] =	ssyncset.s32 $0xFFFFF086  }
0x25: {  	[simem:s6], [sflag:s4] =	dma.local [hbm:s3], $0xF7A  }
0x26: {  	[smem:$0x3F9C] =	sst s1;
	(tag) =	ssettag s2;
	_ =	strace s9  }
0x27: {  	s1 =	sld [smem:$0x3FAC]  }
0x28: {  	s2 =	sld [smem:$0x3FAD]  }
0x29: {  	s4 =	sld [smem:$0x3FAF]  }
0x2a: {  	p0 =	seq.s32 s5, $0x0;
	s5 =	sld [smem:$0x3FB0]  }
0x2b: {  	s6 =	sld [smem:$0x3FB1]  }
0x2c: {  	s7 =	sld [smem:$0x3FB2]  }
0x2d: {  	s3 =	simm.s32 $0x108;
	s8 =	sld [smem:$0x3FB3]  }
0x2e: {  	s3 =	simm.s32 @!p0 $0x1082;
	s9 =	sld [smem:$0x3FB4]  }
0x2f: {  	lr =	sadd.s32 s0, s3;
	s0 =	sld [smem:$0x3FAB]  }
0x30: {  	s3 =	sld [smem:$0x3FAE]  }
0x31: {  	[smem:$0x3FB7] =	sst s10  }
0x32: {  	s10 =	sld [smem:$0x3FB5];
	_ =	sdelay $0x3  }
0x33: {  	p0 =	seq.s32 s10, $0x1;
	s10 =	sld [smem:$0x3FB7];
	_ =	sdelay $0x3  }
0x34: {  	[smem:$0x3FB7] =	sst s10  }
0x35: {  	s10 =	sld [smem:$0x3FB6];
	_ =	sdelay $0x3  }
0x36: {  	p1 =	seq.s32 s10, $0x1;
	s10 =	sld [smem:$0x3FB7];
	_ =	sdelay $0x3  }
0x37: {  	[smem:$0x3FB7] =	sst s10  }
0x38: {  	s10 =	sld [smem:$0x3FB8]  }
0x39: {  	_ = 	snop;
	(pc) =	sbr.ind lr, $3  }
0x3a: {  	_ = 	snop  }
0x3b: {  	_ = 	snop  }
0x3c: {  	p2 =	seq.s32 s10, $0x1;
	s10 =	sld [smem:$0x3FB7]  }
0x3d: {  	_ =	shalt  }
0x3e: {  	_ =	shalt  }
0x3f: {  	_ =	shalt  }
0x40: {  	_ =	shalt  }
0x41: {  	_ =	shalt  }
0x42: {  	_ =	shalt  }
0x43: {  	_ =	shalt  }
0x44: {  	_ =	shalt  }
0x45: {  	_ =	shalt  }
0x46: {  	_ =	shalt  }
0x47: {  	_ =	shalt  }
0x48: {  	_ =	shalt  }
0x49: {  	_ =	shalt  }
0x4a: {  	_ =	shalt  }
0x4b: {  	_ =	shalt  }
0x4c: {  	_ =	shalt  }
0x4d: {  	_ =	shalt  }
0x4e: {  	_ =	shalt  }
0x4f: {  	_ =	shalt  }
0x50: {  	_ =	shalt  }
0x51: {  	_ =	shalt  }
0x52: {  	_ =	shalt  }
0x53: {  	_ =	shalt  }
0x54: {  	_ =	shalt  }
0x55: {  	_ =	shalt  }
0x56: {  	_ =	shalt  }
0x57: {  	_ =	shalt  }
0x58: {  	_ =	shalt  }
0x59: {  	_ =	shalt  }
0x5a: {  	_ =	shalt  }
0x5b: {  	_ =	shalt  }
0x5c: {  	_ =	shalt  }
0x5d: {  	_ =	shalt  }
0x5e: {  	_ =	shalt  }
0x5f: {  	_ =	shalt  }
0x60: {  	_ =	shalt  }
0x61: {  	_ =	shalt  }
0x62: {  	_ =	shalt  }
0x63: {  	_ =	shalt  }
0x64: {  	_ =	shalt  }
0x65: {  	_ =	shalt  }
0x66: {  	_ =	shalt  }
0x67: {  	_ =	shalt  }
0x68: {  	_ =	shalt  }
0x69: {  	_ =	shalt  }
0x6a: {  	_ =	shalt  }
0x6b: {  	_ =	shalt  }
0x6c: {  	_ =	shalt  }
0x6d: {  	_ =	shalt  }
0x6e: {  	_ =	shalt  }
0x6f: {  	_ =	shalt  }
0x70: {  	_ =	shalt  }
0x71: {  	_ =	shalt  }
0x72: {  	_ =	shalt  }
0x73: {  	_ =	shalt  }
0x74: {  	_ =	shalt  }
0x75: {  	_ =	shalt  }
0x76: {  	_ =	shalt  }
0x77: {  	_ =	shalt  }
0x78: {  	_ =	shalt  }
0x79: {  	_ =	shalt  }
0x7a: {  	_ =	shalt  }
0x7b: {  	_ =	shalt  }
0x7c: {  	_ =	shalt  }
0x7d: {  	_ =	shalt  }
0x7e: {  	_ =	shalt  }
0x7f: {  	_ =	shalt  }
0x80: {  	_ =	shalt  }
0x81: {  	_ =	shalt  }
0x82: {  	_ =	shalt  }
0x83: {  	_ =	shalt  }
0x84: {  	_ =	shalt  }
0x85: {  	_ =	shalt  }
0x86: {  	_ =	shalt  }
0x87: {  	_ =	shalt  }
.Lfunc_end0:
.L_simem_size_0:
called_computation_lowered:
.L_overlay_start_0:
0x88: {  	s2 =	sld [smem:$0x3FD9]  }
0x89: {  	s3 =	sld [smem:$0x3FFE];
	_ =	sdelay $0x1  }
0x8a: {  	s1 =	srdreg.scid  }
0x8b: {  	s0 =	sand.u32 $0x1, s1  }
0x8c: {  	s17 =	sshll.u32 s0, $0xA;
	s2 =	sadd.s32 s3, s2  }
0x8d: {  	s2 =	sadd.s32 s2, s17  }
0x8e: {  	[smem:$0x3FC3] =	sst s2  }
0x8f: {  	_ = 	snop  }
0x90: {  	s2 =	sld [smem:$0x3FC9];
	(tm) =	ssettm $0x1  }
0x91: {  	s18 =	sld [smem:$0x3FFB];
	_ =	sdelay $0x3  }
0x92: {  	_ =	strace s18  }
0x93: {  	s3 =	sld [smem:$0x3FFC];
	_ =	sdelay $0x3  }
0x94: {  	_ =	strace s3  }
0x95: {  	s3 =	sld [smem:$0x3FFD];
	_ =	sdelay $0x3  }
0x96: {  	_ =	strace s3  }
0x97: {  	_ =	strace $0x8FFFFFFF  }
0x98: {  	s19 =	sld [smem:$0x3FDB];
	_ =	sdelay $0x1  }
0x99: {  	s4 =	simm.s32 $_scs_section_size  }
0x9a: {  	s5 =	simm.s32 $_size__tile_overlayer_lowered;
	s6 =	simm.s32 $_tile_overlayer_lowered  }
0x9b: {  	s22 =	simm.s32 $0x1BFF;
	s21 =	sshll.u32 s6, $0x1;
	s3 =	sadd.s32 s4, s19  }
0x9c: {  	s7 =	simm.s32 $0x0;
	s20 =	sshll.u32 s5, $0x1;
	s5 =	sadd.s32 s21, s3  }
0x9d: {  	[timem:s7], [sflag:s22] =	dma.local [hbm:s5], s20  }
0x9e: {  	_ =	swait.ge [sflag:s22], s20  }
0x9f: {  	s4 =	ssub.s32 $0x0, s20;
	[sflag:s22] =	ssyncset.done $0x0  }
0xa0: {  	[sflag:s22] =	ssyncadd.s32 s4;
	_ =	sdelay $0x1  }
0xa1: {  	s23 =	simm.s32 $0x1B8B  }
0xa2: {  	_ =	swait.ge [sflag:s23], $0x1  }
0xa3: {  	[sflag:s23] =	ssyncset.done $0x0  }
0xa4: {  	s25 =	simm.s32 $0x1B8E;
	s24 =	sld [smem:$0x3FFE];
	[sflag:s23] =	ssyncadd.s32 $0xFFFFFFFF  }
0xa5: {  	s26 =	simm.s32 $execute0_lowered;
	[smem:$0x3FD2] =	sst s25  }
0xa6: {  	s5 =	sshll.u32 s26, $0x1;
	_ =	strace $0x80000046;
	[dreg:$0x1] =	wrdreg $0xFFFFFFFF  }
0xa7: {  	s28 =	simm.s32 $_size_execute0_lowered;
	s3 =	sadd.s32 s3, s5;
	[dreg:$0x0] =	wrdreg $0x0  }
0xa8: {  	s5 =	sshll.u32 s28, $0x1;
	[dreg:$0x2] =	wrdreg s3  }
0xa9: {  	[dreg:$0x3] =	wrdreg s5  }
0xaa: {  	[dreg:$0x4] =	wrdreg $0xC0  }
0xab: {  	_ =	task [dreg:s7], $0x5FFFF  }
0xac: {  	[dreg:$0x1] =	wrdreg $0xFFFFFFFF  }
0xad: {  	[dreg:$0x0] =	wrdreg $0x60  }
0xae: {  	[dreg:$0x2] =	wrdreg s2  }
0xaf: {  	[dreg:$0x3] =	wrdreg s24  }
0xb0: {  	[dreg:$0x4] =	wrdreg $0x9  }
0xb1: {  	_ =	task.clear_ibuf [dreg:s7], $0x5FFFF;
	_ =	strace $0x90000046  }
0xb2: {  	s29 =	simm.s32 $0x9;
	_ =	strace $0x80000048  }
0xb3: {  	_ =	swait.ge [sflag:s29], $0x1  }
0xb4: {  	[sflag:s29] =	ssyncadd.s32 $0xFFFFFFFF  }
0xb5: {  	_ =	strace $0x90000048  }
0xb6: {  	_ =	sfence  }
0xb7: {  	s30 =	sld [smem:$0x0];
	_ =	sdelay $0x2  }
0xb8: {  	s31 =	sshll.u32 s1, $0xD;
	s1 =	sshrl.u32 s1, $0x2  }
0xb9: {  	s3 =	sand.u32 $0x4000, s31;
	s1 =	sadd.s32 s1, s30  }
0xba: {  	s0 =	sor.u32 s3, s0;
	s1 =	sshll.u32 s1, $0x11  }
0xbb: {  	s0 =	sor.u32 s1, s0  }
0xbc: {  	s0 =	sadd.s32 $0x8F2B, s0  }
0xbd: {  	[sflag:s0] =	ssyncadd.remote.s32 $0x1  }
0xbe: {  	_ =	sfence.sel $0xFFFF  }
0xbf: {  	[dreg:$0x0] =	wrdreg $0xFFFFFFFF;
	(pc) =	sbr.abs _section_cstart, $3  }
0xc0: {  	[dreg:$0x1] =	wrdreg $0xFFFFFFFF  }
0xc1: {  	_ =	task.clear_ibuf [dreg:s7], $0x2FFFF;
	_ =	strace $0x9FFFFFFF  }
0xc2: {  	(tm) =	ssettm $0x7FFFFFFF  }
0xc3: {  	_ =	shalt  }
tec
execute0_lowered:
.L_overlay_start_1:
0x0: {  	(tag) =	ssettag $0x1  }
0x1: {  	s0 =	rddreg [dreg:$0x0];
	s1 =	srdreg.scid  }
0x2: {  	s2 =	stileid.u32;
	s6 =	rddreg [dreg:$0x1]  }
0x3: {  	s26 =	simm.s32 $0x80;
	s9 =	simm.s32 $0x1;
	s18 =	simm.s32 $0x100  }
0x4: {  	s22 =	simm.s32 $0x2100;
	s23 =	simm.s32 $0x2900;
	s24 =	simm.s32 $0x3100  }
0x5: {  	s28 =	simm.s32 $0x4900;
	s29 =	simm.s32 $0x5100;
	s30 =	simm.s32 $0x5900  }
0x6: {  	s31 =	simm.s32 $0x6100;
	s10 =	simm.s32 $0x7900;
	s11 =	simm.s32 $0x8100  }
0x7: {  	s12 =	simm.s32 $0x8900;
	s13 =	simm.s32 $0x9100;
	s14 =	simm.s32 $0x9900  }
0x8: {  	s15 =	simm.s32 $0xA100;
	s16 =	simm.s32 $0xA900;
	s17 =	simm.s32 $0xB100  }
0x9: {  	s1 =	sand.u32 $0x1, s1;
	s3 =	sshll.u32 s2, $0x1;
	s2 =	simm.s32 $0x0  }
0xa: {  	s8 =	simm.s32 $0xB900;
	s4 =	sor.u32 s1, s3;
	[smem:$0x7FF] =	sst s2  }
0xb: {  	s1 =	ssub.s32 $0x2, s1;
	s3 =	sshll.u32 s4, $0x4;
	_ =	strace $0x80000047  }
0xc: {  	s4 =	sshll.u32 s4, $0xD;
	s25 =	sshrl.u32 s1, $0x1;
	[dreg:$0x6] =	wrdreg s26  }
0xd: {  	s26 =	simm.s32 $0x4100;
	s5 =	sadd.s32 s3, s6;
	s0 =	sadd.s32 s0, s4  }
0xe: {  	s3 =	sadd.s32 $0x12200, s6;
	s7 =	sadd.s32 $0x11E00, s5;
	[dreg:$0x5] =	wrdreg s0  }
0xf: {  	v2 =	vlaneseq.u32;
	s1 =	ssub.s32 s1, s25;
	s5 =	sadd.s32 $0x12000, s5;
	[dreg:$0x3] =	wrdreg s7  }
0x10: {  	vm0 =	vmmov $0xffff;
	v1 =	vshrl.u32 v2, $0x3;
	s4 =	sadd.s32 $0x12300, s6;
	s25 =	simm.s32 $0x3900;
	[dreg:$0x4] =	wrdreg s5  }
0x11: {  	v0 =	vand.u32 $0x7, v2;
	v2 =	vor.u32 $0x8, v2;
	v1 =	vmul.u32 $0x8, v1;
	s5 =	sadd.s32 $0x12400, s6;
	s6 =	sadd.s32 $0x12500, s6;
	s7 =	smax.u32 s1, $0x1  }
.LBB2_1:
0x12: {  	s19 =	rddreg [dreg:$0x3]  }
0x13: {  	s20 =	rddreg [dreg:$0x4]  }
0x14: {  	[tilespmem:s2], [sflag:$0x1] =	stream.linear.gather [hbm4b:s19+s2], $0x80, $0x38;
	[tilespmem:$0x10100] =	vst v63  }
0x15: {  	s21 =	rddreg [dreg:$0x6]  }
0x16: {  	[tilespmem:s21], [sflag:$0x1] =	stream.linear.gather [hbm4b:s20+s2], $0x80, $0x38;
	[tilespmem:$0x10100] =	vst v63  }
0x17: {  	s1 =	rddreg [dreg:$0x5]  }
0x18: {  	[tilespmem:s18], [sflag:$0x1] =	stream.linear.gather [hbm4b:s1+s2], $0x10000, $0x38;
	[tilespmem:$0x10100] =	vst v63  }
0x19: {  	_ =	swait.ge [sflag:s9], $0x80  }
0x1a: {  	[sflag:s9] =	ssyncset.done $0x0  }
0x1b: {  	[sflag:s9] =	ssyncadd.s32 $0xFFFFFF80  }
0x1c: {  	_ =	swait.ge [sflag:s9], $0x80  }
0x1d: {  	[sflag:s9] =	ssyncset.done $0x0  }
0x1e: {  	[sflag:s9] =	ssyncadd.s32 $0xFFFFFF80  }
0x1f: {  	_ =	swait.ge [sflag:s9], $0x10000  }
0x20: {  	[sflag:s9] =	ssyncset.done $0x0  }
0x21: {  	[sflag:s9] =	ssyncadd.s32 $0xFFFF0000  }
0x22: {  	v3 =	vld [tilespmem:$0x0];
	_ =	sdelay $0x4  }
0x23: {  	v4 =	vshll.u32 v3, $0x3  }
0x24: {  	v3 =	vand.u32 $0x7, v3;
	v4 =	vand.u32 $0xFFFFFFC0, v4  }
0x25: {  	v3 =	vor.u32 v3, v4  }
0x26: {  	v4 =	vperm.xlane v3, v0;
	_ =	sdelay $0x1  }
0x27: {  	v4 =	vadd.s32 v1, v4;
	_ =	sdelay $0x4  }
0x28: {  	[hbm4b:s3+s2] =	stream.indirect_vreg.scatter [tilespmem:s18], [sflag:$0x2], $0x80, v4, vm0, $0xb8;
	[tilespmem:$0x10100] =	vst v63  }
0x29: {  	s19 =	simm.s32 $0x900;
	v3 =	vperm.xlane v3, v2  }
0x2a: {  	[hbm4b:s4+s2] =	stream.indirect_vreg.scatter [tilespmem:s19], [sflag:$0x2], $0x80, v4, vm0, $0xb8;
	[tilespmem:$0x10100] =	vst v63  }
0x2b: {  	s20 =	simm.s32 $0x1100;
	v3 =	vadd.s32 v1, v3  }
0x2c: {  	[hbm4b:s5+s2] =	stream.indirect_vreg.scatter [tilespmem:s20], [sflag:$0x2], $0x80, v4, vm0, $0xb8;
	[tilespmem:$0x10100] =	vst v63  }
0x2d: {  	s21 =	simm.s32 $0x1900  }
0x2e: {  	[hbm4b:s6+s2] =	stream.indirect_vreg.scatter [tilespmem:s21], [sflag:$0x2], $0x80, v4, vm0, $0xb8;
	[tilespmem:$0x10100] =	vst v63  }
0x2f: {  	_ = 	snop  }
0x30: {  	[hbm4b:s3+s2] =	stream.indirect_vreg.scatter [tilespmem:s22], [sflag:$0x2], $0x80, v3, vm0, $0xb8;
	[tilespmem:$0x10100] =	vst v63  }
0x31: {  	_ = 	snop  }
0x32: {  	[hbm4b:s4+s2] =	stream.indirect_vreg.scatter [tilespmem:s23], [sflag:$0x2], $0x80, v3, vm0, $0xb8;
	[tilespmem:$0x10100] =	vst v63  }
0x33: {  	_ = 	snop  }
0x34: {  	[hbm4b:s5+s2] =	stream.indirect_vreg.scatter [tilespmem:s24], [sflag:$0x2], $0x80, v3, vm0, $0xb8;
	[tilespmem:$0x10100] =	vst v63  }
0x35: {  	_ = 	snop  }
0x36: {  	[hbm4b:s6+s2] =	stream.indirect_vreg.scatter [tilespmem:s25], [sflag:$0x2], $0x80, v3, vm0, $0xb8;
	[tilespmem:$0x10100] =	vst v63  }
0x37: {  	v3 =	vld [tilespmem:$0x10];
	_ =	sdelay $0x4  }
0x38: {  	v57 =	vshll.u32 v3, $0x3  }
0x39: {  	v3 =	vand.u32 $0x7, v3;
	v4 =	vand.u32 $0xFFFFFFC0, v57  }
0x3a: {  	v3 =	vor.u32 v3, v4  }
0x3b: {  	v4 =	vperm.xlane v3, v0;
	_ =	sdelay $0x1  }
0x3c: {  	v4 =	vadd.s32 v1, v4;
	_ =	sdelay $0x4  }
0x3d: {  	[hbm4b:s3+s2] =	stream.indirect_vreg.scatter [tilespmem:s26], [sflag:$0x2], $0x80, v4, vm0, $0xb8;
	[tilespmem:$0x10100] =	vst v63  }
0x3e: {  	v3 =	vperm.xlane v3, v2  }
0x3f: {  	[hbm4b:s4+s2] =	stream.indirect_vreg.scatter [tilespmem:s28], [sflag:$0x2], $0x80, v4, vm0, $0xb8;
	[tilespmem:$0x10100] =	vst v63  }
0x40: {  	v3 =	vadd.s32 v1, v3  }
0x41: {  	[hbm4b:s5+s2] =	stream.indirect_vreg.scatter [tilespmem:s29], [sflag:$0x2], $0x80, v4, vm0, $0xb8;
	[tilespmem:$0x10100] =	vst v63  }
0x42: {  	_ = 	snop  }
0x43: {  	[hbm4b:s6+s2] =	stream.indirect_vreg.scatter [tilespmem:s30], [sflag:$0x2], $0x80, v4, vm0, $0xb8;
	[tilespmem:$0x10100] =	vst v63  }
0x44: {  	_ = 	snop  }
0x45: {  	[hbm4b:s3+s2] =	stream.indirect_vreg.scatter [tilespmem:s31], [sflag:$0x2], $0x80, v3, vm0, $0xb8;
	[tilespmem:$0x10100] =	vst v63  }
0x46: {  	s1 =	simm.s32 $0x6900  }
0x47: {  	[hbm4b:s4+s2] =	stream.indirect_vreg.scatter [tilespmem:s1], [sflag:$0x2], $0x80, v3, vm0, $0xb8;
	[tilespmem:$0x10100] =	vst v63  }
0x48: {  	s0 =	simm.s32 $0x7100  }
0x49: {  	[hbm4b:s5+s2] =	stream.indirect_vreg.scatter [tilespmem:s0], [sflag:$0x2], $0x80, v3, vm0, $0xb8;
	[tilespmem:$0x10100] =	vst v63  }
0x4a: {  	_ = 	snop  }
0x4b: {  	[hbm4b:s6+s2] =	stream.indirect_vreg.scatter [tilespmem:s10], [sflag:$0x2], $0x80, v3, vm0, $0xb8;
	[tilespmem:$0x10100] =	vst v63  }
0x4c: {  	v3 =	vld [tilespmem:$0x20];
	_ =	sdelay $0x4  }
0x4d: {  	v58 =	vshll.u32 v3, $0x3  }
0x4e: {  	v3 =	vand.u32 $0x7, v3;
	v4 =	vand.u32 $0xFFFFFFC0, v58  }
0x4f: {  	v3 =	vor.u32 v3, v4  }
0x50: {  	v4 =	vperm.xlane v3, v0;
	_ =	sdelay $0x1  }
0x51: {  	v4 =	vadd.s32 v1, v4;
	_ =	sdelay $0x4  }
0x52: {  	[hbm4b:s3+s2] =	stream.indirect_vreg.scatter [tilespmem:s11], [sflag:$0x2], $0x80, v4, vm0, $0xb8;
	[tilespmem:$0x10100] =	vst v63  }
0x53: {  	v3 =	vperm.xlane v3, v2  }
0x54: {  	[hbm4b:s4+s2] =	stream.indirect_vreg.scatter [tilespmem:s12], [sflag:$0x2], $0x80, v4, vm0, $0xb8;
	[tilespmem:$0x10100] =	vst v63  }
0x55: {  	v3 =	vadd.s32 v1, v3  }
0x56: {  	[hbm4b:s5+s2] =	stream.indirect_vreg.scatter [tilespmem:s13], [sflag:$0x2], $0x80, v4, vm0, $0xb8;
	[tilespmem:$0x10100] =	vst v63  }
0x57: {  	_ = 	snop  }
0x58: {  	[hbm4b:s6+s2] =	stream.indirect_vreg.scatter [tilespmem:s14], [sflag:$0x2], $0x80, v4, vm0, $0xb8;
	[tilespmem:$0x10100] =	vst v63  }
0x59: {  	_ = 	snop  }
0x5a: {  	[hbm4b:s3+s2] =	stream.indirect_vreg.scatter [tilespmem:s15], [sflag:$0x2], $0x80, v3, vm0, $0xb8;
	[tilespmem:$0x10100] =	vst v63  }
0x5b: {  	_ = 	snop  }
0x5c: {  	[hbm4b:s4+s2] =	stream.indirect_vreg.scatter [tilespmem:s16], [sflag:$0x2], $0x80, v3, vm0, $0xb8;
	[tilespmem:$0x10100] =	vst v63  }
0x5d: {  	_ = 	snop  }
0x5e: {  	[hbm4b:s5+s2] =	stream.indirect_vreg.scatter [tilespmem:s17], [sflag:$0x2], $0x80, v3, vm0, $0xb8;
	[tilespmem:$0x10100] =	vst v63  }
0x5f: {  	_ = 	snop  }
0x60: {  	[hbm4b:s6+s2] =	stream.indirect_vreg.scatter [tilespmem:s8], [sflag:$0x2], $0x80, v3, vm0, $0xb8;
	[tilespmem:$0x10100] =	vst v63  }
0x61: {  	v3 =	vld [tilespmem:$0x30];
	_ =	sdelay $0x4  }
0x62: {  	v59 =	vshll.u32 v3, $0x3  }
0x63: {  	v3 =	vand.u32 $0x7, v3;
	v4 =	vand.u32 $0xFFFFFFC0, v59  }
0x64: {  	v3 =	vor.u32 v3, v4  }
0x65: {  	v4 =	vperm.xlane v3, v0;
	_ =	sdelay $0x1  }
0x66: {  	v4 =	vadd.s32 v1, v4;
	_ =	sdelay $0x3  }
0x67: {  	s0 =	simm.s32 $0xC100  }
0x68: {  	[hbm4b:s3+s2] =	stream.indirect_vreg.scatter [tilespmem:s0], [sflag:$0x2], $0x80, v4, vm0, $0xb8;
	[tilespmem:$0x10100] =	vst v63  }
0x69: {  	v3 =	vperm.xlane v3, v2;
	s0 =	simm.s32 $0xC900  }
0x6a: {  	[hbm4b:s4+s2] =	stream.indirect_vreg.scatter [tilespmem:s0], [sflag:$0x2], $0x80, v4, vm0, $0xb8;
	[tilespmem:$0x10100] =	vst v63  }
0x6b: {  	v3 =	vadd.s32 v1, v3;
	s0 =	simm.s32 $0xD100  }
0x6c: {  	[hbm4b:s5+s2] =	stream.indirect_vreg.scatter [tilespmem:s0], [sflag:$0x2], $0x80, v4, vm0, $0xb8;
	[tilespmem:$0x10100] =	vst v63  }
0x6d: {  	s0 =	simm.s32 $0xD900  }
0x6e: {  	[hbm4b:s6+s2] =	stream.indirect_vreg.scatter [tilespmem:s0], [sflag:$0x2], $0x80, v4, vm0, $0xb8;
	[tilespmem:$0x10100] =	vst v63  }
0x6f: {  	s0 =	simm.s32 $0xE100  }
0x70: {  	[hbm4b:s3+s2] =	stream.indirect_vreg.scatter [tilespmem:s0], [sflag:$0x2], $0x80, v3, vm0, $0xb8;
	[tilespmem:$0x10100] =	vst v63  }
0x71: {  	s0 =	simm.s32 $0xE900  }
0x72: {  	[hbm4b:s4+s2] =	stream.indirect_vreg.scatter [tilespmem:s0], [sflag:$0x2], $0x80, v3, vm0, $0xb8;
	[tilespmem:$0x10100] =	vst v63  }
0x73: {  	s0 =	simm.s32 $0xF100  }
0x74: {  	[hbm4b:s5+s2] =	stream.indirect_vreg.scatter [tilespmem:s0], [sflag:$0x2], $0x80, v3, vm0, $0xb8;
	[tilespmem:$0x10100] =	vst v63  }
0x75: {  	s0 =	simm.s32 $0xF900  }
0x76: {  	[hbm4b:s6+s2] =	stream.indirect_vreg.scatter [tilespmem:s0], [sflag:$0x2], $0x80, v3, vm0, $0xb8;
	[tilespmem:$0x10100] =	vst v63  }
0x77: {  	v3 =	vld [tilespmem:$0x80];
	_ =	sdelay $0x4  }
0x78: {  	v60 =	vshll.u32 v3, $0x3  }
0x79: {  	v3 =	vand.u32 $0x7, v3;
	v4 =	vand.u32 $0xFFFFFFC0, v60  }
0x7a: {  	v3 =	vor.u32 v3, v4  }
0x7b: {  	v4 =	vperm.xlane v3, v0;
	_ =	sdelay $0x1  }
0x7c: {  	v4 =	vadd.s32 v1, v4;
	_ =	sdelay $0x4  }
0x7d: {  	[hbm4b:s3+s2] =	stream.indirect_vreg.scatter [tilespmem:s18], [sflag:$0x2], $0x80, v4, vm0, $0xb8;
	[tilespmem:$0x10100] =	vst v63  }
0x7e: {  	v3 =	vperm.xlane v3, v2  }
0x7f: {  	[hbm4b:s4+s2] =	stream.indirect_vreg.scatter [tilespmem:s19], [sflag:$0x2], $0x80, v4, vm0, $0xb8;
	[tilespmem:$0x10100] =	vst v63  }
0x80: {  	v3 =	vadd.s32 v1, v3  }
0x81: {  	[hbm4b:s5+s2] =	stream.indirect_vreg.scatter [tilespmem:s20], [sflag:$0x2], $0x80, v4, vm0, $0xb8;
	[tilespmem:$0x10100] =	vst v63  }
0x82: {  	_ = 	snop  }
0x83: {  	[hbm4b:s6+s2] =	stream.indirect_vreg.scatter [tilespmem:s21], [sflag:$0x2], $0x80, v4, vm0, $0xb8;
	[tilespmem:$0x10100] =	vst v63  }
0x84: {  	_ = 	snop  }
0x85: {  	[hbm4b:s3+s2] =	stream.indirect_vreg.scatter [tilespmem:s22], [sflag:$0x2], $0x80, v3, vm0, $0xb8;
	[tilespmem:$0x10100] =	vst v63  }
0x86: {  	_ = 	snop  }
0x87: {  	[hbm4b:s4+s2] =	stream.indirect_vreg.scatter [tilespmem:s23], [sflag:$0x2], $0x80, v3, vm0, $0xb8;
	[tilespmem:$0x10100] =	vst v63  }
0x88: {  	_ = 	snop  }
0x89: {  	[hbm4b:s5+s2] =	stream.indirect_vreg.scatter [tilespmem:s24], [sflag:$0x2], $0x80, v3, vm0, $0xb8;
	[tilespmem:$0x10100] =	vst v63  }
0x8a: {  	_ = 	snop  }
0x8b: {  	[hbm4b:s6+s2] =	stream.indirect_vreg.scatter [tilespmem:s25], [sflag:$0x2], $0x80, v3, vm0, $0xb8;
	[tilespmem:$0x10100] =	vst v63  }
0x8c: {  	v3 =	vld [tilespmem:$0x90];
	_ =	sdelay $0x4  }
0x8d: {  	v61 =	vshll.u32 v3, $0x3  }
0x8e: {  	v3 =	vand.u32 $0x7, v3;
	v4 =	vand.u32 $0xFFFFFFC0, v61  }
0x8f: {  	v3 =	vor.u32 v3, v4  }
0x90: {  	v4 =	vperm.xlane v3, v0;
	_ =	sdelay $0x1  }
0x91: {  	v4 =	vadd.s32 v1, v4;
	_ =	sdelay $0x4  }
0x92: {  	[hbm4b:s3+s2] =	stream.indirect_vreg.scatter [tilespmem:s26], [sflag:$0x2], $0x80, v4, vm0, $0xb8;
	[tilespmem:$0x10100] =	vst v63  }
0x93: {  	v3 =	vperm.xlane v3, v2  }
0x94: {  	[hbm4b:s4+s2] =	stream.indirect_vreg.scatter [tilespmem:s28], [sflag:$0x2], $0x80, v4, vm0, $0xb8;
	[tilespmem:$0x10100] =	vst v63  }
0x95: {  	v3 =	vadd.s32 v1, v3  }
0x96: {  	[hbm4b:s5+s2] =	stream.indirect_vreg.scatter [tilespmem:s29], [sflag:$0x2], $0x80, v4, vm0, $0xb8;
	[tilespmem:$0x10100] =	vst v63  }
0x97: {  	_ = 	snop  }
0x98: {  	[hbm4b:s6+s2] =	stream.indirect_vreg.scatter [tilespmem:s30], [sflag:$0x2], $0x80, v4, vm0, $0xb8;
	[tilespmem:$0x10100] =	vst v63  }
0x99: {  	_ = 	snop  }
0x9a: {  	[hbm4b:s3+s2] =	stream.indirect_vreg.scatter [tilespmem:s31], [sflag:$0x2], $0x80, v3, vm0, $0xb8;
	[tilespmem:$0x10100] =	vst v63  }
0x9b: {  	_ = 	snop  }
0x9c: {  	[hbm4b:s4+s2] =	stream.indirect_vreg.scatter [tilespmem:s1], [sflag:$0x2], $0x80, v3, vm0, $0xb8;
	[tilespmem:$0x10100] =	vst v63  }
0x9d: {  	s19 =	simm.s32 $0x7100  }
0x9e: {  	[hbm4b:s5+s2] =	stream.indirect_vreg.scatter [tilespmem:s19], [sflag:$0x2], $0x80, v3, vm0, $0xb8;
	[tilespmem:$0x10100] =	vst v63  }
0x9f: {  	_ = 	snop  }
0xa0: {  	[hbm4b:s6+s2] =	stream.indirect_vreg.scatter [tilespmem:s10], [sflag:$0x2], $0x80, v3, vm0, $0xb8;
	[tilespmem:$0x10100] =	vst v63  }
0xa1: {  	v3 =	vld [tilespmem:$0xA0];
	_ =	sdelay $0x4  }
0xa2: {  	v62 =	vshll.u32 v3, $0x3  }
0xa3: {  	v3 =	vand.u32 $0x7, v3;
	v4 =	vand.u32 $0xFFFFFFC0, v62  }
0xa4: {  	v3 =	vor.u32 v3, v4  }
0xa5: {  	v4 =	vperm.xlane v3, v0;
	_ =	sdelay $0x1  }
0xa6: {  	v4 =	vadd.s32 v1, v4;
	_ =	sdelay $0x4  }
0xa7: {  	[hbm4b:s3+s2] =	stream.indirect_vreg.scatter [tilespmem:s11], [sflag:$0x2], $0x80, v4, vm0, $0xb8;
	[tilespmem:$0x10100] =	vst v63  }
0xa8: {  	v3 =	vperm.xlane v3, v2  }
0xa9: {  	[hbm4b:s4+s2] =	stream.indirect_vreg.scatter [tilespmem:s12], [sflag:$0x2], $0x80, v4, vm0, $0xb8;
	[tilespmem:$0x10100] =	vst v63  }
0xaa: {  	v3 =	vadd.s32 v1, v3  }
0xab: {  	[hbm4b:s5+s2] =	stream.indirect_vreg.scatter [tilespmem:s13], [sflag:$0x2], $0x80, v4, vm0, $0xb8;
	[tilespmem:$0x10100] =	vst v63  }
0xac: {  	_ = 	snop  }
0xad: {  	[hbm4b:s6+s2] =	stream.indirect_vreg.scatter [tilespmem:s14], [sflag:$0x2], $0x80, v4, vm0, $0xb8;
	[tilespmem:$0x10100] =	vst v63  }
0xae: {  	_ = 	snop  }
0xaf: {  	[hbm4b:s3+s2] =	stream.indirect_vreg.scatter [tilespmem:s15], [sflag:$0x2], $0x80, v3, vm0, $0xb8;
	[tilespmem:$0x10100] =	vst v63  }
0xb0: {  	_ = 	snop  }
0xb1: {  	[hbm4b:s4+s2] =	stream.indirect_vreg.scatter [tilespmem:s16], [sflag:$0x2], $0x80, v3, vm0, $0xb8;
	[tilespmem:$0x10100] =	vst v63  }
0xb2: {  	_ = 	snop  }
0xb3: {  	[hbm4b:s5+s2] =	stream.indirect_vreg.scatter [tilespmem:s17], [sflag:$0x2], $0x80, v3, vm0, $0xb8;
	[tilespmem:$0x10100] =	vst v63  }
0xb4: {  	_ = 	snop  }
0xb5: {  	[hbm4b:s6+s2] =	stream.indirect_vreg.scatter [tilespmem:s8], [sflag:$0x2], $0x80, v3, vm0, $0xb8;
	[tilespmem:$0x10100] =	vst v63  }
0xb6: {  	v3 =	vld [tilespmem:$0xB0];
	_ =	sdelay $0x4  }
0xb7: {  	v63 =	vshll.u32 v3, $0x3  }
0xb8: {  	v3 =	vand.u32 $0x7, v3;
	v4 =	vand.u32 $0xFFFFFFC0, v63  }
0xb9: {  	v3 =	vor.u32 v3, v4  }
0xba: {  	v4 =	vperm.xlane v3, v0;
	_ =	sdelay $0x1  }
0xbb: {  	v4 =	vadd.s32 v1, v4;
	_ =	sdelay $0x3  }
0xbc: {  	s20 =	simm.s32 $0xC100  }
0xbd: {  	[hbm4b:s3+s2] =	stream.indirect_vreg.scatter [tilespmem:s20], [sflag:$0x2], $0x80, v4, vm0, $0xb8;
	[tilespmem:$0x10100] =	vst v63  }
0xbe: {  	s21 =	simm.s32 $0xC900;
	v3 =	vperm.xlane v3, v2  }
0xbf: {  	[hbm4b:s4+s2] =	stream.indirect_vreg.scatter [tilespmem:s21], [sflag:$0x2], $0x80, v4, vm0, $0xb8;
	[tilespmem:$0x10100] =	vst v63  }
0xc0: {  	s19 =	simm.s32 $0xD100;
	v3 =	vadd.s32 v1, v3  }
0xc1: {  	[hbm4b:s5+s2] =	stream.indirect_vreg.scatter [tilespmem:s19], [sflag:$0x2], $0x80, v4, vm0, $0xb8;
	[tilespmem:$0x10100] =	vst v63  }
0xc2: {  	s20 =	simm.s32 $0xD900  }
0xc3: {  	[hbm4b:s6+s2] =	stream.indirect_vreg.scatter [tilespmem:s20], [sflag:$0x2], $0x80, v4, vm0, $0xb8;
	[tilespmem:$0x10100] =	vst v63  }
0xc4: {  	s21 =	simm.s32 $0xE100  }
0xc5: {  	[hbm4b:s3+s2] =	stream.indirect_vreg.scatter [tilespmem:s21], [sflag:$0x2], $0x80, v3, vm0, $0xb8;
	[tilespmem:$0x10100] =	vst v63  }
0xc6: {  	s19 =	simm.s32 $0xE900  }
0xc7: {  	[hbm4b:s4+s2] =	stream.indirect_vreg.scatter [tilespmem:s19], [sflag:$0x2], $0x80, v3, vm0, $0xb8;
	[tilespmem:$0x10100] =	vst v63  }
0xc8: {  	s20 =	simm.s32 $0xF100  }
0xc9: {  	[hbm4b:s5+s2] =	stream.indirect_vreg.scatter [tilespmem:s20], [sflag:$0x2], $0x80, v3, vm0, $0xb8;
	[tilespmem:$0x10100] =	vst v63  }
0xca: {  	s21 =	simm.s32 $0x2  }
0xcb: {  	[hbm4b:s6+s2] =	stream.indirect_vreg.scatter [tilespmem:s0], [sflag:$0x2], $0x80, v3, vm0, $0xb8;
	[tilespmem:$0x10100] =	vst v63  }
0xcc: {  	p0 =	sne.s32 s7, $0x1;
	_ =	swait.ge [sflag:s21], $0x10000  }
.Ltmp0:
0xcd: {  	[sflag:s21] =	ssyncset.done $0x0;
	(pc) =	sbr.rel @p0 .LBB2_1-.Ltmp0, $4  }
0xce: {  	[sflag:s21] =	ssyncadd.s32 $0xFFFF0000  }
0xcf: {  	_ =	swait.ge [sflag:s21], $0x10000  }
0xd0: {  	[sflag:s21] =	ssyncset.done $0x0  }
0xd1: {  	s7 =	sadd.s32 $0xFFFFFFFF, s7;
	[sflag:s21] =	ssyncadd.s32 $0xFFFF0000  }
0xd2: {  	_ =	sfence.sel $0x180000  }
0xd3: {  	[bflag:$0x0] =	sbarrier.arrive $0xFFFF  }
0xd4: {  	_ =	strace $0x90000047  }
0xd5: {  	s0 =	stileid.u32;
	[bflag:$0x2] =	sbarrier.arrive $0xFFFF  }
0xd6: {  	p0 =	sne.s32 s0, $0x0;
	s0 =	rddreg [dreg:$0x2]  }
0xd7: {  	s0 =	sadd.s32 @!p0 $0x100000, s0  }
0xd8: {  	[sflag:s0] =	ssyncadd.tile.s32 @!p0 $0x1;
	_ =	shalt  }
.Lfunc_end2:
_tile_overlayer_lowered:
.L_overlay_start_2:
0xd9: {  	(tag) =	ssettag $0x2  }
0xda: {  	s0 =	rddreg [dreg:$0x0];
	s2 =	stileid.u32  }
0xdb: {  	s1 =	rddreg [dreg:$0x1];
	p0 =	sne.s32 s2, $0x0  }
0xdc: {  	s3 =	rddreg [dreg:$0x2];
	[bflag:$0x3] =	sbarrier.arrive $0xFFFF;
	s2 =	simm.s32 @!p0 $0x1C03  }
0xdd: {  	[timem:s3], [sflag:s2] =	dma.local @!p0 [hbm:s0], s1  }
0xde: {  	s0 =	simm.s32 @!p0 $0x3  }
0xdf: {  	_ =	swait.ge @!p0 [sflag:s0], s1  }
0xe0: {  	s1 =	ssub.s32 @!p0 $0x0, s1;
	[sflag:s0] =	ssyncset.done @!p0 $0x0  }
0xe1: {  	[sflag:s0] =	ssyncadd.s32 @!p0 s1  }
0xe2: {  	[bflag:$0x3] =	sbarrier.arrive $0xFFFF  }
0xe3: {  	_ =	shalt  }

// kernel: kernel.9.cloned.1.call-start
scs
__scs_entry_jumppad:
0x0: {  	(pc) =	sbr.rel $0x88, $3  }
0x1: {  	(tag) =	ssettag $0x0;
	lr =	simm.s32 $0x1  }
0x2: {  	[smem:$0x3F9C] =	sst lr;
	_ =	strace $0xD0000000  }
0x3: {  	_ = 	snop  }
0x4: {  	_ = 	snop  }
0x5: {  	_ = 	snop  }
0x6: {  	_ = 	snop  }
0x7: {  	_ = 	snop  }
__scs_overlays_trampoline_lowered:
0x8: {  	[smem:$0x3FAB] =	sst s0  }
0x9: {  	[smem:$0x3FAC] =	sst s1  }
0xa: {  	[smem:$0x3FAD] =	sst s2  }
0xb: {  	[smem:$0x3FAE] =	sst s3  }
0xc: {  	[smem:$0x3FAF] =	sst s4  }
0xd: {  	[smem:$0x3FB0] =	sst s5  }
0xe: {  	[smem:$0x3FB1] =	sst s6  }
0xf: {  	[smem:$0x3FB2] =	sst s7  }
0x10: {  	[smem:$0x3FB3] =	sst s8  }
0x11: {  	[smem:$0x3FB4] =	sst s9;
	s0 =	simm.s32 @!p0 $0x0  }
0x12: {  	s1 =	sld [smem:$0x3F9A];
	s0 =	simm.s32 @p0 $0x1  }
0x13: {  	[smem:$0x3FB5] =	sst s0;
	s0 =	simm.s32 @!p1 $0x0  }
0x14: {  	s2 =	sld [smem:$0x3F99];
	s0 =	simm.s32 @p1 $0x1  }
0x15: {  	[smem:$0x3FB6] =	sst s0;
	s0 =	simm.s32 @!p2 $0x0  }
0x16: {  	s3 =	sld [smem:$0x3FDB];
	s0 =	simm.s32 @p2 $0x1  }
0x17: {  	s4 =	simm.s32 $0x1BF5;
	[smem:$0x3FB8] =	sst s0  }
0x18: {  	s0 =	sld [smem:$0x3F9B];
	_ =	swait.ge [sflag:s4], $0x0  }
0x19: {  	s7 =	sld [smem:$0x3F9C]  }
0x1a: {  	s8 =	sadd.s32 $0xFFFFE003, lr  }
0x1b: {  	s9 =	sadd.s32 $0xFFFFFEF7, lr;
	s5 =	simm.s32 $0xFFFFFFFF;
	p2 =	slt.u32 s8, $0xFFFFF086  }
0x1c: {  	p1 =	slt.u32 s9, $0xF7A;
	s5 =	simm.s32 @!p2 $0x0  }
0x1d: {  	s5 =	simm.s32 @p1 $0x1;
	p0 =	seq.s32 s7, s2  }
0x1e: {  	s7 =	smul.u32 @!p0 $0xF7A, s2;
	p2 =	seq.s32 @!p0 s5, $0x0  }
0x1f: {  	s9 =	smul.u32 $0xF7A, s1;
	s8 =	simm.s32 @!p0 $0x1BF5;
	p2 =	por !p2, p0  }
0x20: {  	[sflag:s8] =	ssyncset.s32 @!p0 $0xFFFFF086;
	s6 =	sadd.s32 @!p0 s3, s7;
	s7 =	simm.s32 @!p0 $0x108  }
0x21: {  	s3 =	sadd.s32 s3, s9;
	s6 =	sadd.s32 @!p0 $0x88, s6;
	s7 =	simm.s32 @p2 $0x1082  }
0x22: {  	[simem:s7], [sflag:s8] =	dma.local @!p0 [hbm:s6], $0xF7A  }
0x23: {  	s9 =	sor.u32 $0xD0000000, s2;
	s6 =	simm.s32 $0x108;
	_ =	swait.ge @!p0 [sflag:s8], $0x0  }
0x24: {  	s3 =	sadd.s32 $0x88, s3;
	s6 =	simm.s32 @!p1 $0x1082;
	[sflag:s4] =	ssyncset.s32 $0xFFFFF086  }
0x25: {  	[simem:s6], [sflag:s4] =	dma.local [hbm:s3], $0xF7A  }
0x26: {  	[smem:$0x3F9C] =	sst s1;
	(tag) =	ssettag s2;
	_ =	strace s9  }
0x27: {  	s1 =	sld [smem:$0x3FAC]  }
0x28: {  	s2 =	sld [smem:$0x3FAD]  }
0x29: {  	s4 =	sld [smem:$0x3FAF]  }
0x2a: {  	p0 =	seq.s32 s5, $0x0;
	s5 =	sld [smem:$0x3FB0]  }
0x2b: {  	s6 =	sld [smem:$0x3FB1]  }
0x2c: {  	s7 =	sld [smem:$0x3FB2]  }
0x2d: {  	s3 =	simm.s32 $0x108;
	s8 =	sld [smem:$0x3FB3]  }
0x2e: {  	s3 =	simm.s32 @!p0 $0x1082;
	s9 =	sld [smem:$0x3FB4]  }
0x2f: {  	lr =	sadd.s32 s0, s3;
	s0 =	sld [smem:$0x3FAB]  }
0x30: {  	s3 =	sld [smem:$0x3FAE]  }
0x31: {  	[smem:$0x3FB7] =	sst s10  }
0x32: {  	s10 =	sld [smem:$0x3FB5];
	_ =	sdelay $0x3  }
0x33: {  	p0 =	seq.s32 s10, $0x1;
	s10 =	sld [smem:$0x3FB7];
	_ =	sdelay $0x3  }
0x34: {  	[smem:$0x3FB7] =	sst s10  }
0x35: {  	s10 =	sld [smem:$0x3FB6];
	_ =	sdelay $0x3  }
0x36: {  	p1 =	seq.s32 s10, $0x1;
	s10 =	sld [smem:$0x3FB7];
	_ =	sdelay $0x3  }
0x37: {  	[smem:$0x3FB7] =	sst s10  }
0x38: {  	s10 =	sld [smem:$0x3FB8]  }
0x39: {  	_ = 	snop;
	(pc) =	sbr.ind lr, $3  }
0x3a: {  	_ = 	snop  }
0x3b: {  	_ = 	snop  }
0x3c: {  	p2 =	seq.s32 s10, $0x1;
	s10 =	sld [smem:$0x3FB7]  }
0x3d: {  	_ =	shalt  }
0x3e: {  	_ =	shalt  }
0x3f: {  	_ =	shalt  }
0x40: {  	_ =	shalt  }
0x41: {  	_ =	shalt  }
0x42: {  	_ =	shalt  }
0x43: {  	_ =	shalt  }
0x44: {  	_ =	shalt  }
0x45: {  	_ =	shalt  }
0x46: {  	_ =	shalt  }
0x47: {  	_ =	shalt  }
0x48: {  	_ =	shalt  }
0x49: {  	_ =	shalt  }
0x4a: {  	_ =	shalt  }
0x4b: {  	_ =	shalt  }
0x4c: {  	_ =	shalt  }
0x4d: {  	_ =	shalt  }
0x4e: {  	_ =	shalt  }
0x4f: {  	_ =	shalt  }
0x50: {  	_ =	shalt  }
0x51: {  	_ =	shalt  }
0x52: {  	_ =	shalt  }
0x53: {  	_ =	shalt  }
0x54: {  	_ =	shalt  }
0x55: {  	_ =	shalt  }
0x56: {  	_ =	shalt  }
0x57: {  	_ =	shalt  }
0x58: {  	_ =	shalt  }
0x59: {  	_ =	shalt  }
0x5a: {  	_ =	shalt  }
0x5b: {  	_ =	shalt  }
0x5c: {  	_ =	shalt  }
0x5d: {  	_ =	shalt  }
0x5e: {  	_ =	shalt  }
0x5f: {  	_ =	shalt  }
0x60: {  	_ =	shalt  }
0x61: {  	_ =	shalt  }
0x62: {  	_ =	shalt  }
0x63: {  	_ =	shalt  }
0x64: {  	_ =	shalt  }
0x65: {  	_ =	shalt  }
0x66: {  	_ =	shalt  }
0x67: {  	_ =	shalt  }
0x68: {  	_ =	shalt  }
0x69: {  	_ =	shalt  }
0x6a: {  	_ =	shalt  }
0x6b: {  	_ =	shalt  }
0x6c: {  	_ =	shalt  }
0x6d: {  	_ =	shalt  }
0x6e: {  	_ =	shalt  }
0x6f: {  	_ =	shalt  }
0x70: {  	_ =	shalt  }
0x71: {  	_ =	shalt  }
0x72: {  	_ =	shalt  }
0x73: {  	_ =	shalt  }
0x74: {  	_ =	shalt  }
0x75: {  	_ =	shalt  }
0x76: {  	_ =	shalt  }
0x77: {  	_ =	shalt  }
0x78: {  	_ =	shalt  }
0x79: {  	_ =	shalt  }
0x7a: {  	_ =	shalt  }
0x7b: {  	_ =	shalt  }
0x7c: {  	_ =	shalt  }
0x7d: {  	_ =	shalt  }
0x7e: {  	_ =	shalt  }
0x7f: {  	_ =	shalt  }
0x80: {  	_ =	shalt  }
0x81: {  	_ =	shalt  }
0x82: {  	_ =	shalt  }
0x83: {  	_ =	shalt  }
0x84: {  	_ =	shalt  }
0x85: {  	_ =	shalt  }
0x86: {  	_ =	shalt  }
0x87: {  	_ =	shalt  }
.Lfunc_end0:
.L_simem_size_0:
called_computation.1_lowered:
.L_overlay_start_0:
0x88: {  	s2 =	sld [smem:$0x3FD9]  }
0x89: {  	s3 =	sld [smem:$0x3FFE];
	_ =	sdelay $0x1  }
0x8a: {  	s1 =	srdreg.scid  }
0x8b: {  	s0 =	sand.u32 $0x1, s1  }
0x8c: {  	s17 =	sshll.u32 s0, $0xA;
	s2 =	sadd.s32 s3, s2  }
0x8d: {  	s2 =	sadd.s32 s2, s17  }
0x8e: {  	[smem:$0x3FC3] =	sst s2  }
0x8f: {  	_ = 	snop  }
0x90: {  	s2 =	sld [smem:$0x3FD0];
	(tm) =	ssettm $0x1  }
0x91: {  	s18 =	sld [smem:$0x3FFB];
	_ =	sdelay $0x3  }
0x92: {  	_ =	strace s18  }
0x93: {  	s3 =	sld [smem:$0x3FFC];
	_ =	sdelay $0x3  }
0x94: {  	_ =	strace s3  }
0x95: {  	s3 =	sld [smem:$0x3FFD];
	_ =	sdelay $0x3  }
0x96: {  	_ =	strace s3  }
0x97: {  	_ =	strace $0x8FFFFFFF  }
0x98: {  	s19 =	sld [smem:$0x3FDB];
	_ =	sdelay $0x1  }
0x99: {  	s4 =	simm.s32 $_scs_section_size  }
0x9a: {  	s5 =	simm.s32 $_size__tile_overlayer_lowered;
	s6 =	simm.s32 $_tile_overlayer_lowered  }
0x9b: {  	s22 =	simm.s32 $0x1BFF;
	s21 =	sshll.u32 s6, $0x1;
	s3 =	sadd.s32 s4, s19  }
0x9c: {  	s7 =	simm.s32 $0x0;
	s20 =	sshll.u32 s5, $0x1;
	s5 =	sadd.s32 s21, s3  }
0x9d: {  	[timem:s7], [sflag:s22] =	dma.local [hbm:s5], s20  }
0x9e: {  	_ =	swait.ge [sflag:s22], s20  }
0x9f: {  	s4 =	ssub.s32 $0x0, s20;
	[sflag:s22] =	ssyncset.done $0x0  }
0xa0: {  	[sflag:s22] =	ssyncadd.s32 s4;
	_ =	sdelay $0x1  }
0xa1: {  	s23 =	simm.s32 $0x1B8B  }
0xa2: {  	_ =	swait.ge [sflag:s23], $0x1  }
0xa3: {  	[sflag:s23] =	ssyncset.done $0x0  }
0xa4: {  	s25 =	simm.s32 $0x1B8E;
	s24 =	sld [smem:$0x3FFE];
	[sflag:s23] =	ssyncadd.s32 $0xFFFFFFFF  }
0xa5: {  	s26 =	simm.s32 $execute0_lowered;
	[smem:$0x3FD2] =	sst s25  }
0xa6: {  	s5 =	sshll.u32 s26, $0x1;
	_ =	strace $0x80000049;
	[dreg:$0x1] =	wrdreg $0xFFFFFFFF  }
0xa7: {  	s28 =	simm.s32 $_size_execute0_lowered;
	s3 =	sadd.s32 s3, s5;
	[dreg:$0x0] =	wrdreg $0x0  }
0xa8: {  	s5 =	sshll.u32 s28, $0x1;
	[dreg:$0x2] =	wrdreg s3  }
0xa9: {  	[dreg:$0x3] =	wrdreg s5  }
0xaa: {  	[dreg:$0x4] =	wrdreg $0xC0  }
0xab: {  	_ =	task [dreg:s7], $0x5FFFF  }
0xac: {  	[dreg:$0x1] =	wrdreg $0xFFFFFFFF  }
0xad: {  	[dreg:$0x0] =	wrdreg $0x60  }
0xae: {  	[dreg:$0x2] =	wrdreg s24  }
0xaf: {  	[dreg:$0x3] =	wrdreg s2  }
0xb0: {  	[dreg:$0x4] =	wrdreg $0x9  }
0xb1: {  	_ =	task.clear_ibuf [dreg:s7], $0x5FFFF;
	_ =	strace $0x90000049  }
0xb2: {  	s29 =	simm.s32 $0x9;
	_ =	strace $0x8000004B  }
0xb3: {  	_ =	swait.ge [sflag:s29], $0x1  }
0xb4: {  	[sflag:s29] =	ssyncadd.s32 $0xFFFFFFFF  }
0xb5: {  	_ =	strace $0x9000004B  }
0xb6: {  	_ =	sfence  }
0xb7: {  	s30 =	sld [smem:$0x0];
	_ =	sdelay $0x2  }
0xb8: {  	s31 =	sshll.u32 s1, $0xD;
	s1 =	sshrl.u32 s1, $0x2  }
0xb9: {  	s3 =	sand.u32 $0x4000, s31;
	s1 =	sadd.s32 s1, s30  }
0xba: {  	s0 =	sor.u32 s3, s0;
	s1 =	sshll.u32 s1, $0x11  }
0xbb: {  	s0 =	sor.u32 s1, s0  }
0xbc: {  	s0 =	sadd.s32 $0x8F2B, s0  }
0xbd: {  	[sflag:s0] =	ssyncadd.remote.s32 $0x1  }
0xbe: {  	_ =	sfence.sel $0xFFFF  }
0xbf: {  	[dreg:$0x0] =	wrdreg $0xFFFFFFFF;
	(pc) =	sbr.abs _section_cstart, $3  }
0xc0: {  	[dreg:$0x1] =	wrdreg $0xFFFFFFFF  }
0xc1: {  	_ =	task.clear_ibuf [dreg:s7], $0x2FFFF;
	_ =	strace $0x9FFFFFFF  }
0xc2: {  	(tm) =	ssettm $0x7FFFFFFF  }
0xc3: {  	_ =	shalt  }
tec
execute0_lowered:
.L_overlay_start_1:
0x0: {  	(tag) =	ssettag $0x1  }
0x1: {  	s0 =	rddreg [dreg:$0x0]  }
0x2: {  	s1 =	rddreg [dreg:$0x1];
	s2 =	simm.s32 $0x0  }
0x3: {  	s3 =	srdreg.scid;
	s5 =	stileid.u32;
	s19 =	simm.s32 $0x1  }
0x4: {  	s12 =	simm.s32 $0x10900;
	s13 =	simm.s32 $0x11100;
	s14 =	simm.s32 $0x12100  }
0x5: {  	s28 =	simm.s32 $0x12900;
	s15 =	simm.s32 $0x13100;
	s29 =	simm.s32 $0x13900  }
0x6: {  	s30 =	simm.s32 $0x14100;
	s31 =	simm.s32 $0x3;
	s16 =	simm.s32 $0x5  }
0x7: {  	s17 =	simm.s32 $0x0;
	s4 =	sand.u32 $0x1, s3;
	s5 =	sshll.u32 s5, $0x1  }
0x8: {  	[smem:$0x7FF] =	sst s2;
	s3 =	sadd.s32 $0x112200, s0;
	s5 =	sor.u32 s4, s5  }
0x9: {  	s9 =	sadd.s32 $0x112400, s0;
	s11 =	sadd.s32 $0x112500, s0;
	s6 =	sshll.u32 s5, $0x4  }
0xa: {  	_ =	strace $0x8000004A;
	s4 =	ssub.s32 $0x2, s4;
	s6 =	sadd.s32 s6, s0  }
0xb: {  	s7 =	sshll.u32 s5, $0xA;
	s8 =	sshrl.u32 s4, $0x1;
	s20 =	sadd.s32 $0x11E00, s6  }
0xc: {  	s7 =	sadd.s32 s7, s0;
	s6 =	sadd.s32 $0x12000, s6;
	[dreg:$0x3] =	wrdreg s20  }
0xd: {  	s5 =	sshll.u32 s5, $0xD;
	s21 =	sadd.s32 $0x1E00, s7;
	[dreg:$0x4] =	wrdreg s6  }
0xe: {  	s10 =	sadd.s32 s1, s5;
	s22 =	sadd.s32 $0x9E00, s7;
	[dreg:$0x5] =	wrdreg s21  }
0xf: {  	s4 =	ssub.s32 s4, s8;
	s23 =	sadd.s32 $0x800, s10;
	[dreg:$0x6] =	wrdreg s22  }
0x10: {  	s8 =	sadd.s32 $0x112300, s0;
	s24 =	sadd.s32 $0x1000, s10;
	[dreg:$0x7] =	wrdreg s23  }
0x11: {  	s0 =	simm.s32 $0x18100;
	s25 =	sadd.s32 $0x1800, s10;
	[dreg:$0x8] =	wrdreg s24  }
0x12: {  	v2 =	vlaneseq.u32;
	s1 =	simm.s32 $0x4;
	s26 =	smax.u32 s4, $0x1;
	[dreg:$0x9] =	wrdreg s25  }
0x13: {  	vm0 =	vmmov $0xffff;
	v1 =	vshrl.u32 v2, $0x3;
	s4 =	simm.s32 $0x2;
	[dreg:$0xa] =	wrdreg s26;
	s23 =	simm.s32 $0xB100  }
0x14: {  	v0 =	vand.u32 $0x7, v2;
	v2 =	vor.u32 $0x8, v2;
	v1 =	vmul.u32 $0x8, v1;
	s24 =	simm.s32 $0xB900;
	s25 =	simm.s32 $0x10100;
	s26 =	simm.s32 $0x11900  }
.LBB2_1:
0x15: {  	s5 =	rddreg [dreg:$0x3]  }
0x16: {  	[tilespmem:s2], [sflag:$0x1] =	stream.linear.gather [hbm4b:s5+s2], $0x80, $0x38;
	[tilespmem:$0x1C100] =	vst v63  }
0x17: {  	s20 =	rddreg [dreg:$0x4];
	s6 =	simm.s32 $0x80  }
0x18: {  	[tilespmem:s6], [sflag:$0x1] =	stream.linear.gather [hbm4b:s20+s2], $0x80, $0x38;
	[tilespmem:$0x1C100] =	vst v63  }
0x19: {  	s21 =	rddreg [dreg:$0x5];
	s22 =	simm.s32 $0x100  }
0x1a: {  	[tilespmem:s22], [sflag:$0x1] =	stream.linear.gather [hbm4b:s21+s2], $0x2000, $0x38;
	[tilespmem:$0x1C100] =	vst v63  }
0x1b: {  	s7 =	simm.s32 $0x2100;
	s6 =	rddreg [dreg:$0x6]  }
0x1c: {  	[tilespmem:s7], [sflag:$0x1] =	stream.linear.gather [hbm4b:s6+s2], $0x2000, $0x38;
	[tilespmem:$0x1C100] =	vst v63  }
0x1d: {  	_ =	swait.ge [sflag:s19], $0x80  }
0x1e: {  	[sflag:s19] =	ssyncset.done $0x0  }
0x1f: {  	[sflag:s19] =	ssyncadd.s32 $0xFFFFFF80  }
0x20: {  	_ =	swait.ge [sflag:s19], $0x80  }
0x21: {  	[sflag:s19] =	ssyncset.done $0x0  }
0x22: {  	[sflag:s19] =	ssyncadd.s32 $0xFFFFFF80  }
0x23: {  	_ =	swait.ge [sflag:s19], $0x2000  }
0x24: {  	[sflag:s19] =	ssyncset.done $0x0  }
0x25: {  	[sflag:s19] =	ssyncadd.s32 $0xFFFFE000  }
0x26: {  	_ =	swait.ge [sflag:s19], $0x2000  }
0x27: {  	[sflag:s19] =	ssyncset.done $0x0  }
0x28: {  	[sflag:s19] =	ssyncadd.s32 $0xFFFFE000  }
0x29: {  	v3 =	vld [tilespmem:$0x0];
	_ =	sdelay $0x4  }
0x2a: {  	v4 =	vshll.u32 v3, $0x3  }
0x2b: {  	v3 =	vand.u32 $0x7, v3;
	v4 =	vand.u32 $0xFFFFFFC0, v4  }
0x2c: {  	v3 =	vor.u32 v3, v4  }
0x2d: {  	v4 =	vperm.xlane v3, v0;
	_ =	sdelay $0x1  }
0x2e: {  	v4 =	vadd.s32 v1, v4;
	_ =	sdelay $0x3  }
0x2f: {  	s18 =	simm.s32 $0x4100  }
0x30: {  	[tilespmem:s18], [sflag:$0x2] =	stream.indirect_vreg.gather [hbm4b:s3+s2], $0x80, v4, vm0, $0xb8;
	[tilespmem:$0x1C100] =	vst v63  }
0x31: {  	s20 =	simm.s32 $0x4900;
	v3 =	vperm.xlane v3, v2  }
0x32: {  	[tilespmem:s20], [sflag:$0x2] =	stream.indirect_vreg.gather [hbm4b:s8+s2], $0x80, v4, vm0, $0xb8;
	[tilespmem:$0x1C100] =	vst v63  }
0x33: {  	s21 =	simm.s32 $0x5100;
	v3 =	vadd.s32 v1, v3  }
0x34: {  	[tilespmem:s21], [sflag:$0x2] =	stream.indirect_vreg.gather [hbm4b:s9+s2], $0x80, v4, vm0, $0xb8;
	[tilespmem:$0x1C100] =	vst v63  }
0x35: {  	s22 =	simm.s32 $0x5900  }
0x36: {  	[tilespmem:s22], [sflag:$0x2] =	stream.indirect_vreg.gather [hbm4b:s11+s2], $0x80, v4, vm0, $0xb8;
	[tilespmem:$0x1C100] =	vst v63  }
0x37: {  	s6 =	simm.s32 $0x6100  }
0x38: {  	[tilespmem:s6], [sflag:$0x2] =	stream.indirect_vreg.gather [hbm4b:s3+s2], $0x80, v3, vm0, $0xb8;
	[tilespmem:$0x1C100] =	vst v63  }
0x39: {  	s7 =	simm.s32 $0x6900  }
0x3a: {  	[tilespmem:s7], [sflag:$0x2] =	stream.indirect_vreg.gather [hbm4b:s8+s2], $0x80, v3, vm0, $0xb8;
	[tilespmem:$0x1C100] =	vst v63  }
0x3b: {  	s18 =	simm.s32 $0x7100  }
0x3c: {  	[tilespmem:s18], [sflag:$0x2] =	stream.indirect_vreg.gather [hbm4b:s9+s2], $0x80, v3, vm0, $0xb8;
	[tilespmem:$0x1C100] =	vst v63  }
0x3d: {  	s20 =	simm.s32 $0x7900  }
0x3e: {  	[tilespmem:s20], [sflag:$0x2] =	stream.indirect_vreg.gather [hbm4b:s11+s2], $0x80, v3, vm0, $0xb8;
	[tilespmem:$0x1C100] =	vst v63  }
0x3f: {  	v3 =	vld [tilespmem:$0x80];
	_ =	sdelay $0x4  }
0x40: {  	v61 =	vshll.u32 v3, $0x3  }
0x41: {  	v3 =	vand.u32 $0x7, v3;
	v4 =	vand.u32 $0xFFFFFFC0, v61  }
0x42: {  	v3 =	vor.u32 v3, v4  }
0x43: {  	v4 =	vperm.xlane v3, v0;
	_ =	sdelay $0x1  }
0x44: {  	v4 =	vadd.s32 v1, v4;
	_ =	sdelay $0x3  }
0x45: {  	s21 =	simm.s32 $0xC100  }
0x46: {  	[tilespmem:s21], [sflag:$0x2] =	stream.indirect_vreg.gather [hbm4b:s3+s2], $0x80, v4, vm0, $0xb8;
	[tilespmem:$0x1C100] =	vst v63  }
0x47: {  	s22 =	simm.s32 $0xC900;
	v3 =	vperm.xlane v3, v2  }
0x48: {  	[tilespmem:s22], [sflag:$0x2] =	stream.indirect_vreg.gather [hbm4b:s8+s2], $0x80, v4, vm0, $0xb8;
	[tilespmem:$0x1C100] =	vst v63  }
0x49: {  	s6 =	simm.s32 $0xD100;
	v3 =	vadd.s32 v1, v3  }
0x4a: {  	[tilespmem:s6], [sflag:$0x2] =	stream.indirect_vreg.gather [hbm4b:s9+s2], $0x80, v4, vm0, $0xb8;
	[tilespmem:$0x1C100] =	vst v63  }
0x4b: {  	s7 =	simm.s32 $0xD900  }
0x4c: {  	[tilespmem:s7], [sflag:$0x2] =	stream.indirect_vreg.gather [hbm4b:s11+s2], $0x80, v4, vm0, $0xb8;
	[tilespmem:$0x1C100] =	vst v63  }
0x4d: {  	s18 =	simm.s32 $0xE100  }
0x4e: {  	[tilespmem:s18], [sflag:$0x2] =	stream.indirect_vreg.gather [hbm4b:s3+s2], $0x80, v3, vm0, $0xb8;
	[tilespmem:$0x1C100] =	vst v63  }
0x4f: {  	s20 =	simm.s32 $0xE900  }
0x50: {  	[tilespmem:s20], [sflag:$0x2] =	stream.indirect_vreg.gather [hbm4b:s8+s2], $0x80, v3, vm0, $0xb8;
	[tilespmem:$0x1C100] =	vst v63  }
0x51: {  	s21 =	simm.s32 $0xF100  }
0x52: {  	[tilespmem:s21], [sflag:$0x2] =	stream.indirect_vreg.gather [hbm4b:s9+s2], $0x80, v3, vm0, $0xb8;
	[tilespmem:$0x1C100] =	vst v63  }
0x53: {  	s22 =	simm.s32 $0xF900  }
0x54: {  	[tilespmem:s22], [sflag:$0x2] =	stream.indirect_vreg.gather [hbm4b:s11+s2], $0x80, v3, vm0, $0xb8;
	[tilespmem:$0x1C100] =	vst v63  }
0x55: {  	_ =	swait.ge [sflag:s4], $0x4000  }
0x56: {  	[sflag:s4] =	ssyncset.done $0x0  }
0x57: {  	[sflag:s4] =	ssyncadd.s32 $0xFFFFC000  }
0x58: {  	_ =	swait.ge [sflag:s4], $0x4000  }
0x59: {  	[sflag:s4] =	ssyncset.done $0x0  }
0x5a: {  	[sflag:s4] =	ssyncadd.s32 $0xFFFFC000  }
0x5b: {  	v3 =	vld [tilespmem:$0x10];
	_ =	sdelay $0x4  }
0x5c: {  	v62 =	vshll.u32 v3, $0x3  }
0x5d: {  	v3 =	vand.u32 $0x7, v3;
	v4 =	vand.u32 $0xFFFFFFC0, v62  }
0x5e: {  	v3 =	vor.u32 v3, v4  }
0x5f: {  	v4 =	vperm.xlane v3, v0;
	_ =	sdelay $0x1  }
0x60: {  	v4 =	vadd.s32 v1, v4;
	_ =	sdelay $0x3  }
0x61: {  	s6 =	simm.s32 $0x8100  }
0x62: {  	[tilespmem:s6], [sflag:$0x3] =	stream.indirect_vreg.gather [hbm4b:s3+s2], $0x80, v4, vm0, $0xb8;
	[tilespmem:$0x1C100] =	vst v63  }
0x63: {  	s7 =	simm.s32 $0x8900;
	v3 =	vperm.xlane v3, v2  }
0x64: {  	[tilespmem:s7], [sflag:$0x3] =	stream.indirect_vreg.gather [hbm4b:s8+s2], $0x80, v4, vm0, $0xb8;
	[tilespmem:$0x1C100] =	vst v63  }
0x65: {  	s18 =	simm.s32 $0x9100;
	v3 =	vadd.s32 v1, v3  }
0x66: {  	[tilespmem:s18], [sflag:$0x3] =	stream.indirect_vreg.gather [hbm4b:s9+s2], $0x80, v4, vm0, $0xb8;
	[tilespmem:$0x1C100] =	vst v63  }
0x67: {  	s20 =	simm.s32 $0x9900  }
0x68: {  	[tilespmem:s20], [sflag:$0x3] =	stream.indirect_vreg.gather [hbm4b:s11+s2], $0x80, v4, vm0, $0xb8;
	[tilespmem:$0x1C100] =	vst v63  }
0x69: {  	s21 =	simm.s32 $0xA100  }
0x6a: {  	[tilespmem:s21], [sflag:$0x3] =	stream.indirect_vreg.gather [hbm4b:s3+s2], $0x80, v3, vm0, $0xb8;
	[tilespmem:$0x1C100] =	vst v63  }
0x6b: {  	s22 =	simm.s32 $0xA900  }
0x6c: {  	[tilespmem:s22], [sflag:$0x3] =	stream.indirect_vreg.gather [hbm4b:s8+s2], $0x80, v3, vm0, $0xb8;
	[tilespmem:$0x1C100] =	vst v63  }
0x6d: {  	_ = 	snop  }
0x6e: {  	[tilespmem:s23], [sflag:$0x3] =	stream.indirect_vreg.gather [hbm4b:s9+s2], $0x80, v3, vm0, $0xb8;
	[tilespmem:$0x1C100] =	vst v63  }
0x6f: {  	_ = 	snop  }
0x70: {  	[tilespmem:s24], [sflag:$0x3] =	stream.indirect_vreg.gather [hbm4b:s11+s2], $0x80, v3, vm0, $0xb8;
	[tilespmem:$0x1C100] =	vst v63  }
0x71: {  	v3 =	vld [tilespmem:$0x90];
	_ =	sdelay $0x4  }
0x72: {  	v63 =	vshll.u32 v3, $0x3  }
0x73: {  	v3 =	vand.u32 $0x7, v3;
	v4 =	vand.u32 $0xFFFFFFC0, v63  }
0x74: {  	v3 =	vor.u32 v3, v4  }
0x75: {  	v4 =	vperm.xlane v3, v0;
	_ =	sdelay $0x1  }
0x76: {  	v4 =	vadd.s32 v1, v4;
	_ =	sdelay $0x4  }
0x77: {  	[tilespmem:s25], [sflag:$0x3] =	stream.indirect_vreg.gather [hbm4b:s3+s2], $0x80, v4, vm0, $0xb8;
	[tilespmem:$0x1C100] =	vst v63  }
0x78: {  	v3 =	vperm.xlane v3, v2  }
0x79: {  	[tilespmem:s12], [sflag:$0x3] =	stream.indirect_vreg.gather [hbm4b:s8+s2], $0x80, v4, vm0, $0xb8;
	[tilespmem:$0x1C100] =	vst v63  }
0x7a: {  	v3 =	vadd.s32 v1, v3  }
0x7b: {  	[tilespmem:s13], [sflag:$0x3] =	stream.indirect_vreg.gather [hbm4b:s9+s2], $0x80, v4, vm0, $0xb8;
	[tilespmem:$0x1C100] =	vst v63  }
0x7c: {  	_ = 	snop  }
0x7d: {  	[tilespmem:s26], [sflag:$0x3] =	stream.indirect_vreg.gather [hbm4b:s11+s2], $0x80, v4, vm0, $0xb8;
	[tilespmem:$0x1C100] =	vst v63  }
0x7e: {  	_ = 	snop  }
0x7f: {  	[tilespmem:s14], [sflag:$0x3] =	stream.indirect_vreg.gather [hbm4b:s3+s2], $0x80, v3, vm0, $0xb8;
	[tilespmem:$0x1C100] =	vst v63  }
0x80: {  	_ = 	snop  }
0x81: {  	[tilespmem:s28], [sflag:$0x3] =	stream.indirect_vreg.gather [hbm4b:s8+s2], $0x80, v3, vm0, $0xb8;
	[tilespmem:$0x1C100] =	vst v63  }
0x82: {  	_ = 	snop  }
0x83: {  	[tilespmem:s15], [sflag:$0x3] =	stream.indirect_vreg.gather [hbm4b:s9+s2], $0x80, v3, vm0, $0xb8;
	[tilespmem:$0x1C100] =	vst v63  }
0x84: {  	s5 =	simm.s32 $0x0;
	s6 =	simm.s32 $0x0;
	s18 =	simm.s32 $0x0  }
0x85: {  	[tilespmem:s29], [sflag:$0x3] =	stream.indirect_vreg.gather [hbm4b:s11+s2], $0x80, v3, vm0, $0xb8;
	[tilespmem:$0x1C100] =	vst v63  }
.LBB2_2:
0x86: {  	s7 =	sshll.u32 s5, $0x2;
	s20 =	sand.u32 $0x7, s18  }
0x87: {  	s7 =	sand.u32 $0xFFFF8000, s7;
	s20 =	sshll.u32 s20, $0x9  }
0x88: {  	s21 =	sshll.u32 s6, $0x7;
	s7 =	sor.u32 s20, s7  }
0x89: {  	v3 =	vld [tilespmem:s21+$0x100];
	s7 =	sshrl.u32 s7, $0x2  }
0x8a: {  	v4 =	vld [tilespmem:s21+$0x2100];
	s22 =	sadd.s32 $0x4140, s7  }
0x8b: {  	s20 =	sadd.s32 $0xC140, s7;
	v5 =	vld [tilespmem:s22+$0x30]  }
0x8c: {  	v6 =	vld [tilespmem:s20+$0x30]  }
0x8d: {  	v8 =	vld [tilespmem:s20+$0xFFFFFFC0]  }
0x8e: {  	v7 =	vld [tilespmem:s22+$0xFFFFFFD0]  }
0x8f: {  	v9 =	vld [tilespmem:s20+$0xFFFFFFD0]  }
0x90: {  	v10 =	vld [tilespmem:s22+$0xFFFFFFE0]  }
0x91: {  	v11 =	vld [tilespmem:s20+$0xFFFFFFE0]  }
0x92: {  	v12 =	vld [tilespmem:s22+$0xFFFFFFF0]  }
0x93: {  	v13 =	vld [tilespmem:s20+$0xFFFFFFF0]  }
0x94: {  	v14 =	vld [tilespmem:s22+$0x0];
	v5 =	vmul.f32 v5, v3;
	v6 =	vmul.f32 v6, v4  }
0x95: {  	v16 =	vld [tilespmem:s20+$0x0];
	v15 =	vmul.f32 v7, v3;
	v9 =	vmul.f32 v9, v4  }
0x96: {  	v10 =	vmul.f32 v10, v3;
	v11 =	vmul.f32 v11, v4;
	v7 =	vld [tilespmem:s22+$0x10];
	v5 =	vadd.f32 v6, v5  }
0x97: {  	s7 =	sadd.s32 $0x14140, s7;
	v15 =	vadd.f32 v9, v15;
	v6 =	vld [tilespmem:s20+$0x10]  }
0x98: {  	v12 =	vmul.f32 v12, v3;
	v13 =	vmul.f32 v13, v4;
	v17 =	vadd.f32 v11, v10;
	v9 =	vld [tilespmem:s22+$0x20];
	[tilespmem:s7+$0x30] =	vst v5  }
0x99: {  	v10 =	vld [tilespmem:s20+$0x20];
	v11 =	vmul.f32 v14, v3;
	[tilespmem:s7+$0xFFFFFFD0] =	vst v15  }
0x9a: {  	s21 =	simm.s32 $0x0;
	v12 =	vadd.f32 v13, v12;
	v13 =	vmul.f32 v16, v4;
	v5 =	vmul.f32 v8, v4;
	v8 =	vld [tilespmem:s22+$0xFFFFFFC0];
	[tilespmem:s7+$0xFFFFFFE0] =	vst v17;
	s22 =	sadd.s32 $0x400, s22  }
.LBB2_3:
0x9b: {  	v14 =	vld [tilespmem:s22+$0x30];
	v7 =	vmul.f32 v7, v3;
	s20 =	sadd.s32 $0x400, s20  }
0x9c: {  	s21 =	sadd.s32 $0x80, s21;
	v15 =	vld [tilespmem:s20+$0x30];
	[tilespmem:s7+$0xFFFFFFF0] =	vst v12;
	v11 =	vadd.f32 v13, v11;
	v6 =	vmul.f32 v6, v4  }
0x9d: {  	p0 =	slt.u32 s21, $0x380;
	v12 =	vld [tilespmem:s20+$0xFFFFFFC0];
	v9 =	vmul.f32 v9, v3  }
0x9e: {  	v13 =	vld [tilespmem:s22+$0xFFFFFFD0];
	[tilespmem:s7+$0x0] =	vst v11;
	v6 =	vadd.f32 v6, v7;
	v7 =	vmul.f32 v10, v4  }
0x9f: {  	v10 =	vld [tilespmem:s20+$0xFFFFFFD0];
	v8 =	vmul.f32 v8, v3  }
0xa0: {  	v11 =	vld [tilespmem:s22+$0xFFFFFFE0];
	[tilespmem:s7+$0x10] =	vst v6;
	v6 =	vadd.f32 v7, v9  }
0xa1: {  	v9 =	vmul.f32 v14, v3;
	v7 =	vld [tilespmem:s20+$0xFFFFFFE0];
	v14 =	vmul.f32 v15, v4;
	v8 =	vadd.f32 v5, v8  }
0xa2: {  	v5 =	vmul.f32 v12, v4;
	v12 =	vld [tilespmem:s22+$0xFFFFFFF0];
	[tilespmem:s7+$0x20] =	vst v6  }
0xa3: {  	v6 =	vmul.f32 v13, v3;
	v13 =	vld [tilespmem:s20+$0xFFFFFFF0];
	v9 =	vadd.f32 v14, v9;
	[tilespmem:s7+$0xFFFFFFC0] =	vst v8  }
0xa4: {  	s7 =	sadd.s32 $0x400, s7;
	v8 =	vmul.f32 v10, v4;
	v10 =	vld [tilespmem:s22+$0x0]  }
0xa5: {  	v11 =	vmul.f32 v11, v3;
	v14 =	vld [tilespmem:s20+$0x0];
	[tilespmem:s7+$0x30] =	vst v9  }
.Ltmp0:
0xa6: {  	v8 =	vadd.f32 v8, v6;
	v9 =	vmul.f32 v7, v4;
	v7 =	vld [tilespmem:s22+$0x10];
	(pc) =	sbr.rel @p0 .LBB2_3-.Ltmp0, $4  }
0xa7: {  	v12 =	vmul.f32 v12, v3;
	v6 =	vld [tilespmem:s20+$0x10]  }
0xa8: {  	[tilespmem:s7+$0xFFFFFFD0] =	vst v8;
	v15 =	vadd.f32 v9, v11;
	v13 =	vmul.f32 v13, v4;
	v9 =	vld [tilespmem:s22+$0x20]  }
0xa9: {  	v11 =	vmul.f32 v10, v3;
	v10 =	vld [tilespmem:s20+$0x20]  }
0xaa: {  	v8 =	vld [tilespmem:s22+$0xFFFFFFC0];
	[tilespmem:s7+$0xFFFFFFE0] =	vst v15;
	v12 =	vadd.f32 v13, v12;
	v13 =	vmul.f32 v14, v4;
	s22 =	sadd.s32 $0x400, s22  }
0xab: {  	_ =	sdelay $0x1  }
0xac: {  	v7 =	vmul.f32 v7, v3;
	s6 =	sadd.s32 $0x1, s6;
	v6 =	vmul.f32 v6, v4  }
0xad: {  	v11 =	vadd.f32 v13, v11;
	p0 =	sne.s32 s6, $0x10;
	v9 =	vmul.f32 v9, v3;
	v63 =	vmul.f32 v10, v4  }
.Ltmp1:
0xae: {  	[tilespmem:s7+$0xFFFFFFF0] =	vst v12;
	v6 =	vadd.f32 v6, v7;
	v3 =	vmul.f32 v8, v3;
	(pc) =	sbr.rel @p0 .LBB2_2-.Ltmp1, $4  }
0xaf: {  	[tilespmem:s7+$0x0] =	vst v11;
	v4 =	vadd.f32 v63, v9  }
0xb0: {  	[tilespmem:s7+$0x10] =	vst v6;
	v3 =	vadd.f32 v5, v3  }
0xb1: {  	[tilespmem:s7+$0x20] =	vst v4  }
0xb2: {  	s5 =	sadd.s32 $0x400, s5;
	s18 =	sadd.s32 $0x1, s18;
	[tilespmem:s7+$0xFFFFFFC0] =	vst v3  }
0xb3: {  	s18 =	simm.s32 $0x0  }
0xb4: {  	[hbm4b:s10+s18] =	stream.linear.scatter [tilespmem:s30], [sflag:$0x4], $0x4000, $0x38;
	[tilespmem:$0x1C100] =	vst v63  }
0xb5: {  	_ =	swait.ge [sflag:s31], $0x4000  }
0xb6: {  	[sflag:s31] =	ssyncset.done $0x0  }
0xb7: {  	[sflag:s31] =	ssyncadd.s32 $0xFFFFC000  }
0xb8: {  	_ =	swait.ge [sflag:s31], $0x4000  }
0xb9: {  	[sflag:s31] =	ssyncset.done $0x0  }
0xba: {  	[sflag:s31] =	ssyncadd.s32 $0xFFFFC000  }
0xbb: {  	v3 =	vld [tilespmem:$0x20];
	_ =	sdelay $0x4  }
0xbc: {  	v4 =	vshll.u32 v3, $0x3  }
0xbd: {  	v3 =	vand.u32 $0x7, v3;
	v4 =	vand.u32 $0xFFFFFFC0, v4  }
0xbe: {  	v3 =	vor.u32 v3, v4  }
0xbf: {  	v4 =	vperm.xlane v3, v0;
	_ =	sdelay $0x1  }
0xc0: {  	v4 =	vadd.s32 v1, v4;
	_ =	sdelay $0x3  }
0xc1: {  	s5 =	simm.s32 $0x4100  }
0xc2: {  	[tilespmem:s5], [sflag:$0x2] =	stream.indirect_vreg.gather [hbm4b:s3+s18], $0x80, v4, vm0, $0xb8;
	[tilespmem:$0x1C100] =	vst v63  }
0xc3: {  	s6 =	simm.s32 $0x4900;
	v3 =	vperm.xlane v3, v2  }
0xc4: {  	[tilespmem:s6], [sflag:$0x2] =	stream.indirect_vreg.gather [hbm4b:s8+s18], $0x80, v4, vm0, $0xb8;
	[tilespmem:$0x1C100] =	vst v63  }
0xc5: {  	s7 =	simm.s32 $0x5100;
	v3 =	vadd.s32 v1, v3  }
0xc6: {  	[tilespmem:s7], [sflag:$0x2] =	stream.indirect_vreg.gather [hbm4b:s9+s18], $0x80, v4, vm0, $0xb8;
	[tilespmem:$0x1C100] =	vst v63  }
0xc7: {  	s20 =	simm.s32 $0x5900  }
0xc8: {  	[tilespmem:s20], [sflag:$0x2] =	stream.indirect_vreg.gather [hbm4b:s11+s18], $0x80, v4, vm0, $0xb8;
	[tilespmem:$0x1C100] =	vst v63  }
0xc9: {  	s21 =	simm.s32 $0x6100  }
0xca: {  	[tilespmem:s21], [sflag:$0x2] =	stream.indirect_vreg.gather [hbm4b:s3+s18], $0x80, v3, vm0, $0xb8;
	[tilespmem:$0x1C100] =	vst v63  }
0xcb: {  	s22 =	simm.s32 $0x6900  }
0xcc: {  	[tilespmem:s22], [sflag:$0x2] =	stream.indirect_vreg.gather [hbm4b:s8+s18], $0x80, v3, vm0, $0xb8;
	[tilespmem:$0x1C100] =	vst v63  }
0xcd: {  	s6 =	simm.s32 $0x7100  }
0xce: {  	[tilespmem:s6], [sflag:$0x2] =	stream.indirect_vreg.gather [hbm4b:s9+s18], $0x80, v3, vm0, $0xb8;
	[tilespmem:$0x1C100] =	vst v63  }
0xcf: {  	s7 =	simm.s32 $0x7900  }
0xd0: {  	[tilespmem:s7], [sflag:$0x2] =	stream.indirect_vreg.gather [hbm4b:s11+s18], $0x80, v3, vm0, $0xb8;
	[tilespmem:$0x1C100] =	vst v63  }
0xd1: {  	v3 =	vld [tilespmem:$0xA0];
	_ =	sdelay $0x4  }
0xd2: {  	v63 =	vshll.u32 v3, $0x3  }
0xd3: {  	v3 =	vand.u32 $0x7, v3;
	v4 =	vand.u32 $0xFFFFFFC0, v63  }
0xd4: {  	v3 =	vor.u32 v3, v4  }
0xd5: {  	v4 =	vperm.xlane v3, v0;
	_ =	sdelay $0x1  }
0xd6: {  	v4 =	vadd.s32 v1, v4;
	_ =	sdelay $0x3  }
0xd7: {  	s20 =	simm.s32 $0xC100  }
0xd8: {  	[tilespmem:s20], [sflag:$0x2] =	stream.indirect_vreg.gather [hbm4b:s3+s18], $0x80, v4, vm0, $0xb8;
	[tilespmem:$0x1C100] =	vst v63  }
0xd9: {  	s21 =	simm.s32 $0xC900;
	v3 =	vperm.xlane v3, v2  }
0xda: {  	[tilespmem:s21], [sflag:$0x2] =	stream.indirect_vreg.gather [hbm4b:s8+s18], $0x80, v4, vm0, $0xb8;
	[tilespmem:$0x1C100] =	vst v63  }
0xdb: {  	s22 =	simm.s32 $0xD100;
	v3 =	vadd.s32 v1, v3  }
0xdc: {  	[tilespmem:s22], [sflag:$0x2] =	stream.indirect_vreg.gather [hbm4b:s9+s18], $0x80, v4, vm0, $0xb8;
	[tilespmem:$0x1C100] =	vst v63  }
0xdd: {  	s6 =	simm.s32 $0xD900  }
0xde: {  	[tilespmem:s6], [sflag:$0x2] =	stream.indirect_vreg.gather [hbm4b:s11+s18], $0x80, v4, vm0, $0xb8;
	[tilespmem:$0x1C100] =	vst v63  }
0xdf: {  	s7 =	simm.s32 $0xE100  }
0xe0: {  	[tilespmem:s7], [sflag:$0x2] =	stream.indirect_vreg.gather [hbm4b:s3+s18], $0x80, v3, vm0, $0xb8;
	[tilespmem:$0x1C100] =	vst v63  }
0xe1: {  	s20 =	simm.s32 $0xE900  }
0xe2: {  	[tilespmem:s20], [sflag:$0x2] =	stream.indirect_vreg.gather [hbm4b:s8+s18], $0x80, v3, vm0, $0xb8;
	[tilespmem:$0x1C100] =	vst v63  }
0xe3: {  	s21 =	simm.s32 $0xF100  }
0xe4: {  	[tilespmem:s21], [sflag:$0x2] =	stream.indirect_vreg.gather [hbm4b:s9+s18], $0x80, v3, vm0, $0xb8;
	[tilespmem:$0x1C100] =	vst v63  }
0xe5: {  	s5 =	simm.s32 $0x0;
	s22 =	simm.s32 $0xF900;
	s6 =	simm.s32 $0x0  }
0xe6: {  	[tilespmem:s22], [sflag:$0x2] =	stream.indirect_vreg.gather [hbm4b:s11+s18], $0x80, v3, vm0, $0xb8;
	[tilespmem:$0x1C100] =	vst v63  }
.LBB2_6:
0xe7: {  	s7 =	sshll.u32 s5, $0x2;
	s20 =	sand.u32 $0x7, s18  }
0xe8: {  	s7 =	sand.u32 $0xFFFF8000, s7;
	s20 =	sshll.u32 s20, $0x9  }
0xe9: {  	s21 =	sshll.u32 s6, $0x7;
	s7 =	sor.u32 s20, s7  }
0xea: {  	v3 =	vld [tilespmem:s21+$0x900];
	s7 =	sshrl.u32 s7, $0x2  }
0xeb: {  	v4 =	vld [tilespmem:s21+$0x2900];
	s22 =	sadd.s32 $0x8140, s7  }
0xec: {  	s20 =	sadd.s32 $0x10140, s7;
	v5 =	vld [tilespmem:s22+$0x30]  }
0xed: {  	v6 =	vld [tilespmem:s20+$0x30]  }
0xee: {  	v8 =	vld [tilespmem:s20+$0xFFFFFFC0]  }
0xef: {  	v7 =	vld [tilespmem:s22+$0xFFFFFFD0]  }
0xf0: {  	v9 =	vld [tilespmem:s20+$0xFFFFFFD0]  }
0xf1: {  	v10 =	vld [tilespmem:s22+$0xFFFFFFE0]  }
0xf2: {  	v11 =	vld [tilespmem:s20+$0xFFFFFFE0]  }
0xf3: {  	v12 =	vld [tilespmem:s22+$0xFFFFFFF0]  }
0xf4: {  	v13 =	vld [tilespmem:s20+$0xFFFFFFF0]  }
0xf5: {  	v14 =	vld [tilespmem:s22+$0x0];
	v5 =	vmul.f32 v5, v3;
	v6 =	vmul.f32 v6, v4  }
0xf6: {  	v16 =	vld [tilespmem:s20+$0x0];
	v15 =	vmul.f32 v7, v3;
	v9 =	vmul.f32 v9, v4  }
0xf7: {  	v10 =	vmul.f32 v10, v3;
	v11 =	vmul.f32 v11, v4;
	v7 =	vld [tilespmem:s22+$0x10];
	v5 =	vadd.f32 v6, v5  }
0xf8: {  	s7 =	sadd.s32 $0x18140, s7;
	v15 =	vadd.f32 v9, v15;
	v6 =	vld [tilespmem:s20+$0x10]  }
0xf9: {  	v12 =	vmul.f32 v12, v3;
	v13 =	vmul.f32 v13, v4;
	v17 =	vadd.f32 v11, v10;
	v9 =	vld [tilespmem:s22+$0x20];
	[tilespmem:s7+$0x30] =	vst v5  }
0xfa: {  	v10 =	vld [tilespmem:s20+$0x20];
	v11 =	vmul.f32 v14, v3;
	[tilespmem:s7+$0xFFFFFFD0] =	vst v15  }
0xfb: {  	s21 =	simm.s32 $0x0;
	v12 =	vadd.f32 v13, v12;
	v13 =	vmul.f32 v16, v4;
	v5 =	vmul.f32 v8, v4;
	v8 =	vld [tilespmem:s22+$0xFFFFFFC0];
	[tilespmem:s7+$0xFFFFFFE0] =	vst v17;
	s22 =	sadd.s32 $0x400, s22  }
.LBB2_7:
0xfc: {  	v14 =	vld [tilespmem:s22+$0x30];
	v7 =	vmul.f32 v7, v3;
	s20 =	sadd.s32 $0x400, s20  }
0xfd: {  	s21 =	sadd.s32 $0x80, s21;
	v15 =	vld [tilespmem:s20+$0x30];
	[tilespmem:s7+$0xFFFFFFF0] =	vst v12;
	v11 =	vadd.f32 v13, v11;
	v6 =	vmul.f32 v6, v4  }
0xfe: {  	p0 =	slt.u32 s21, $0x380;
	v12 =	vld [tilespmem:s20+$0xFFFFFFC0];
	v9 =	vmul.f32 v9, v3  }
0xff: {  	v13 =	vld [tilespmem:s22+$0xFFFFFFD0];
	[tilespmem:s7+$0x0] =	vst v11;
	v6 =	vadd.f32 v6, v7;
	v7 =	vmul.f32 v10, v4  }
0x100: {  	v10 =	vld [tilespmem:s20+$0xFFFFFFD0];
	v8 =	vmul.f32 v8, v3  }
0x101: {  	v11 =	vld [tilespmem:s22+$0xFFFFFFE0];
	[tilespmem:s7+$0x10] =	vst v6;
	v6 =	vadd.f32 v7, v9  }
0x102: {  	v9 =	vmul.f32 v14, v3;
	v7 =	vld [tilespmem:s20+$0xFFFFFFE0];
	v14 =	vmul.f32 v15, v4;
	v8 =	vadd.f32 v5, v8  }
0x103: {  	v5 =	vmul.f32 v12, v4;
	v12 =	vld [tilespmem:s22+$0xFFFFFFF0];
	[tilespmem:s7+$0x20] =	vst v6  }
0x104: {  	v6 =	vmul.f32 v13, v3;
	v13 =	vld [tilespmem:s20+$0xFFFFFFF0];
	v9 =	vadd.f32 v14, v9;
	[tilespmem:s7+$0xFFFFFFC0] =	vst v8  }
0x105: {  	s7 =	sadd.s32 $0x400, s7;
	v8 =	vmul.f32 v10, v4;
	v10 =	vld [tilespmem:s22+$0x0]  }
0x106: {  	v11 =	vmul.f32 v11, v3;
	v14 =	vld [tilespmem:s20+$0x0];
	[tilespmem:s7+$0x30] =	vst v9  }
.Ltmp2:
0x107: {  	v8 =	vadd.f32 v8, v6;
	v9 =	vmul.f32 v7, v4;
	v7 =	vld [tilespmem:s22+$0x10];
	(pc) =	sbr.rel @p0 .LBB2_7-.Ltmp2, $4  }
0x108: {  	v12 =	vmul.f32 v12, v3;
	v6 =	vld [tilespmem:s20+$0x10]  }
0x109: {  	[tilespmem:s7+$0xFFFFFFD0] =	vst v8;
	v15 =	vadd.f32 v9, v11;
	v13 =	vmul.f32 v13, v4;
	v9 =	vld [tilespmem:s22+$0x20]  }
0x10a: {  	v11 =	vmul.f32 v10, v3;
	v10 =	vld [tilespmem:s20+$0x20]  }
0x10b: {  	v8 =	vld [tilespmem:s22+$0xFFFFFFC0];
	[tilespmem:s7+$0xFFFFFFE0] =	vst v15;
	v12 =	vadd.f32 v13, v12;
	v13 =	vmul.f32 v14, v4;
	s22 =	sadd.s32 $0x400, s22  }
0x10c: {  	_ =	sdelay $0x1  }
0x10d: {  	v7 =	vmul.f32 v7, v3;
	s6 =	sadd.s32 $0x1, s6;
	v6 =	vmul.f32 v6, v4  }
0x10e: {  	v11 =	vadd.f32 v13, v11;
	p0 =	sne.s32 s6, $0x10;
	v9 =	vmul.f32 v9, v3;
	v63 =	vmul.f32 v10, v4  }
.Ltmp3:
0x10f: {  	[tilespmem:s7+$0xFFFFFFF0] =	vst v12;
	v6 =	vadd.f32 v6, v7;
	v3 =	vmul.f32 v8, v3;
	(pc) =	sbr.rel @p0 .LBB2_6-.Ltmp3, $4  }
0x110: {  	[tilespmem:s7+$0x0] =	vst v11;
	v4 =	vadd.f32 v63, v9  }
0x111: {  	[tilespmem:s7+$0x10] =	vst v6;
	v3 =	vadd.f32 v5, v3  }
0x112: {  	[tilespmem:s7+$0x20] =	vst v4  }
0x113: {  	s5 =	sadd.s32 $0x400, s5;
	s18 =	sadd.s32 $0x1, s18;
	[tilespmem:s7+$0xFFFFFFC0] =	vst v3  }
0x114: {  	s18 =	simm.s32 $0x0;
	s5 =	rddreg [dreg:$0x7]  }
0x115: {  	[hbm4b:s5+s18] =	stream.linear.scatter [tilespmem:s0], [sflag:$0x5], $0x4000, $0x38;
	[tilespmem:$0x1C100] =	vst v63  }
0x116: {  	_ =	swait.ge [sflag:s4], $0x4000  }
0x117: {  	[sflag:s4] =	ssyncset.done $0x0  }
0x118: {  	[sflag:s4] =	ssyncadd.s32 $0xFFFFC000  }
0x119: {  	_ =	swait.ge [sflag:s4], $0x4000  }
0x11a: {  	[sflag:s4] =	ssyncset.done $0x0  }
0x11b: {  	[sflag:s4] =	ssyncadd.s32 $0xFFFFC000  }
0x11c: {  	v3 =	vld [tilespmem:$0x30];
	_ =	sdelay $0x4  }
0x11d: {  	v4 =	vshll.u32 v3, $0x3  }
0x11e: {  	v3 =	vand.u32 $0x7, v3;
	v4 =	vand.u32 $0xFFFFFFC0, v4  }
0x11f: {  	v3 =	vor.u32 v3, v4  }
0x120: {  	v4 =	vperm.xlane v3, v0;
	_ =	sdelay $0x1  }
0x121: {  	v4 =	vadd.s32 v1, v4;
	_ =	sdelay $0x3  }
0x122: {  	s22 =	simm.s32 $0x8100  }
0x123: {  	[tilespmem:s22], [sflag:$0x3] =	stream.indirect_vreg.gather [hbm4b:s3+s18], $0x80, v4, vm0, $0xb8;
	[tilespmem:$0x1C100] =	vst v63  }
0x124: {  	s6 =	simm.s32 $0x8900;
	v3 =	vperm.xlane v3, v2  }
0x125: {  	[tilespmem:s6], [sflag:$0x3] =	stream.indirect_vreg.gather [hbm4b:s8+s18], $0x80, v4, vm0, $0xb8;
	[tilespmem:$0x1C100] =	vst v63  }
0x126: {  	s7 =	simm.s32 $0x9100;
	v3 =	vadd.s32 v1, v3  }
0x127: {  	[tilespmem:s7], [sflag:$0x3] =	stream.indirect_vreg.gather [hbm4b:s9+s18], $0x80, v4, vm0, $0xb8;
	[tilespmem:$0x1C100] =	vst v63  }
0x128: {  	s20 =	simm.s32 $0x9900  }
0x129: {  	[tilespmem:s20], [sflag:$0x3] =	stream.indirect_vreg.gather [hbm4b:s11+s18], $0x80, v4, vm0, $0xb8;
	[tilespmem:$0x1C100] =	vst v63  }
0x12a: {  	s21 =	simm.s32 $0xA100  }
0x12b: {  	[tilespmem:s21], [sflag:$0x3] =	stream.indirect_vreg.gather [hbm4b:s3+s18], $0x80, v3, vm0, $0xb8;
	[tilespmem:$0x1C100] =	vst v63  }
0x12c: {  	s22 =	simm.s32 $0xA900  }
0x12d: {  	[tilespmem:s22], [sflag:$0x3] =	stream.indirect_vreg.gather [hbm4b:s8+s18], $0x80, v3, vm0, $0xb8;
	[tilespmem:$0x1C100] =	vst v63  }
0x12e: {  	_ = 	snop  }
0x12f: {  	[tilespmem:s23], [sflag:$0x3] =	stream.indirect_vreg.gather [hbm4b:s9+s18], $0x80, v3, vm0, $0xb8;
	[tilespmem:$0x1C100] =	vst v63  }
0x130: {  	_ = 	snop  }
0x131: {  	[tilespmem:s24], [sflag:$0x3] =	stream.indirect_vreg.gather [hbm4b:s11+s18], $0x80, v3, vm0, $0xb8;
	[tilespmem:$0x1C100] =	vst v63  }
0x132: {  	v3 =	vld [tilespmem:$0xB0];
	_ =	sdelay $0x4  }
0x133: {  	v63 =	vshll.u32 v3, $0x3  }
0x134: {  	v3 =	vand.u32 $0x7, v3;
	v4 =	vand.u32 $0xFFFFFFC0, v63  }
0x135: {  	v3 =	vor.u32 v3, v4  }
0x136: {  	v4 =	vperm.xlane v3, v0;
	_ =	sdelay $0x1  }
0x137: {  	v4 =	vadd.s32 v1, v4;
	_ =	sdelay $0x4  }
0x138: {  	[tilespmem:s25], [sflag:$0x3] =	stream.indirect_vreg.gather [hbm4b:s3+s18], $0x80, v4, vm0, $0xb8;
	[tilespmem:$0x1C100] =	vst v63  }
0x139: {  	v3 =	vperm.xlane v3, v2  }
0x13a: {  	[tilespmem:s12], [sflag:$0x3] =	stream.indirect_vreg.gather [hbm4b:s8+s18], $0x80, v4, vm0, $0xb8;
	[tilespmem:$0x1C100] =	vst v63  }
0x13b: {  	v3 =	vadd.s32 v1, v3  }
0x13c: {  	[tilespmem:s13], [sflag:$0x3] =	stream.indirect_vreg.gather [hbm4b:s9+s18], $0x80, v4, vm0, $0xb8;
	[tilespmem:$0x1C100] =	vst v63  }
0x13d: {  	_ = 	snop  }
0x13e: {  	[tilespmem:s26], [sflag:$0x3] =	stream.indirect_vreg.gather [hbm4b:s11+s18], $0x80, v4, vm0, $0xb8;
	[tilespmem:$0x1C100] =	vst v63  }
0x13f: {  	_ = 	snop  }
0x140: {  	[tilespmem:s14], [sflag:$0x3] =	stream.indirect_vreg.gather [hbm4b:s3+s18], $0x80, v3, vm0, $0xb8;
	[tilespmem:$0x1C100] =	vst v63  }
0x141: {  	_ = 	snop  }
0x142: {  	[tilespmem:s28], [sflag:$0x3] =	stream.indirect_vreg.gather [hbm4b:s8+s18], $0x80, v3, vm0, $0xb8;
	[tilespmem:$0x1C100] =	vst v63  }
0x143: {  	_ = 	snop  }
0x144: {  	[tilespmem:s15], [sflag:$0x3] =	stream.indirect_vreg.gather [hbm4b:s9+s18], $0x80, v3, vm0, $0xb8;
	[tilespmem:$0x1C100] =	vst v63  }
0x145: {  	_ = 	snop  }
0x146: {  	[tilespmem:s29], [sflag:$0x3] =	stream.indirect_vreg.gather [hbm4b:s11+s18], $0x80, v3, vm0, $0xb8;
	[tilespmem:$0x1C100] =	vst v63  }
0x147: {  	_ =	swait.ge [sflag:s1], $0x4000  }
0x148: {  	[sflag:s1] =	ssyncset.done $0x0  }
0x149: {  	s5 =	simm.s32 $0x0;
	s6 =	simm.s32 $0x0;
	[sflag:s1] =	ssyncadd.s32 $0xFFFFC000  }
.LBB2_10:
0x14a: {  	s7 =	sshll.u32 s5, $0x2;
	s20 =	sand.u32 $0x7, s18  }
0x14b: {  	s7 =	sand.u32 $0xFFFF8000, s7;
	s20 =	sshll.u32 s20, $0x9  }
0x14c: {  	s21 =	sshll.u32 s6, $0x7;
	s7 =	sor.u32 s20, s7  }
0x14d: {  	v3 =	vld [tilespmem:s21+$0x1100];
	s7 =	sshrl.u32 s7, $0x2  }
0x14e: {  	v4 =	vld [tilespmem:s21+$0x3100];
	s22 =	sadd.s32 $0x4140, s7  }
0x14f: {  	s20 =	sadd.s32 $0xC140, s7;
	v5 =	vld [tilespmem:s22+$0x30]  }
0x150: {  	v6 =	vld [tilespmem:s20+$0x30]  }
0x151: {  	v8 =	vld [tilespmem:s20+$0xFFFFFFC0]  }
0x152: {  	v7 =	vld [tilespmem:s22+$0xFFFFFFD0]  }
0x153: {  	v9 =	vld [tilespmem:s20+$0xFFFFFFD0]  }
0x154: {  	v10 =	vld [tilespmem:s22+$0xFFFFFFE0]  }
0x155: {  	v11 =	vld [tilespmem:s20+$0xFFFFFFE0]  }
0x156: {  	v12 =	vld [tilespmem:s22+$0xFFFFFFF0]  }
0x157: {  	v13 =	vld [tilespmem:s20+$0xFFFFFFF0]  }
0x158: {  	v14 =	vld [tilespmem:s22+$0x0];
	v5 =	vmul.f32 v5, v3;
	v6 =	vmul.f32 v6, v4  }
0x159: {  	v16 =	vld [tilespmem:s20+$0x0];
	v15 =	vmul.f32 v7, v3;
	v9 =	vmul.f32 v9, v4  }
0x15a: {  	v10 =	vmul.f32 v10, v3;
	v11 =	vmul.f32 v11, v4;
	v7 =	vld [tilespmem:s22+$0x10];
	v5 =	vadd.f32 v6, v5  }
0x15b: {  	s7 =	sadd.s32 $0x14140, s7;
	v15 =	vadd.f32 v9, v15;
	v6 =	vld [tilespmem:s20+$0x10]  }
0x15c: {  	v12 =	vmul.f32 v12, v3;
	v13 =	vmul.f32 v13, v4;
	v17 =	vadd.f32 v11, v10;
	v9 =	vld [tilespmem:s22+$0x20];
	[tilespmem:s7+$0x30] =	vst v5  }
0x15d: {  	v10 =	vld [tilespmem:s20+$0x20];
	v11 =	vmul.f32 v14, v3;
	[tilespmem:s7+$0xFFFFFFD0] =	vst v15  }
0x15e: {  	s21 =	simm.s32 $0x0;
	v12 =	vadd.f32 v13, v12;
	v13 =	vmul.f32 v16, v4;
	v5 =	vmul.f32 v8, v4;
	v8 =	vld [tilespmem:s22+$0xFFFFFFC0];
	[tilespmem:s7+$0xFFFFFFE0] =	vst v17;
	s22 =	sadd.s32 $0x400, s22  }
.LBB2_11:
0x15f: {  	v14 =	vld [tilespmem:s22+$0x30];
	v7 =	vmul.f32 v7, v3;
	s20 =	sadd.s32 $0x400, s20  }
0x160: {  	s21 =	sadd.s32 $0x80, s21;
	v15 =	vld [tilespmem:s20+$0x30];
	[tilespmem:s7+$0xFFFFFFF0] =	vst v12;
	v11 =	vadd.f32 v13, v11;
	v6 =	vmul.f32 v6, v4  }
0x161: {  	p0 =	slt.u32 s21, $0x380;
	v12 =	vld [tilespmem:s20+$0xFFFFFFC0];
	v9 =	vmul.f32 v9, v3  }
0x162: {  	v13 =	vld [tilespmem:s22+$0xFFFFFFD0];
	[tilespmem:s7+$0x0] =	vst v11;
	v6 =	vadd.f32 v6, v7;
	v7 =	vmul.f32 v10, v4  }
0x163: {  	v10 =	vld [tilespmem:s20+$0xFFFFFFD0];
	v8 =	vmul.f32 v8, v3  }
0x164: {  	v11 =	vld [tilespmem:s22+$0xFFFFFFE0];
	[tilespmem:s7+$0x10] =	vst v6;
	v6 =	vadd.f32 v7, v9  }
0x165: {  	v9 =	vmul.f32 v14, v3;
	v7 =	vld [tilespmem:s20+$0xFFFFFFE0];
	v14 =	vmul.f32 v15, v4;
	v8 =	vadd.f32 v5, v8  }
0x166: {  	v5 =	vmul.f32 v12, v4;
	v12 =	vld [tilespmem:s22+$0xFFFFFFF0];
	[tilespmem:s7+$0x20] =	vst v6  }
0x167: {  	v6 =	vmul.f32 v13, v3;
	v13 =	vld [tilespmem:s20+$0xFFFFFFF0];
	v9 =	vadd.f32 v14, v9;
	[tilespmem:s7+$0xFFFFFFC0] =	vst v8  }
0x168: {  	s7 =	sadd.s32 $0x400, s7;
	v8 =	vmul.f32 v10, v4;
	v10 =	vld [tilespmem:s22+$0x0]  }
0x169: {  	v11 =	vmul.f32 v11, v3;
	v14 =	vld [tilespmem:s20+$0x0];
	[tilespmem:s7+$0x30] =	vst v9  }
.Ltmp4:
0x16a: {  	v8 =	vadd.f32 v8, v6;
	v9 =	vmul.f32 v7, v4;
	v7 =	vld [tilespmem:s22+$0x10];
	(pc) =	sbr.rel @p0 .LBB2_11-.Ltmp4, $4  }
0x16b: {  	v12 =	vmul.f32 v12, v3;
	v6 =	vld [tilespmem:s20+$0x10]  }
0x16c: {  	[tilespmem:s7+$0xFFFFFFD0] =	vst v8;
	v15 =	vadd.f32 v9, v11;
	v13 =	vmul.f32 v13, v4;
	v9 =	vld [tilespmem:s22+$0x20]  }
0x16d: {  	v11 =	vmul.f32 v10, v3;
	v10 =	vld [tilespmem:s20+$0x20]  }
0x16e: {  	v8 =	vld [tilespmem:s22+$0xFFFFFFC0];
	[tilespmem:s7+$0xFFFFFFE0] =	vst v15;
	v12 =	vadd.f32 v13, v12;
	v13 =	vmul.f32 v14, v4;
	s22 =	sadd.s32 $0x400, s22  }
0x16f: {  	_ =	sdelay $0x1  }
0x170: {  	v7 =	vmul.f32 v7, v3;
	s6 =	sadd.s32 $0x1, s6;
	v6 =	vmul.f32 v6, v4  }
0x171: {  	v11 =	vadd.f32 v13, v11;
	p0 =	sne.s32 s6, $0x10;
	v9 =	vmul.f32 v9, v3;
	v63 =	vmul.f32 v10, v4  }
.Ltmp5:
0x172: {  	[tilespmem:s7+$0xFFFFFFF0] =	vst v12;
	v6 =	vadd.f32 v6, v7;
	v3 =	vmul.f32 v8, v3;
	(pc) =	sbr.rel @p0 .LBB2_10-.Ltmp5, $4  }
0x173: {  	[tilespmem:s7+$0x0] =	vst v11;
	v4 =	vadd.f32 v63, v9  }
0x174: {  	[tilespmem:s7+$0x10] =	vst v6;
	v3 =	vadd.f32 v5, v3  }
0x175: {  	[tilespmem:s7+$0x20] =	vst v4  }
0x176: {  	s5 =	sadd.s32 $0x400, s5;
	s18 =	sadd.s32 $0x1, s18;
	[tilespmem:s7+$0xFFFFFFC0] =	vst v3  }
0x177: {  	s18 =	simm.s32 $0x0;
	s5 =	rddreg [dreg:$0x8]  }
0x178: {  	[hbm4b:s5+s18] =	stream.linear.scatter [tilespmem:s30], [sflag:$0x4], $0x4000, $0x38;
	[tilespmem:$0x1C100] =	vst v63  }
0x179: {  	_ =	swait.ge [sflag:s31], $0x4000  }
0x17a: {  	[sflag:s31] =	ssyncset.done $0x0  }
0x17b: {  	[sflag:s31] =	ssyncadd.s32 $0xFFFFC000  }
0x17c: {  	_ =	swait.ge [sflag:s31], $0x4000  }
0x17d: {  	[sflag:s31] =	ssyncset.done $0x0  }
0x17e: {  	[sflag:s31] =	ssyncadd.s32 $0xFFFFC000  }
0x17f: {  	_ =	swait.ge [sflag:s16], $0x4000  }
0x180: {  	[sflag:s16] =	ssyncset.done $0x0  }
0x181: {  	s6 =	simm.s32 $0x0;
	s5 =	simm.s32 $0x0;
	[sflag:s16] =	ssyncadd.s32 $0xFFFFC000  }
.LBB2_14:
0x182: {  	s7 =	sshll.u32 s5, $0x2;
	s20 =	sand.u32 $0x7, s18  }
0x183: {  	s7 =	sand.u32 $0xFFFF8000, s7;
	s20 =	sshll.u32 s20, $0x9  }
0x184: {  	s21 =	sshll.u32 s6, $0x7;
	s7 =	sor.u32 s20, s7  }
0x185: {  	v3 =	vld [tilespmem:s21+$0x1900];
	s7 =	sshrl.u32 s7, $0x2  }
0x186: {  	v4 =	vld [tilespmem:s21+$0x3900];
	s22 =	sadd.s32 $0x8140, s7  }
0x187: {  	s20 =	sadd.s32 $0x10140, s7;
	v5 =	vld [tilespmem:s22+$0x30]  }
0x188: {  	v6 =	vld [tilespmem:s20+$0x30]  }
0x189: {  	v8 =	vld [tilespmem:s20+$0xFFFFFFC0]  }
0x18a: {  	v7 =	vld [tilespmem:s22+$0xFFFFFFD0]  }
0x18b: {  	v9 =	vld [tilespmem:s20+$0xFFFFFFD0]  }
0x18c: {  	v10 =	vld [tilespmem:s22+$0xFFFFFFE0]  }
0x18d: {  	v11 =	vld [tilespmem:s20+$0xFFFFFFE0]  }
0x18e: {  	v12 =	vld [tilespmem:s22+$0xFFFFFFF0]  }
0x18f: {  	v13 =	vld [tilespmem:s20+$0xFFFFFFF0]  }
0x190: {  	v14 =	vld [tilespmem:s22+$0x0];
	v5 =	vmul.f32 v5, v3;
	v6 =	vmul.f32 v6, v4  }
0x191: {  	v16 =	vld [tilespmem:s20+$0x0];
	v15 =	vmul.f32 v7, v3;
	v9 =	vmul.f32 v9, v4  }
0x192: {  	v10 =	vmul.f32 v10, v3;
	v11 =	vmul.f32 v11, v4;
	v7 =	vld [tilespmem:s22+$0x10];
	v5 =	vadd.f32 v6, v5  }
0x193: {  	s7 =	sadd.s32 $0x18140, s7;
	v15 =	vadd.f32 v9, v15;
	v6 =	vld [tilespmem:s20+$0x10]  }
0x194: {  	v12 =	vmul.f32 v12, v3;
	v13 =	vmul.f32 v13, v4;
	v17 =	vadd.f32 v11, v10;
	v9 =	vld [tilespmem:s22+$0x20];
	[tilespmem:s7+$0x30] =	vst v5  }
0x195: {  	v10 =	vld [tilespmem:s20+$0x20];
	v11 =	vmul.f32 v14, v3;
	[tilespmem:s7+$0xFFFFFFD0] =	vst v15  }
0x196: {  	s21 =	simm.s32 $0x0;
	v12 =	vadd.f32 v13, v12;
	v13 =	vmul.f32 v16, v4;
	v5 =	vmul.f32 v8, v4;
	v8 =	vld [tilespmem:s22+$0xFFFFFFC0];
	[tilespmem:s7+$0xFFFFFFE0] =	vst v17;
	s22 =	sadd.s32 $0x400, s22  }
.LBB2_15:
0x197: {  	v14 =	vld [tilespmem:s22+$0x30];
	v7 =	vmul.f32 v7, v3;
	s20 =	sadd.s32 $0x400, s20  }
0x198: {  	s21 =	sadd.s32 $0x80, s21;
	v15 =	vld [tilespmem:s20+$0x30];
	[tilespmem:s7+$0xFFFFFFF0] =	vst v12;
	v11 =	vadd.f32 v13, v11;
	v6 =	vmul.f32 v6, v4  }
0x199: {  	p0 =	slt.u32 s21, $0x380;
	v12 =	vld [tilespmem:s20+$0xFFFFFFC0];
	v9 =	vmul.f32 v9, v3  }
0x19a: {  	v13 =	vld [tilespmem:s22+$0xFFFFFFD0];
	[tilespmem:s7+$0x0] =	vst v11;
	v6 =	vadd.f32 v6, v7;
	v7 =	vmul.f32 v10, v4  }
0x19b: {  	v10 =	vld [tilespmem:s20+$0xFFFFFFD0];
	v8 =	vmul.f32 v8, v3  }
0x19c: {  	v11 =	vld [tilespmem:s22+$0xFFFFFFE0];
	[tilespmem:s7+$0x10] =	vst v6;
	v6 =	vadd.f32 v7, v9  }
0x19d: {  	v9 =	vmul.f32 v14, v3;
	v7 =	vld [tilespmem:s20+$0xFFFFFFE0];
	v14 =	vmul.f32 v15, v4;
	v8 =	vadd.f32 v5, v8  }
0x19e: {  	v5 =	vmul.f32 v12, v4;
	v12 =	vld [tilespmem:s22+$0xFFFFFFF0];
	[tilespmem:s7+$0x20] =	vst v6  }
0x19f: {  	v6 =	vmul.f32 v13, v3;
	v13 =	vld [tilespmem:s20+$0xFFFFFFF0];
	v9 =	vadd.f32 v14, v9;
	[tilespmem:s7+$0xFFFFFFC0] =	vst v8  }
0x1a0: {  	s7 =	sadd.s32 $0x400, s7;
	v8 =	vmul.f32 v10, v4;
	v10 =	vld [tilespmem:s22+$0x0]  }
0x1a1: {  	v11 =	vmul.f32 v11, v3;
	v14 =	vld [tilespmem:s20+$0x0];
	[tilespmem:s7+$0x30] =	vst v9  }
.Ltmp6:
0x1a2: {  	v8 =	vadd.f32 v8, v6;
	v9 =	vmul.f32 v7, v4;
	v7 =	vld [tilespmem:s22+$0x10];
	(pc) =	sbr.rel @p0 .LBB2_15-.Ltmp6, $4  }
0x1a3: {  	v12 =	vmul.f32 v12, v3;
	v6 =	vld [tilespmem:s20+$0x10]  }
0x1a4: {  	[tilespmem:s7+$0xFFFFFFD0] =	vst v8;
	v15 =	vadd.f32 v9, v11;
	v13 =	vmul.f32 v13, v4;
	v9 =	vld [tilespmem:s22+$0x20]  }
0x1a5: {  	v11 =	vmul.f32 v10, v3;
	v10 =	vld [tilespmem:s20+$0x20]  }
0x1a6: {  	v8 =	vld [tilespmem:s22+$0xFFFFFFC0];
	[tilespmem:s7+$0xFFFFFFE0] =	vst v15;
	v12 =	vadd.f32 v13, v12;
	v13 =	vmul.f32 v14, v4;
	s22 =	sadd.s32 $0x400, s22  }
0x1a7: {  	_ =	sdelay $0x1  }
0x1a8: {  	v7 =	vmul.f32 v7, v3;
	s6 =	sadd.s32 $0x1, s6;
	v6 =	vmul.f32 v6, v4  }
0x1a9: {  	v11 =	vadd.f32 v13, v11;
	p0 =	sne.s32 s6, $0x10;
	v9 =	vmul.f32 v9, v3;
	v63 =	vmul.f32 v10, v4  }
.Ltmp7:
0x1aa: {  	[tilespmem:s7+$0xFFFFFFF0] =	vst v12;
	v6 =	vadd.f32 v6, v7;
	v3 =	vmul.f32 v8, v3;
	(pc) =	sbr.rel @p0 .LBB2_14-.Ltmp7, $4  }
0x1ab: {  	[tilespmem:s7+$0x0] =	vst v11;
	v4 =	vadd.f32 v63, v9  }
0x1ac: {  	[tilespmem:s7+$0x10] =	vst v6;
	v3 =	vadd.f32 v5, v3  }
0x1ad: {  	[tilespmem:s7+$0x20] =	vst v4  }
0x1ae: {  	s5 =	sadd.s32 $0x400, s5;
	s18 =	sadd.s32 $0x1, s18;
	[tilespmem:s7+$0xFFFFFFC0] =	vst v3  }
0x1af: {  	s5 =	rddreg [dreg:$0x9]  }
0x1b0: {  	[hbm4b:s5+s2] =	stream.linear.scatter [tilespmem:s0], [sflag:$0x5], $0x4000, $0x38;
	[tilespmem:$0x1C100] =	vst v63  }
0x1b1: {  	_ =	swait.ge [sflag:s1], $0x4000  }
0x1b2: {  	[sflag:s1] =	ssyncset.done $0x0  }
0x1b3: {  	[sflag:s1] =	ssyncadd.s32 $0xFFFFC000  }
0x1b4: {  	_ =	swait.ge [sflag:s16], $0x4000  }
0x1b5: {  	s17 =	sadd.s32 $0x1, s17;
	s22 =	rddreg [dreg:$0xa]  }
0x1b6: {  	p0 =	sne.s32 s17, s22  }
.Ltmp8:
0x1b7: {  	_ = 	snop;
	(pc) =	sbr.rel @p0 .LBB2_1-.Ltmp8, $3  }
0x1b8: {  	_ =	sdelay $0x1  }
0x1b9: {  	[sflag:s16] =	ssyncset.done $0x0  }
0x1ba: {  	[sflag:s16] =	ssyncadd.s32 $0xFFFFC000  }
0x1bb: {  	_ =	sfence.sel $0x180000  }
0x1bc: {  	[bflag:$0x0] =	sbarrier.arrive $0xFFFF  }
0x1bd: {  	_ =	strace $0x9000004A  }
0x1be: {  	s0 =	stileid.u32;
	[bflag:$0x2] =	sbarrier.arrive $0xFFFF  }
0x1bf: {  	p0 =	sne.s32 s0, $0x0;
	s0 =	rddreg [dreg:$0x2]  }
0x1c0: {  	s0 =	sadd.s32 @!p0 $0x100000, s0  }
0x1c1: {  	[sflag:s0] =	ssyncadd.tile.s32 @!p0 $0x1;
	_ =	shalt  }
.Lfunc_end2:
_tile_overlayer_lowered:
.L_overlay_start_2:
0x1c2: {  	(tag) =	ssettag $0x2  }
0x1c3: {  	s0 =	rddreg [dreg:$0x0];
	s2 =	stileid.u32  }
0x1c4: {  	s1 =	rddreg [dreg:$0x1];
	p0 =	sne.s32 s2, $0x0  }
0x1c5: {  	s3 =	rddreg [dreg:$0x2];
	[bflag:$0x3] =	sbarrier.arrive $0xFFFF;
	s2 =	simm.s32 @!p0 $0x1C06  }
0x1c6: {  	[timem:s3], [sflag:s2] =	dma.local @!p0 [hbm:s0], s1  }
0x1c7: {  	s0 =	simm.s32 @!p0 $0x6  }
0x1c8: {  	_ =	swait.ge @!p0 [sflag:s0], s1  }
0x1c9: {  	s1 =	ssub.s32 @!p0 $0x0, s1;
	[sflag:s0] =	ssyncset.done @!p0 $0x0  }
0x1ca: {  	[sflag:s0] =	ssyncadd.s32 @!p0 s1  }
0x1cb: {  	[bflag:$0x3] =	sbarrier.arrive $0xFFFF  }
0x1cc: {  	_ =	shalt  }

</sc_bundles>
